<compile_context>
chip_gen: v7x
topology: tpu7x:2x2x1
jax: 0.10.2.dev20260603
libtpu: 0.0.44.dev20260713+nightly
codegen_flags: <defaults>
</compile_context>

<pallas_src>
import jax
import jax.numpy as jnp
from jax import lax
from jax.experimental import pallas as pl
from jax.experimental.pallas import tpu as pltpu
from jax.experimental.pallas import tpu_sc as plsc

NC = 2
NS = 16
L = 16
NW = NC * NS
B = 16384
D = 32
BPW = B // NW
SW = 16
NSW = BPW // SW
WIDS = 4
NSUB = SW // WIDS
BLK = 128


def _gmf_body(users_hbm, items_hbm, utT_hbm, itT_hbm, params_hbm, out_hbm,
              uidx_v, iidx_v, ublk_v, iblk_v, psums_v, out_v,
              params_v, sem_p, sem_a, sem_b):
    wid = lax.axis_index("s") * NC + lax.axis_index("c")
    base = wid * BPW

    pltpu.sync_copy(users_hbm.at[pl.ds(base, BPW)], uidx_v)
    pltpu.sync_copy(items_hbm.at[pl.ds(base, BPW)], iidx_v)
    cp = pltpu.async_copy(params_hbm, params_v, sem_p)
    cp.wait()

    w_lo = params_v[pl.ds(0, L)]
    w_hi = params_v[pl.ds(L, L)]
    bias = params_v[pl.ds(2 * L, L)][0]
    dlane = lax.iota(jnp.int32, L)

    sems = (sem_a, sem_b)

    def issue_sub(us, is_, sub):
        buf, sem = sub % 2, sems[sub % 2]
        for j in range(WIDS):
            ub = lax.shift_right_logical(us[sub * WIDS + j], 7)
            ib = lax.shift_right_logical(is_[sub * WIDS + j], 7)
            pltpu.async_copy(
                utT_hbm.at[:, pl.ds(pl.multiple_of(ub * BLK, BLK), BLK)],
                ublk_v.at[buf, j], sem)
            pltpu.async_copy(
                itT_hbm.at[:, pl.ds(pl.multiple_of(ib * BLK, BLK), BLK)],
                iblk_v.at[buf, j], sem)

    def drain_sub(sub):
        buf, sem = sub % 2, sems[sub % 2]
        for j in range(WIDS):
            pltpu.make_async_copy(utT_hbm.at[:, pl.ds(0, BLK)],
                                  ublk_v.at[buf, j], sem).wait()
            pltpu.make_async_copy(itT_hbm.at[:, pl.ds(0, BLK)],
                                  iblk_v.at[buf, j], sem).wait()

    def extract_sub(s, us, is_, sub):
        buf = sub % 2
        bufv = jnp.full((L,), buf, jnp.int32)
        for j in range(WIDS):
            k = s * SW + sub * WIDS + j
            jv = jnp.full((L,), j, jnp.int32)
            ucv = jnp.full((L,), lax.bitwise_and(us[sub * WIDS + j], 127), jnp.int32)
            icv = jnp.full((L,), lax.bitwise_and(is_[sub * WIDS + j], 127), jnp.int32)
            u_lo = plsc.load_gather(ublk_v, [bufv, jv, dlane, ucv])
            u_hi = plsc.load_gather(ublk_v, [bufv, jv, dlane + L, ucv])
            v_lo = plsc.load_gather(iblk_v, [bufv, jv, dlane, icv])
            v_hi = plsc.load_gather(iblk_v, [bufv, jv, dlane + L, icv])
            psum = (u_lo * v_lo) * w_lo + (u_hi * v_hi) * w_hi
            psums_v[pl.ds(k * L, L)] = psum

    def superwave(s, carry):
        uv = uidx_v[pl.ds(s * SW, SW)]
        iv = iidx_v[pl.ds(s * SW, SW)]
        us = [uv[j] for j in range(SW)]
        is_ = [iv[j] for j in range(SW)]
        issue_sub(us, is_, 0)
        issue_sub(us, is_, 1)
        for sub in range(NSUB):
            drain_sub(sub)
            extract_sub(s, us, is_, sub)
            if sub + 2 < NSUB:
                issue_sub(us, is_, sub + 2)
        return carry

    lax.fori_loop(0, NSW, superwave, 0)

    lane16 = dlane * L

    def reduce_group(g, carry):
        acc = jnp.zeros((L,), jnp.float32)
        for c in range(L):
            acc = acc + plsc.load_gather(psums_v, [g * (L * L) + lane16 + c])
        z = acc + bias
        out_v[pl.ds(g * L, L)] = 1.0 / (1.0 + jnp.exp(-z))
        return carry

    lax.fori_loop(0, BPW // L, reduce_group, 0)
    pltpu.sync_copy(out_v, out_hbm.at[pl.ds(base, BPW)])


@jax.jit
def _gmf(users, items, user_table_t, item_table_t, params):
    mesh = plsc.VectorSubcoreMesh(core_axis_name="c", subcore_axis_name="s",
                                  num_cores=NC, num_subcores=NS)
    return pl.kernel(
        _gmf_body,
        out_type=jax.ShapeDtypeStruct((B,), jnp.float32),
        mesh=mesh,
        compiler_params=pltpu.CompilerParams(needs_layout_passes=False),
        scratch_types=[
            pltpu.VMEM((BPW,), jnp.int32),
            pltpu.VMEM((BPW,), jnp.int32),
            pltpu.VMEM((2, WIDS, D, BLK), jnp.float32),
            pltpu.VMEM((2, WIDS, D, BLK), jnp.float32),
            pltpu.VMEM((BPW * L,), jnp.float32),
            pltpu.VMEM((BPW,), jnp.float32),
            pltpu.VMEM((D + L,), jnp.float32),
            pltpu.SemaphoreType.DMA,
            pltpu.SemaphoreType.DMA,
            pltpu.SemaphoreType.DMA,
        ],
    )(users, items, user_table_t, item_table_t, params)


def kernel(users, items, user_table, item_table, W, b):
    params = jnp.concatenate(
        [W.reshape(-1), b.reshape(-1),
         jnp.zeros((L - 1,), jnp.float32)]).astype(jnp.float32)
    return _gmf(users.astype(jnp.int32), items.astype(jnp.int32),
                user_table.T, item_table.T, params)

# --- scband reference (transcript-rebuilt; emitter-appended) ---
"""Pipeline reference for scband-gmf-torch-23098334118449 (READ-ONLY COPY).

The authoritative reference and input builder live on the scoring server;
editing this copy changes nothing except your own understanding.
"""

import jax, jax.numpy as jnp
import numpy as np

NUM_USERS = 1000000
NUM_ITEMS = 1000000
NUM_FACTORS = 32
BATCH = 16384

def setup_inputs(seed: int = 0) -> dict:
    key = jax.random.key(seed)
    k1, k2, k3, k4, k5, k6 = jax.random.split(key, 6)
    users = jax.random.randint(k1, (BATCH,), 0, NUM_USERS, dtype=jnp.int64 if jax.config.jax_enable_x64 else jnp.int32)
    items = jax.random.randint(k2, (BATCH,), 0, NUM_ITEMS, dtype=jnp.int64 if jax.config.jax_enable_x64 else jnp.int32)
    user_table = jax.random.normal(k3, (NUM_USERS, NUM_FACTORS), dtype=jnp.float32) * 0.01
    item_table = jax.random.normal(k4, (NUM_ITEMS, NUM_FACTORS), dtype=jnp.float32) * 0.01
    W = jax.random.normal(k5, (1, NUM_FACTORS), dtype=jnp.float32) * 0.01
    b = jnp.zeros((1,), dtype=jnp.float32)
    return {"users": users, "items": items, "user_table": user_table, "item_table": item_table, "W": W, "b": b}

def reference(users, items, user_table, item_table, W, b):
    u = jnp.take(user_table, users, axis=0)
    v = jnp.take(item_table, items, axis=0)
    ew = u * v
    out = ew @ W.T + b
    out = jax.nn.sigmoid(out)
    return out.reshape(-1)

if __name__ == "__main__":
    import jax
    _d = setup_inputs()
    print(jax.jit(kernel)(*tuple(_d.values())))

</pallas_src>

<mosaic_0001>
#map = affine_map<(d0, d1) -> (0)>
#map1 = affine_map<(d0, d1) -> (0, 0)>
module attributes {stable_mosaic.version = 14 : i64} {
  func.func @_gmf_body(%arg0: i32, %arg1: i32, %arg2: memref<16384xi32, #tpu.memory_space<hbm>>, %arg3: memref<16384xi32, #tpu.memory_space<hbm>>, %arg4: memref<32x1000000xf32, #tpu.memory_space<hbm>>, %arg5: memref<32x1000000xf32, #tpu.memory_space<hbm>>, %arg6: memref<48xf32, #tpu.memory_space<hbm>>, %arg7: memref<16384xf32, #tpu.memory_space<hbm>>, %arg8: memref<512xi32, #tpu.memory_space<vmem>>, %arg9: memref<512xi32, #tpu.memory_space<vmem>>, %arg10: memref<2x4x32x128xf32, #tpu.memory_space<vmem>>, %arg11: memref<2x4x32x128xf32, #tpu.memory_space<vmem>>, %arg12: memref<8192xf32, #tpu.memory_space<vmem>>, %arg13: memref<512xf32, #tpu.memory_space<vmem>>, %arg14: memref<48xf32, #tpu.memory_space<vmem>>, %arg15: memref<!tpu.dma_semaphore, #tpu.memory_space<semaphore_mem>>, %arg16: memref<!tpu.dma_semaphore, #tpu.memory_space<semaphore_mem>>, %arg17: memref<!tpu.dma_semaphore, #tpu.memory_space<semaphore_mem>>) attributes {dimension_semantics = [#tpu.dimension_semantics<core_parallel>, #tpu.dimension_semantics<subcore_parallel>], iteration_bounds = array<i64: 2, 16>, scalar_prefetch = 0 : i64, scratch_operands = 10 : i64, tpu.core_type = #tpu.core_type<sc_vector_subcore>, window_params = [{transform_indices = #map}, {transform_indices = #map}, {transform_indices = #map1}, {transform_indices = #map1}, {transform_indices = #map}, {transform_indices = #map}]} {
    %mul3A = arith.constant 2 : i32
    %mul3A_0 = arith.muli %arg1, %mul3A : i32
    %add3A = arith.addi %mul3A_0, %arg0 : i32
    %mul3A_1 = arith.constant 512 : i32
    %mul3A_2 = arith.muli %add3A, %mul3A_1 : i32
    "tpu.region"() ({
      %run_scoped3A = tpu.sem_alloc : memref<!tpu.dma_semaphore, #tpu.memory_space<semaphore_mem>>
      %dma_start3A = tpu.memref_slice %arg2[%mul3A_2] : memref<16384xi32, #tpu.memory_space<hbm>> -> memref<512xi32, #tpu.memory_space<hbm>>
      %dma_start3A_22 = tpu.memref_slice %arg2[%mul3A_2] : memref<16384xi32, #tpu.memory_space<hbm>> -> memref<512xi32, #tpu.memory_space<hbm>>
      tpu.enqueue_dma source(%dma_start3A_22 : memref<512xi32, #tpu.memory_space<hbm>>) target(%arg8 : memref<512xi32, #tpu.memory_space<vmem>>) target_semaphore(%run_scoped3A : memref<!tpu.dma_semaphore, #tpu.memory_space<semaphore_mem>>)
      %dma_wait3A = tpu.memref_slice %arg2[%mul3A_2] : memref<16384xi32, #tpu.memory_space<hbm>> -> memref<512xi32, #tpu.memory_space<hbm>>
      %dma_wait3A_23 = tpu.memref_slice %arg2[%mul3A_2] : memref<16384xi32, #tpu.memory_space<hbm>> -> memref<512xi32, #tpu.memory_space<hbm>>
      tpu.wait_dma2 semaphore(%run_scoped3A : memref<!tpu.dma_semaphore, #tpu.memory_space<semaphore_mem>>) src(%dma_wait3A_23 : memref<512xi32, #tpu.memory_space<hbm>>) dst(%arg8 : memref<512xi32, #tpu.memory_space<vmem>>)
      tpu.yield
    }) : () -> ()
    "tpu.region"() ({
      %run_scoped3A = tpu.sem_alloc : memref<!tpu.dma_semaphore, #tpu.memory_space<semaphore_mem>>
      %dma_start3A = tpu.memref_slice %arg3[%mul3A_2] : memref<16384xi32, #tpu.memory_space<hbm>> -> memref<512xi32, #tpu.memory_space<hbm>>
      %dma_start3A_22 = tpu.memref_slice %arg3[%mul3A_2] : memref<16384xi32, #tpu.memory_space<hbm>> -> memref<512xi32, #tpu.memory_space<hbm>>
      tpu.enqueue_dma source(%dma_start3A_22 : memref<512xi32, #tpu.memory_space<hbm>>) target(%arg9 : memref<512xi32, #tpu.memory_space<vmem>>) target_semaphore(%run_scoped3A : memref<!tpu.dma_semaphore, #tpu.memory_space<semaphore_mem>>)
      %dma_wait3A = tpu.memref_slice %arg3[%mul3A_2] : memref<16384xi32, #tpu.memory_space<hbm>> -> memref<512xi32, #tpu.memory_space<hbm>>
      %dma_wait3A_23 = tpu.memref_slice %arg3[%mul3A_2] : memref<16384xi32, #tpu.memory_space<hbm>> -> memref<512xi32, #tpu.memory_space<hbm>>
      tpu.wait_dma2 semaphore(%run_scoped3A : memref<!tpu.dma_semaphore, #tpu.memory_space<semaphore_mem>>) src(%dma_wait3A_23 : memref<512xi32, #tpu.memory_space<hbm>>) dst(%arg9 : memref<512xi32, #tpu.memory_space<vmem>>)
      tpu.yield
    }) : () -> ()
    tpu.enqueue_dma source(%arg6 : memref<48xf32, #tpu.memory_space<hbm>>) target(%arg14 : memref<48xf32, #tpu.memory_space<vmem>>) target_semaphore(%arg15 : memref<!tpu.dma_semaphore, #tpu.memory_space<semaphore_mem>>)
    tpu.wait_dma2 semaphore(%arg15 : memref<!tpu.dma_semaphore, #tpu.memory_space<semaphore_mem>>) src(%arg6 : memref<48xf32, #tpu.memory_space<hbm>>) dst(%arg14 : memref<48xf32, #tpu.memory_space<vmem>>)
    %get3A = arith.constant 0 : index
    %get3A_3 = tpu.vector_load %arg14[%get3A] {strides = array<i32>} : memref<48xf32, #tpu.memory_space<vmem>>, vector<16xf32>,
    %get3A_4 = arith.constant 16 : index
    %get3A_5 = tpu.vector_load %arg14[%get3A_4] {strides = array<i32>} : memref<48xf32, #tpu.memory_space<vmem>>, vector<16xf32>,
    %get3A_6 = arith.constant 32 : index
    %get3A_7 = tpu.vector_load %arg14[%get3A_6] {strides = array<i32>} : memref<48xf32, #tpu.memory_space<vmem>>, vector<16xf32>,
    %slice3A = vector.extract_strided_slice %get3A_7 {offsets = [0], sizes = [1], strides = [1]} : vector<16xf32> to vector<1xf32>
    %squeeze3A = vector.extract %slice3A[0] : f32 from vector<1xf32>
    %iota3A = tpu.iota {dimensions = array<i32: 0>} : vector<16xi32>
    %scan3A = arith.constant 0 : i32
    %scan3A_8 = arith.constant 0 : i32
    %scan3A_9 = arith.constant 32 : i32
    %scan3A_10 = arith.addi %scan3A_8, %scan3A_9 : i32
    %scan3A_11 = arith.constant 1 : i32
    scf.for %scan3A_22 = %scan3A_8 to %scan3A_10 step %scan3A_11  : i32 {
      %mul3A_23 = arith.constant 16 : i32
      %mul3A_24 = arith.muli %scan3A_22, %mul3A_23 : i32
      %get3A_25 = arith.index_cast %mul3A_24 : i32 to index
      %get3A_26 = tpu.vector_load %arg8[%get3A_25] {strides = array<i32>} : memref<512xi32, #tpu.memory_space<vmem>>, vector<16xi32>,
      %mul3A_27 = arith.constant 16 : i32
      %mul3A_28 = arith.muli %scan3A_22, %mul3A_27 : i32
      %get3A_29 = arith.index_cast %mul3A_28 : i32 to index
      %get3A_30 = tpu.vector_load %arg9[%get3A_29] {strides = array<i32>} : memref<512xi32, #tpu.memory_space<vmem>>, vector<16xi32>,
      %slice3A_31 = vector.extract_strided_slice %get3A_26 {offsets = [0], sizes = [1], strides = [1]} : vector<16xi32> to vector<1xi32>
      %squeeze3A_32 = vector.extract %slice3A_31[0] : i32 from vector<1xi32>
      %slice3A_33 = vector.extract_strided_slice %get3A_26 {offsets = [1], sizes = [1], strides = [1]} : vector<16xi32> to vector<1xi32>
      %squeeze3A_34 = vector.extract %slice3A_33[0] : i32 from vector<1xi32>
      %slice3A_35 = vector.extract_strided_slice %get3A_26 {offsets = [2], sizes = [1], strides = [1]} : vector<16xi32> to vector<1xi32>
      %squeeze3A_36 = vector.extract %slice3A_35[0] : i32 from vector<1xi32>
      %slice3A_37 = vector.extract_strided_slice %get3A_26 {offsets = [3], sizes = [1], strides = [1]} : vector<16xi32> to vector<1xi32>
      %squeeze3A_38 = vector.extract %slice3A_37[0] : i32 from vector<1xi32>
      %slice3A_39 = vector.extract_strided_slice %get3A_26 {offsets = [4], sizes = [1], strides = [1]} : vector<16xi32> to vector<1xi32>
      %squeeze3A_40 = vector.extract %slice3A_39[0] : i32 from vector<1xi32>
      %slice3A_41 = vector.extract_strided_slice %get3A_26 {offsets = [5], sizes = [1], strides = [1]} : vector<16xi32> to vector<1xi32>
      %squeeze3A_42 = vector.extract %slice3A_41[0] : i32 from vector<1xi32>
      %slice3A_43 = vector.extract_strided_slice %get3A_26 {offsets = [6], sizes = [1], strides = [1]} : vector<16xi32> to vector<1xi32>
      %squeeze3A_44 = vector.extract %slice3A_43[0] : i32 from vector<1xi32>
      %slice3A_45 = vector.extract_strided_slice %get3A_26 {offsets = [7], sizes = [1], strides = [1]} : vector<16xi32> to vector<1xi32>
      %squeeze3A_46 = vector.extract %slice3A_45[0] : i32 from vector<1xi32>
      %slice3A_47 = vector.extract_strided_slice %get3A_26 {offsets = [8], sizes = [1], strides = [1]} : vector<16xi32> to vector<1xi32>
      %squeeze3A_48 = vector.extract %slice3A_47[0] : i32 from vector<1xi32>
      %slice3A_49 = vector.extract_strided_slice %get3A_26 {offsets = [9], sizes = [1], strides = [1]} : vector<16xi32> to vector<1xi32>
      %squeeze3A_50 = vector.extract %slice3A_49[0] : i32 from vector<1xi32>
      %slice3A_51 = vector.extract_strided_slice %get3A_26 {offsets = [10], sizes = [1], strides = [1]} : vector<16xi32> to vector<1xi32>
      %squeeze3A_52 = vector.extract %slice3A_51[0] : i32 from vector<1xi32>
      %slice3A_53 = vector.extract_strided_slice %get3A_26 {offsets = [11], sizes = [1], strides = [1]} : vector<16xi32> to vector<1xi32>
      %squeeze3A_54 = vector.extract %slice3A_53[0] : i32 from vector<1xi32>
      %slice3A_55 = vector.extract_strided_slice %get3A_26 {offsets = [12], sizes = [1], strides = [1]} : vector<16xi32> to vector<1xi32>
      %squeeze3A_56 = vector.extract %slice3A_55[0] : i32 from vector<1xi32>
      %slice3A_57 = vector.extract_strided_slice %get3A_26 {offsets = [13], sizes = [1], strides = [1]} : vector<16xi32> to vector<1xi32>
      %squeeze3A_58 = vector.extract %slice3A_57[0] : i32 from vector<1xi32>
      %slice3A_59 = vector.extract_strided_slice %get3A_26 {offsets = [14], sizes = [1], strides = [1]} : vector<16xi32> to vector<1xi32>
      %squeeze3A_60 = vector.extract %slice3A_59[0] : i32 from vector<1xi32>
      %slice3A_61 = vector.extract_strided_slice %get3A_26 {offsets = [15], sizes = [1], strides = [1]} : vector<16xi32> to vector<1xi32>
      %squeeze3A_62 = vector.extract %slice3A_61[0] : i32 from vector<1xi32>
      %slice3A_63 = vector.extract_strided_slice %get3A_30 {offsets = [0], sizes = [1], strides = [1]} : vector<16xi32> to vector<1xi32>
      %squeeze3A_64 = vector.extract %slice3A_63[0] : i32 from vector<1xi32>
      %slice3A_65 = vector.extract_strided_slice %get3A_30 {offsets = [1], sizes = [1], strides = [1]} : vector<16xi32> to vector<1xi32>
      %squeeze3A_66 = vector.extract %slice3A_65[0] : i32 from vector<1xi32>
      %slice3A_67 = vector.extract_strided_slice %get3A_30 {offsets = [2], sizes = [1], strides = [1]} : vector<16xi32> to vector<1xi32>
      %squeeze3A_68 = vector.extract %slice3A_67[0] : i32 from vector<1xi32>
      %slice3A_69 = vector.extract_strided_slice %get3A_30 {offsets = [3], sizes = [1], strides = [1]} : vector<16xi32> to vector<1xi32>
      %squeeze3A_70 = vector.extract %slice3A_69[0] : i32 from vector<1xi32>
      %slice3A_71 = vector.extract_strided_slice %get3A_30 {offsets = [4], sizes = [1], strides = [1]} : vector<16xi32> to vector<1xi32>
      %squeeze3A_72 = vector.extract %slice3A_71[0] : i32 from vector<1xi32>
      %slice3A_73 = vector.extract_strided_slice %get3A_30 {offsets = [5], sizes = [1], strides = [1]} : vector<16xi32> to vector<1xi32>
      %squeeze3A_74 = vector.extract %slice3A_73[0] : i32 from vector<1xi32>
      %slice3A_75 = vector.extract_strided_slice %get3A_30 {offsets = [6], sizes = [1], strides = [1]} : vector<16xi32> to vector<1xi32>
      %squeeze3A_76 = vector.extract %slice3A_75[0] : i32 from vector<1xi32>
      %slice3A_77 = vector.extract_strided_slice %get3A_30 {offsets = [7], sizes = [1], strides = [1]} : vector<16xi32> to vector<1xi32>
      %squeeze3A_78 = vector.extract %slice3A_77[0] : i32 from vector<1xi32>
      %slice3A_79 = vector.extract_strided_slice %get3A_30 {offsets = [8], sizes = [1], strides = [1]} : vector<16xi32> to vector<1xi32>
      %squeeze3A_80 = vector.extract %slice3A_79[0] : i32 from vector<1xi32>
      %slice3A_81 = vector.extract_strided_slice %get3A_30 {offsets = [9], sizes = [1], strides = [1]} : vector<16xi32> to vector<1xi32>
      %squeeze3A_82 = vector.extract %slice3A_81[0] : i32 from vector<1xi32>
      %slice3A_83 = vector.extract_strided_slice %get3A_30 {offsets = [10], sizes = [1], strides = [1]} : vector<16xi32> to vector<1xi32>
      %squeeze3A_84 = vector.extract %slice3A_83[0] : i32 from vector<1xi32>
      %slice3A_85 = vector.extract_strided_slice %get3A_30 {offsets = [11], sizes = [1], strides = [1]} : vector<16xi32> to vector<1xi32>
      %squeeze3A_86 = vector.extract %slice3A_85[0] : i32 from vector<1xi32>
      %slice3A_87 = vector.extract_strided_slice %get3A_30 {offsets = [12], sizes = [1], strides = [1]} : vector<16xi32> to vector<1xi32>
      %squeeze3A_88 = vector.extract %slice3A_87[0] : i32 from vector<1xi32>
      %slice3A_89 = vector.extract_strided_slice %get3A_30 {offsets = [13], sizes = [1], strides = [1]} : vector<16xi32> to vector<1xi32>
      %squeeze3A_90 = vector.extract %slice3A_89[0] : i32 from vector<1xi32>
      %slice3A_91 = vector.extract_strided_slice %get3A_30 {offsets = [14], sizes = [1], strides = [1]} : vector<16xi32> to vector<1xi32>
      %squeeze3A_92 = vector.extract %slice3A_91[0] : i32 from vector<1xi32>
      %slice3A_93 = vector.extract_strided_slice %get3A_30 {offsets = [15], sizes = [1], strides = [1]} : vector<16xi32> to vector<1xi32>
      %squeeze3A_94 = vector.extract %slice3A_93[0] : i32 from vector<1xi32>
      %shift_right_logical3A = arith.constant 7 : i32
      %shift_right_logical3A_95 = arith.shrui %squeeze3A_32, %shift_right_logical3A : i32
      %shift_right_logical3A_96 = arith.constant 7 : i32
      %shift_right_logical3A_97 = arith.shrui %squeeze3A_64, %shift_right_logical3A_96 : i32
      %mul3A_98 = arith.constant 128 : i32
      %mul3A_99 = arith.muli %shift_right_logical3A_95, %mul3A_98 : i32
      %multiple_of3A = tpu.assume_multiple %mul3A_99, 128 : i32
      %dma_start3A = arith.constant 0 : i32
      %dma_start3A_100 = arith.constant 0 : i32
      %dma_start3A_101 = arith.constant 0 : i32
      %dma_start3A_102 = arith.constant 0 : i32
      %dma_start3A_103 = tpu.memref_slice %arg10[%dma_start3A, %dma_start3A_100, %dma_start3A_101, %dma_start3A_102] : memref<2x4x32x128xf32, #tpu.memory_space<vmem>> -> memref<1x1x32x128xf32, #tpu.memory_space<vmem>>
      %dma_start3A_104 = tpu.memref_squeeze %dma_start3A_103 : memref<1x1x32x128xf32, #tpu.memory_space<vmem>> -> memref<32x128xf32, #tpu.memory_space<vmem>>
      %dma_start3A_105 = arith.constant 0 : i32
      %dma_start3A_106 = tpu.memref_slice %arg4[%dma_start3A_105, %multiple_of3A] : memref<32x1000000xf32, #tpu.memory_space<hbm>> -> memref<32x128xf32, #tpu.memory_space<hbm>>
      %dma_start3A_107 = arith.constant 0 : i32
      %dma_start3A_108 = arith.constant 0 : i32
      %dma_start3A_109 = tpu.memref_slice %arg10[%dma_start3A, %dma_start3A_100, %dma_start3A_107, %dma_start3A_108] : memref<2x4x32x128xf32, #tpu.memory_space<vmem>> -> memref<1x1x32x128xf32, #tpu.memory_space<vmem>>
      %dma_start3A_110 = tpu.memref_squeeze %dma_start3A_109 : memref<1x1x32x128xf32, #tpu.memory_space<vmem>> -> memref<32x128xf32, #tpu.memory_space<vmem>>
      %dma_start3A_111 = arith.constant 0 : i32
      %dma_start3A_112 = tpu.memref_slice %arg4[%dma_start3A_111, %multiple_of3A] : memref<32x1000000xf32, #tpu.memory_space<hbm>> -> memref<32x128xf32, #tpu.memory_space<hbm>>
      tpu.enqueue_dma source(%dma_start3A_112 : memref<32x128xf32, #tpu.memory_space<hbm>>) target(%dma_start3A_110 : memref<32x128xf32, #tpu.memory_space<vmem>>) target_semaphore(%arg16 : memref<!tpu.dma_semaphore, #tpu.memory_space<semaphore_mem>>)
      %mul3A_113 = arith.constant 128 : i32
      %mul3A_114 = arith.muli %shift_right_logical3A_97, %mul3A_113 : i32
      %multiple_of3A_115 = tpu.assume_multiple %mul3A_114, 128 : i32
      %dma_start3A_116 = arith.constant 0 : i32
      %dma_start3A_117 = arith.constant 0 : i32
      %dma_start3A_118 = arith.constant 0 : i32
      %dma_start3A_119 = arith.constant 0 : i32
      %dma_start3A_120 = tpu.memref_slice %arg11[%dma_start3A_116, %dma_start3A_117, %dma_start3A_118, %dma_start3A_119] : memref<2x4x32x128xf32, #tpu.memory_space<vmem>> -> memref<1x1x32x128xf32, #tpu.memory_space<vmem>>
      %dma_start3A_121 = tpu.memref_squeeze %dma_start3A_120 : memref<1x1x32x128xf32, #tpu.memory_space<vmem>> -> memref<32x128xf32, #tpu.memory_space<vmem>>
      %dma_start3A_122 = arith.constant 0 : i32
      %dma_start3A_123 = tpu.memref_slice %arg5[%dma_start3A_122, %multiple_of3A_115] : memref<32x1000000xf32, #tpu.memory_space<hbm>> -> memref<32x128xf32, #tpu.memory_space<hbm>>
      %dma_start3A_124 = arith.constant 0 : i32
      %dma_start3A_125 = arith.constant 0 : i32
      %dma_start3A_126 = tpu.memref_slice %arg11[%dma_start3A_116, %dma_start3A_117, %dma_start3A_124, %dma_start3A_125] : memref<2x4x32x128xf32, #tpu.memory_space<vmem>> -> memref<1x1x32x128xf32, #tpu.memory_space<vmem>>
      %dma_start3A_127 = tpu.memref_squeeze %dma_start3A_126 : memref<1x1x32x128xf32, #tpu.memory_space<vmem>> -> memref<32x128xf32, #tpu.memory_space<vmem>>
      %dma_start3A_128 = arith.constant 0 : i32
      %dma_start3A_129 = tpu.memref_slice %arg5[%dma_start3A_128, %multiple_of3A_115] : memref<32x1000000xf32, #tpu.memory_space<hbm>> -> memref<32x128xf32, #tpu.memory_space<hbm>>
      tpu.enqueue_dma source(%dma_start3A_129 : memref<32x128xf32, #tpu.memory_space<hbm>>) target(%dma_start3A_127 : memref<32x128xf32, #tpu.memory_space<vmem>>) target_semaphore(%arg16 : memref<!tpu.dma_semaphore, #tpu.memory_space<semaphore_mem>>)
      %shift_right_logical3A_130 = arith.constant 7 : i32
      %shift_right_logical3A_131 = arith.shrui %squeeze3A_34, %shift_right_logical3A_130 : i32
      %shift_right_logical3A_132 = arith.constant 7 : i32
      %shift_right_logical3A_133 = arith.shrui %squeeze3A_66, %shift_right_logical3A_132 : i32
      %mul3A_134 = arith.constant 128 : i32
      %mul3A_135 = arith.muli %shift_right_logical3A_131, %mul3A_134 : i32
      %multiple_of3A_136 = tpu.assume_multiple %mul3A_135, 128 : i32
      %dma_start3A_137 = arith.constant 0 : i32
      %dma_start3A_138 = arith.constant 1 : i32
      %dma_start3A_139 = arith.constant 0 : i32
      %dma_start3A_140 = arith.constant 0 : i32
      %dma_start3A_141 = tpu.memref_slice %arg10[%dma_start3A_137, %dma_start3A_138, %dma_start3A_139, %dma_start3A_140] : memref<2x4x32x128xf32, #tpu.memory_space<vmem>> -> memref<1x1x32x128xf32, #tpu.memory_space<vmem>>
      %dma_start3A_142 = tpu.memref_squeeze %dma_start3A_141 : memref<1x1x32x128xf32, #tpu.memory_space<vmem>> -> memref<32x128xf32, #tpu.memory_space<vmem>>
      %dma_start3A_143 = arith.constant 0 : i32
      %dma_start3A_144 = tpu.memref_slice %arg4[%dma_start3A_143, %multiple_of3A_136] : memref<32x1000000xf32, #tpu.memory_space<hbm>> -> memref<32x128xf32, #tpu.memory_space<hbm>>
      %dma_start3A_145 = arith.constant 0 : i32
      %dma_start3A_146 = arith.constant 0 : i32
      %dma_start3A_147 = tpu.memref_slice %arg10[%dma_start3A_137, %dma_start3A_138, %dma_start3A_145, %dma_start3A_146] : memref<2x4x32x128xf32, #tpu.memory_space<vmem>> -> memref<1x1x32x128xf32, #tpu.memory_space<vmem>>
      %dma_start3A_148 = tpu.memref_squeeze %dma_start3A_147 : memref<1x1x32x128xf32, #tpu.memory_space<vmem>> -> memref<32x128xf32, #tpu.memory_space<vmem>>
      %dma_start3A_149 = arith.constant 0 : i32
      %dma_start3A_150 = tpu.memref_slice %arg4[%dma_start3A_149, %multiple_of3A_136] : memref<32x1000000xf32, #tpu.memory_space<hbm>> -> memref<32x128xf32, #tpu.memory_space<hbm>>
      tpu.enqueue_dma source(%dma_start3A_150 : memref<32x128xf32, #tpu.memory_space<hbm>>) target(%dma_start3A_148 : memref<32x128xf32, #tpu.memory_space<vmem>>) target_semaphore(%arg16 : memref<!tpu.dma_semaphore, #tpu.memory_space<semaphore_mem>>)
      %mul3A_151 = arith.constant 128 : i32
      %mul3A_152 = arith.muli %shift_right_logical3A_133, %mul3A_151 : i32
      %multiple_of3A_153 = tpu.assume_multiple %mul3A_152, 128 : i32
      %dma_start3A_154 = arith.constant 0 : i32
      %dma_start3A_155 = arith.constant 1 : i32
      %dma_start3A_156 = arith.constant 0 : i32
      %dma_start3A_157 = arith.constant 0 : i32
      %dma_start3A_158 = tpu.memref_slice %arg11[%dma_start3A_154, %dma_start3A_155, %dma_start3A_156, %dma_start3A_157] : memref<2x4x32x128xf32, #tpu.memory_space<vmem>> -> memref<1x1x32x128xf32, #tpu.memory_space<vmem>>
      %dma_start3A_159 = tpu.memref_squeeze %dma_start3A_158 : memref<1x1x32x128xf32, #tpu.memory_space<vmem>> -> memref<32x128xf32, #tpu.memory_space<vmem>>
      %dma_start3A_160 = arith.constant 0 : i32
      %dma_start3A_161 = tpu.memref_slice %arg5[%dma_start3A_160, %multiple_of3A_153] : memref<32x1000000xf32, #tpu.memory_space<hbm>> -> memref<32x128xf32, #tpu.memory_space<hbm>>
      %dma_start3A_162 = arith.constant 0 : i32
      %dma_start3A_163 = arith.constant 0 : i32
      %dma_start3A_164 = tpu.memref_slice %arg11[%dma_start3A_154, %dma_start3A_155, %dma_start3A_162, %dma_start3A_163] : memref<2x4x32x128xf32, #tpu.memory_space<vmem>> -> memref<1x1x32x128xf32, #tpu.memory_space<vmem>>
      %dma_start3A_165 = tpu.memref_squeeze %dma_start3A_164 : memref<1x1x32x128xf32, #tpu.memory_space<vmem>> -> memref<32x128xf32, #tpu.memory_space<vmem>>
      %dma_start3A_166 = arith.constant 0 : i32
      %dma_start3A_167 = tpu.memref_slice %arg5[%dma_start3A_166, %multiple_of3A_153] : memref<32x1000000xf32, #tpu.memory_space<hbm>> -> memref<32x128xf32, #tpu.memory_space<hbm>>
      tpu.enqueue_dma source(%dma_start3A_167 : memref<32x128xf32, #tpu.memory_space<hbm>>) target(%dma_start3A_165 : memref<32x128xf32, #tpu.memory_space<vmem>>) target_semaphore(%arg16 : memref<!tpu.dma_semaphore, #tpu.memory_space<semaphore_mem>>)
      %shift_right_logical3A_168 = arith.constant 7 : i32
      %shift_right_logical3A_169 = arith.shrui %squeeze3A_36, %shift_right_logical3A_168 : i32
      %shift_right_logical3A_170 = arith.constant 7 : i32
      %shift_right_logical3A_171 = arith.shrui %squeeze3A_68, %shift_right_logical3A_170 : i32
      %mul3A_172 = arith.constant 128 : i32
      %mul3A_173 = arith.muli %shift_right_logical3A_169, %mul3A_172 : i32
      %multiple_of3A_174 = tpu.assume_multiple %mul3A_173, 128 : i32
      %dma_start3A_175 = arith.constant 0 : i32
      %dma_start3A_176 = arith.constant 2 : i32
      %dma_start3A_177 = arith.constant 0 : i32
      %dma_start3A_178 = arith.constant 0 : i32
      %dma_start3A_179 = tpu.memref_slice %arg10[%dma_start3A_175, %dma_start3A_176, %dma_start3A_177, %dma_start3A_178] : memref<2x4x32x128xf32, #tpu.memory_space<vmem>> -> memref<1x1x32x128xf32, #tpu.memory_space<vmem>>
      %dma_start3A_180 = tpu.memref_squeeze %dma_start3A_179 : memref<1x1x32x128xf32, #tpu.memory_space<vmem>> -> memref<32x128xf32, #tpu.memory_space<vmem>>
      %dma_start3A_181 = arith.constant 0 : i32
      %dma_start3A_182 = tpu.memref_slice %arg4[%dma_start3A_181, %multiple_of3A_174] : memref<32x1000000xf32, #tpu.memory_space<hbm>> -> memref<32x128xf32, #tpu.memory_space<hbm>>
      %dma_start3A_183 = arith.constant 0 : i32
      %dma_start3A_184 = arith.constant 0 : i32
      %dma_start3A_185 = tpu.memref_slice %arg10[%dma_start3A_175, %dma_start3A_176, %dma_start3A_183, %dma_start3A_184] : memref<2x4x32x128xf32, #tpu.memory_space<vmem>> -> memref<1x1x32x128xf32, #tpu.memory_space<vmem>>
      %dma_start3A_186 = tpu.memref_squeeze %dma_start3A_185 : memref<1x1x32x128xf32, #tpu.memory_space<vmem>> -> memref<32x128xf32, #tpu.memory_space<vmem>>
      %dma_start3A_187 = arith.constant 0 : i32
      %dma_start3A_188 = tpu.memref_slice %arg4[%dma_start3A_187, %multiple_of3A_174] : memref<32x1000000xf32, #tpu.memory_space<hbm>> -> memref<32x128xf32, #tpu.memory_space<hbm>>
      tpu.enqueue_dma source(%dma_start3A_188 : memref<32x128xf32, #tpu.memory_space<hbm>>) target(%dma_start3A_186 : memref<32x128xf32, #tpu.memory_space<vmem>>) target_semaphore(%arg16 : memref<!tpu.dma_semaphore, #tpu.memory_space<semaphore_mem>>)
      %mul3A_189 = arith.constant 128 : i32
      %mul3A_190 = arith.muli %shift_right_logical3A_171, %mul3A_189 : i32
      %multiple_of3A_191 = tpu.assume_multiple %mul3A_190, 128 : i32
      %dma_start3A_192 = arith.constant 0 : i32
      %dma_start3A_193 = arith.constant 2 : i32
      %dma_start3A_194 = arith.constant 0 : i32
      %dma_start3A_195 = arith.constant 0 : i32
      %dma_start3A_196 = tpu.memref_slice %arg11[%dma_start3A_192, %dma_start3A_193, %dma_start3A_194, %dma_start3A_195] : memref<2x4x32x128xf32, #tpu.memory_space<vmem>> -> memref<1x1x32x128xf32, #tpu.memory_space<vmem>>
      %dma_start3A_197 = tpu.memref_squeeze %dma_start3A_196 : memref<1x1x32x128xf32, #tpu.memory_space<vmem>> -> memref<32x128xf32, #tpu.memory_space<vmem>>
      %dma_start3A_198 = arith.constant 0 : i32
      %dma_start3A_199 = tpu.memref_slice %arg5[%dma_start3A_198, %multiple_of3A_191] : memref<32x1000000xf32, #tpu.memory_space<hbm>> -> memref<32x128xf32, #tpu.memory_space<hbm>>
      %dma_start3A_200 = arith.constant 0 : i32
      %dma_start3A_201 = arith.constant 0 : i32
      %dma_start3A_202 = tpu.memref_slice %arg11[%dma_start3A_192, %dma_start3A_193, %dma_start3A_200, %dma_start3A_201] : memref<2x4x32x128xf32, #tpu.memory_space<vmem>> -> memref<1x1x32x128xf32, #tpu.memory_space<vmem>>
      %dma_start3A_203 = tpu.memref_squeeze %dma_start3A_202 : memref<1x1x32x128xf32, #tpu.memory_space<vmem>> -> memref<32x128xf32, #tpu.memory_space<vmem>>
      %dma_start3A_204 = arith.constant 0 : i32
      %dma_start3A_205 = tpu.memref_slice %arg5[%dma_start3A_204, %multiple_of3A_191] : memref<32x1000000xf32, #tpu.memory_space<hbm>> -> memref<32x128xf32, #tpu.memory_space<hbm>>
      tpu.enqueue_dma source(%dma_start3A_205 : memref<32x128xf32, #tpu.memory_space<hbm>>) target(%dma_start3A_203 : memref<32x128xf32, #tpu.memory_space<vmem>>) target_semaphore(%arg16 : memref<!tpu.dma_semaphore, #tpu.memory_space<semaphore_mem>>)
      %shift_right_logical3A_206 = arith.constant 7 : i32
      %shift_right_logical3A_207 = arith.shrui %squeeze3A_38, %shift_right_logical3A_206 : i32
      %shift_right_logical3A_208 = arith.constant 7 : i32
      %shift_right_logical3A_209 = arith.shrui %squeeze3A_70, %shift_right_logical3A_208 : i32
      %mul3A_210 = arith.constant 128 : i32
      %mul3A_211 = arith.muli %shift_right_logical3A_207, %mul3A_210 : i32
      %multiple_of3A_212 = tpu.assume_multiple %mul3A_211, 128 : i32
      %dma_start3A_213 = arith.constant 0 : i32
      %dma_start3A_214 = arith.constant 3 : i32
      %dma_start3A_215 = arith.constant 0 : i32
      %dma_start3A_216 = arith.constant 0 : i32
      %dma_start3A_217 = tpu.memref_slice %arg10[%dma_start3A_213, %dma_start3A_214, %dma_start3A_215, %dma_start3A_216] : memref<2x4x32x128xf32, #tpu.memory_space<vmem>> -> memref<1x1x32x128xf32, #tpu.memory_space<vmem>>
      %dma_start3A_218 = tpu.memref_squeeze %dma_start3A_217 : memref<1x1x32x128xf32, #tpu.memory_space<vmem>> -> memref<32x128xf32, #tpu.memory_space<vmem>>
      %dma_start3A_219 = arith.constant 0 : i32
      %dma_start3A_220 = tpu.memref_slice %arg4[%dma_start3A_219, %multiple_of3A_212] : memref<32x1000000xf32, #tpu.memory_space<hbm>> -> memref<32x128xf32, #tpu.memory_space<hbm>>
      %dma_start3A_221 = arith.constant 0 : i32
      %dma_start3A_222 = arith.constant 0 : i32
      %dma_start3A_223 = tpu.memref_slice %arg10[%dma_start3A_213, %dma_start3A_214, %dma_start3A_221, %dma_start3A_222] : memref<2x4x32x128xf32, #tpu.memory_space<vmem>> -> memref<1x1x32x128xf32, #tpu.memory_space<vmem>>
      %dma_start3A_224 = tpu.memref_squeeze %dma_start3A_223 : memref<1x1x32x128xf32, #tpu.memory_space<vmem>> -> memref<32x128xf32, #tpu.memory_space<vmem>>
      %dma_start3A_225 = arith.constant 0 : i32
      %dma_start3A_226 = tpu.memref_slice %arg4[%dma_start3A_225, %multiple_of3A_212] : memref<32x1000000xf32, #tpu.memory_space<hbm>> -> memref<32x128xf32, #tpu.memory_space<hbm>>
      tpu.enqueue_dma source(%dma_start3A_226 : memref<32x128xf32, #tpu.memory_space<hbm>>) target(%dma_start3A_224 : memref<32x128xf32, #tpu.memory_space<vmem>>) target_semaphore(%arg16 : memref<!tpu.dma_semaphore, #tpu.memory_space<semaphore_mem>>)
      %mul3A_227 = arith.constant 128 : i32
      %mul3A_228 = arith.muli %shift_right_logical3A_209, %mul3A_227 : i32
      %multiple_of3A_229 = tpu.assume_multiple %mul3A_228, 128 : i32
      %dma_start3A_230 = arith.constant 0 : i32
      %dma_start3A_231 = arith.constant 3 : i32
      %dma_start3A_232 = arith.constant 0 : i32
      %dma_start3A_233 = arith.constant 0 : i32
      %dma_start3A_234 = tpu.memref_slice %arg11[%dma_start3A_230, %dma_start3A_231, %dma_start3A_232, %dma_start3A_233] : memref<2x4x32x128xf32, #tpu.memory_space<vmem>> -> memref<1x1x32x128xf32, #tpu.memory_space<vmem>>
      %dma_start3A_235 = tpu.memref_squeeze %dma_start3A_234 : memref<1x1x32x128xf32, #tpu.memory_space<vmem>> -> memref<32x128xf32, #tpu.memory_space<vmem>>
      %dma_start3A_236 = arith.constant 0 : i32
      %dma_start3A_237 = tpu.memref_slice %arg5[%dma_start3A_236, %multiple_of3A_229] : memref<32x1000000xf32, #tpu.memory_space<hbm>> -> memref<32x128xf32, #tpu.memory_space<hbm>>
      %dma_start3A_238 = arith.constant 0 : i32
      %dma_start3A_239 = arith.constant 0 : i32
      %dma_start3A_240 = tpu.memref_slice %arg11[%dma_start3A_230, %dma_start3A_231, %dma_start3A_238, %dma_start3A_239] : memref<2x4x32x128xf32, #tpu.memory_space<vmem>> -> memref<1x1x32x128xf32, #tpu.memory_space<vmem>>
      %dma_start3A_241 = tpu.memref_squeeze %dma_start3A_240 : memref<1x1x32x128xf32, #tpu.memory_space<vmem>> -> memref<32x128xf32, #tpu.memory_space<vmem>>
      %dma_start3A_242 = arith.constant 0 : i32
      %dma_start3A_243 = tpu.memref_slice %arg5[%dma_start3A_242, %multiple_of3A_229] : memref<32x1000000xf32, #tpu.memory_space<hbm>> -> memref<32x128xf32, #tpu.memory_space<hbm>>
      tpu.enqueue_dma source(%dma_start3A_243 : memref<32x128xf32, #tpu.memory_space<hbm>>) target(%dma_start3A_241 : memref<32x128xf32, #tpu.memory_space<vmem>>) target_semaphore(%arg16 : memref<!tpu.dma_semaphore, #tpu.memory_space<semaphore_mem>>)
      %shift_right_logical3A_244 = arith.constant 7 : i32
      %shift_right_logical3A_245 = arith.shrui %squeeze3A_40, %shift_right_logical3A_244 : i32
      %shift_right_logical3A_246 = arith.constant 7 : i32
      %shift_right_logical3A_247 = arith.shrui %squeeze3A_72, %shift_right_logical3A_246 : i32
      %mul3A_248 = arith.constant 128 : i32
      %mul3A_249 = arith.muli %shift_right_logical3A_245, %mul3A_248 : i32
      %multiple_of3A_250 = tpu.assume_multiple %mul3A_249, 128 : i32
      %dma_start3A_251 = arith.constant 1 : i32
      %dma_start3A_252 = arith.constant 0 : i32
      %dma_start3A_253 = arith.constant 0 : i32
      %dma_start3A_254 = arith.constant 0 : i32
      %dma_start3A_255 = tpu.memref_slice %arg10[%dma_start3A_251, %dma_start3A_252, %dma_start3A_253, %dma_start3A_254] : memref<2x4x32x128xf32, #tpu.memory_space<vmem>> -> memref<1x1x32x128xf32, #tpu.memory_space<vmem>>
      %dma_start3A_256 = tpu.memref_squeeze %dma_start3A_255 : memref<1x1x32x128xf32, #tpu.memory_space<vmem>> -> memref<32x128xf32, #tpu.memory_space<vmem>>
      %dma_start3A_257 = arith.constant 0 : i32
      %dma_start3A_258 = tpu.memref_slice %arg4[%dma_start3A_257, %multiple_of3A_250] : memref<32x1000000xf32, #tpu.memory_space<hbm>> -> memref<32x128xf32, #tpu.memory_space<hbm>>
      %dma_start3A_259 = arith.constant 0 : i32
      %dma_start3A_260 = arith.constant 0 : i32
      %dma_start3A_261 = tpu.memref_slice %arg10[%dma_start3A_251, %dma_start3A_252, %dma_start3A_259, %dma_start3A_260] : memref<2x4x32x128xf32, #tpu.memory_space<vmem>> -> memref<1x1x32x128xf32, #tpu.memory_space<vmem>>
      %dma_start3A_262 = tpu.memref_squeeze %dma_start3A_261 : memref<1x1x32x128xf32, #tpu.memory_space<vmem>> -> memref<32x128xf32, #tpu.memory_space<vmem>>
      %dma_start3A_263 = arith.constant 0 : i32
      %dma_start3A_264 = tpu.memref_slice %arg4[%dma_start3A_263, %multiple_of3A_250] : memref<32x1000000xf32, #tpu.memory_space<hbm>> -> memref<32x128xf32, #tpu.memory_space<hbm>>
      tpu.enqueue_dma source(%dma_start3A_264 : memref<32x128xf32, #tpu.memory_space<hbm>>) target(%dma_start3A_262 : memref<32x128xf32, #tpu.memory_space<vmem>>) target_semaphore(%arg17 : memref<!tpu.dma_semaphore, #tpu.memory_space<semaphore_mem>>)
      %mul3A_265 = arith.constant 128 : i32
      %mul3A_266 = arith.muli %shift_right_logical3A_247, %mul3A_265 : i32
      %multiple_of3A_267 = tpu.assume_multiple %mul3A_266, 128 : i32
      %dma_start3A_268 = arith.constant 1 : i32
      %dma_start3A_269 = arith.constant 0 : i32
      %dma_start3A_270 = arith.constant 0 : i32
      %dma_start3A_271 = arith.constant 0 : i32
      %dma_start3A_272 = tpu.memref_slice %arg11[%dma_start3A_268, %dma_start3A_269, %dma_start3A_270, %dma_start3A_271] : memref<2x4x32x128xf32, #tpu.memory_space<vmem>> -> memref<1x1x32x128xf32, #tpu.memory_space<vmem>>
      %dma_start3A_273 = tpu.memref_squeeze %dma_start3A_272 : memref<1x1x32x128xf32, #tpu.memory_space<vmem>> -> memref<32x128xf32, #tpu.memory_space<vmem>>
      %dma_start3A_274 = arith.constant 0 : i32
      %dma_start3A_275 = tpu.memref_slice %arg5[%dma_start3A_274, %multiple_of3A_267] : memref<32x1000000xf32, #tpu.memory_space<hbm>> -> memref<32x128xf32, #tpu.memory_space<hbm>>
      %dma_start3A_276 = arith.constant 0 : i32
      %dma_start3A_277 = arith.constant 0 : i32
      %dma_start3A_278 = tpu.memref_slice %arg11[%dma_start3A_268, %dma_start3A_269, %dma_start3A_276, %dma_start3A_277] : memref<2x4x32x128xf32, #tpu.memory_space<vmem>> -> memref<1x1x32x128xf32, #tpu.memory_space<vmem>>
      %dma_start3A_279 = tpu.memref_squeeze %dma_start3A_278 : memref<1x1x32x128xf32, #tpu.memory_space<vmem>> -> memref<32x128xf32, #tpu.memory_space<vmem>>
      %dma_start3A_280 = arith.constant 0 : i32
      %dma_start3A_281 = tpu.memref_slice %arg5[%dma_start3A_280, %multiple_of3A_267] : memref<32x1000000xf32, #tpu.memory_space<hbm>> -> memref<32x128xf32, #tpu.memory_space<hbm>>
      tpu.enqueue_dma source(%dma_start3A_281 : memref<32x128xf32, #tpu.memory_space<hbm>>) target(%dma_start3A_279 : memref<32x128xf32, #tpu.memory_space<vmem>>) target_semaphore(%arg17 : memref<!tpu.dma_semaphore, #tpu.memory_space<semaphore_mem>>)
      %shift_right_logical3A_282 = arith.constant 7 : i32
      %shift_right_logical3A_283 = arith.shrui %squeeze3A_42, %shift_right_logical3A_282 : i32
      %shift_right_logical3A_284 = arith.constant 7 : i32
      %shift_right_logical3A_285 = arith.shrui %squeeze3A_74, %shift_right_logical3A_284 : i32
      %mul3A_286 = arith.constant 128 : i32
      %mul3A_287 = arith.muli %shift_right_logical3A_283, %mul3A_286 : i32
      %multiple_of3A_288 = tpu.assume_multiple %mul3A_287, 128 : i32
      %dma_start3A_289 = arith.constant 1 : i32
      %dma_start3A_290 = arith.constant 1 : i32
      %dma_start3A_291 = arith.constant 0 : i32
      %dma_start3A_292 = arith.constant 0 : i32
      %dma_start3A_293 = tpu.memref_slice %arg10[%dma_start3A_289, %dma_start3A_290, %dma_start3A_291, %dma_start3A_292] : memref<2x4x32x128xf32, #tpu.memory_space<vmem>> -> memref<1x1x32x128xf32, #tpu.memory_space<vmem>>
      %dma_start3A_294 = tpu.memref_squeeze %dma_start3A_293 : memref<1x1x32x128xf32, #tpu.memory_space<vmem>> -> memref<32x128xf32, #tpu.memory_space<vmem>>
      %dma_start3A_295 = arith.constant 0 : i32
      %dma_start3A_296 = tpu.memref_slice %arg4[%dma_start3A_295, %multiple_of3A_288] : memref<32x1000000xf32, #tpu.memory_space<hbm>> -> memref<32x128xf32, #tpu.memory_space<hbm>>
      %dma_start3A_297 = arith.constant 0 : i32
      %dma_start3A_298 = arith.constant 0 : i32
      %dma_start3A_299 = tpu.memref_slice %arg10[%dma_start3A_289, %dma_start3A_290, %dma_start3A_297, %dma_start3A_298] : memref<2x4x32x128xf32, #tpu.memory_space<vmem>> -> memref<1x1x32x128xf32, #tpu.memory_space<vmem>>
      %dma_start3A_300 = tpu.memref_squeeze %dma_start3A_299 : memref<1x1x32x128xf32, #tpu.memory_space<vmem>> -> memref<32x128xf32, #tpu.memory_space<vmem>>
      %dma_start3A_301 = arith.constant 0 : i32
      %dma_start3A_302 = tpu.memref_slice %arg4[%dma_start3A_301, %multiple_of3A_288] : memref<32x1000000xf32, #tpu.memory_space<hbm>> -> memref<32x128xf32, #tpu.memory_space<hbm>>
      tpu.enqueue_dma source(%dma_start3A_302 : memref<32x128xf32, #tpu.memory_space<hbm>>) target(%dma_start3A_300 : memref<32x128xf32, #tpu.memory_space<vmem>>) target_semaphore(%arg17 : memref<!tpu.dma_semaphore, #tpu.memory_space<semaphore_mem>>)
      %mul3A_303 = arith.constant 128 : i32
      %mul3A_304 = arith.muli %shift_right_logical3A_285, %mul3A_303 : i32
      %multiple_of3A_305 = tpu.assume_multiple %mul3A_304, 128 : i32
      %dma_start3A_306 = arith.constant 1 : i32
      %dma_start3A_307 = arith.constant 1 : i32
      %dma_start3A_308 = arith.constant 0 : i32
      %dma_start3A_309 = arith.constant 0 : i32
      %dma_start3A_310 = tpu.memref_slice %arg11[%dma_start3A_306, %dma_start3A_307, %dma_start3A_308, %dma_start3A_309] : memref<2x4x32x128xf32, #tpu.memory_space<vmem>> -> memref<1x1x32x128xf32, #tpu.memory_space<vmem>>
      %dma_start3A_311 = tpu.memref_squeeze %dma_start3A_310 : memref<1x1x32x128xf32, #tpu.memory_space<vmem>> -> memref<32x128xf32, #tpu.memory_space<vmem>>
      %dma_start3A_312 = arith.constant 0 : i32
      %dma_start3A_313 = tpu.memref_slice %arg5[%dma_start3A_312, %multiple_of3A_305] : memref<32x1000000xf32, #tpu.memory_space<hbm>> -> memref<32x128xf32, #tpu.memory_space<hbm>>
      %dma_start3A_314 = arith.constant 0 : i32
      %dma_start3A_315 = arith.constant 0 : i32
      %dma_start3A_316 = tpu.memref_slice %arg11[%dma_start3A_306, %dma_start3A_307, %dma_start3A_314, %dma_start3A_315] : memref<2x4x32x128xf32, #tpu.memory_space<vmem>> -> memref<1x1x32x128xf32, #tpu.memory_space<vmem>>
      %dma_start3A_317 = tpu.memref_squeeze %dma_start3A_316 : memref<1x1x32x128xf32, #tpu.memory_space<vmem>> -> memref<32x128xf32, #tpu.memory_space<vmem>>
      %dma_start3A_318 = arith.constant 0 : i32
      %dma_start3A_319 = tpu.memref_slice %arg5[%dma_start3A_318, %multiple_of3A_305] : memref<32x1000000xf32, #tpu.memory_space<hbm>> -> memref<32x128xf32, #tpu.memory_space<hbm>>
      tpu.enqueue_dma source(%dma_start3A_319 : memref<32x128xf32, #tpu.memory_space<hbm>>) target(%dma_start3A_317 : memref<32x128xf32, #tpu.memory_space<vmem>>) target_semaphore(%arg17 : memref<!tpu.dma_semaphore, #tpu.memory_space<semaphore_mem>>)
      %shift_right_logical3A_320 = arith.constant 7 : i32
      %shift_right_logical3A_321 = arith.shrui %squeeze3A_44, %shift_right_logical3A_320 : i32
      %shift_right_logical3A_322 = arith.constant 7 : i32
      %shift_right_logical3A_323 = arith.shrui %squeeze3A_76, %shift_right_logical3A_322 : i32
      %mul3A_324 = arith.constant 128 : i32
      %mul3A_325 = arith.muli %shift_right_logical3A_321, %mul3A_324 : i32
      %multiple_of3A_326 = tpu.assume_multiple %mul3A_325, 128 : i32
      %dma_start3A_327 = arith.constant 1 : i32
      %dma_start3A_328 = arith.constant 2 : i32
      %dma_start3A_329 = arith.constant 0 : i32
      %dma_start3A_330 = arith.constant 0 : i32
      %dma_start3A_331 = tpu.memref_slice %arg10[%dma_start3A_327, %dma_start3A_328, %dma_start3A_329, %dma_start3A_330] : memref<2x4x32x128xf32, #tpu.memory_space<vmem>> -> memref<1x1x32x128xf32, #tpu.memory_space<vmem>>
      %dma_start3A_332 = tpu.memref_squeeze %dma_start3A_331 : memref<1x1x32x128xf32, #tpu.memory_space<vmem>> -> memref<32x128xf32, #tpu.memory_space<vmem>>
      %dma_start3A_333 = arith.constant 0 : i32
      %dma_start3A_334 = tpu.memref_slice %arg4[%dma_start3A_333, %multiple_of3A_326] : memref<32x1000000xf32, #tpu.memory_space<hbm>> -> memref<32x128xf32, #tpu.memory_space<hbm>>
      %dma_start3A_335 = arith.constant 0 : i32
      %dma_start3A_336 = arith.constant 0 : i32
      %dma_start3A_337 = tpu.memref_slice %arg10[%dma_start3A_327, %dma_start3A_328, %dma_start3A_335, %dma_start3A_336] : memref<2x4x32x128xf32, #tpu.memory_space<vmem>> -> memref<1x1x32x128xf32, #tpu.memory_space<vmem>>
      %dma_start3A_338 = tpu.memref_squeeze %dma_start3A_337 : memref<1x1x32x128xf32, #tpu.memory_space<vmem>> -> memref<32x128xf32, #tpu.memory_space<vmem>>
      %dma_start3A_339 = arith.constant 0 : i32
      %dma_start3A_340 = tpu.memref_slice %arg4[%dma_start3A_339, %multiple_of3A_326] : memref<32x1000000xf32, #tpu.memory_space<hbm>> -> memref<32x128xf32, #tpu.memory_space<hbm>>
      tpu.enqueue_dma source(%dma_start3A_340 : memref<32x128xf32, #tpu.memory_space<hbm>>) target(%dma_start3A_338 : memref<32x128xf32, #tpu.memory_space<vmem>>) target_semaphore(%arg17 : memref<!tpu.dma_semaphore, #tpu.memory_space<semaphore_mem>>)
      %mul3A_341 = arith.constant 128 : i32
      %mul3A_342 = arith.muli %shift_right_logical3A_323, %mul3A_341 : i32
      %multiple_of3A_343 = tpu.assume_multiple %mul3A_342, 128 : i32
      %dma_start3A_344 = arith.constant 1 : i32
      %dma_start3A_345 = arith.constant 2 : i32
      %dma_start3A_346 = arith.constant 0 : i32
      %dma_start3A_347 = arith.constant 0 : i32
      %dma_start3A_348 = tpu.memref_slice %arg11[%dma_start3A_344, %dma_start3A_345, %dma_start3A_346, %dma_start3A_347] : memref<2x4x32x128xf32, #tpu.memory_space<vmem>> -> memref<1x1x32x128xf32, #tpu.memory_space<vmem>>
      %dma_start3A_349 = tpu.memref_squeeze %dma_start3A_348 : memref<1x1x32x128xf32, #tpu.memory_space<vmem>> -> memref<32x128xf32, #tpu.memory_space<vmem>>
      %dma_start3A_350 = arith.constant 0 : i32
      %dma_start3A_351 = tpu.memref_slice %arg5[%dma_start3A_350, %multiple_of3A_343] : memref<32x1000000xf32, #tpu.memory_space<hbm>> -> memref<32x128xf32, #tpu.memory_space<hbm>>
      %dma_start3A_352 = arith.constant 0 : i32
      %dma_start3A_353 = arith.constant 0 : i32
      %dma_start3A_354 = tpu.memref_slice %arg11[%dma_start3A_344, %dma_start3A_345, %dma_start3A_352, %dma_start3A_353] : memref<2x4x32x128xf32, #tpu.memory_space<vmem>> -> memref<1x1x32x128xf32, #tpu.memory_space<vmem>>
      %dma_start3A_355 = tpu.memref_squeeze %dma_start3A_354 : memref<1x1x32x128xf32, #tpu.memory_space<vmem>> -> memref<32x128xf32, #tpu.memory_space<vmem>>
      %dma_start3A_356 = arith.constant 0 : i32
      %dma_start3A_357 = tpu.memref_slice %arg5[%dma_start3A_356, %multiple_of3A_343] : memref<32x1000000xf32, #tpu.memory_space<hbm>> -> memref<32x128xf32, #tpu.memory_space<hbm>>
      tpu.enqueue_dma source(%dma_start3A_357 : memref<32x128xf32, #tpu.memory_space<hbm>>) target(%dma_start3A_355 : memref<32x128xf32, #tpu.memory_space<vmem>>) target_semaphore(%arg17 : memref<!tpu.dma_semaphore, #tpu.memory_space<semaphore_mem>>)
      %shift_right_logical3A_358 = arith.constant 7 : i32
      %shift_right_logical3A_359 = arith.shrui %squeeze3A_46, %shift_right_logical3A_358 : i32
      %shift_right_logical3A_360 = arith.constant 7 : i32
      %shift_right_logical3A_361 = arith.shrui %squeeze3A_78, %shift_right_logical3A_360 : i32
      %mul3A_362 = arith.constant 128 : i32
      %mul3A_363 = arith.muli %shift_right_logical3A_359, %mul3A_362 : i32
      %multiple_of3A_364 = tpu.assume_multiple %mul3A_363, 128 : i32
      %dma_start3A_365 = arith.constant 1 : i32
      %dma_start3A_366 = arith.constant 3 : i32
      %dma_start3A_367 = arith.constant 0 : i32
      %dma_start3A_368 = arith.constant 0 : i32
      %dma_start3A_369 = tpu.memref_slice %arg10[%dma_start3A_365, %dma_start3A_366, %dma_start3A_367, %dma_start3A_368] : memref<2x4x32x128xf32, #tpu.memory_space<vmem>> -> memref<1x1x32x128xf32, #tpu.memory_space<vmem>>
      %dma_start3A_370 = tpu.memref_squeeze %dma_start3A_369 : memref<1x1x32x128xf32, #tpu.memory_space<vmem>> -> memref<32x128xf32, #tpu.memory_space<vmem>>
      %dma_start3A_371 = arith.constant 0 : i32
      %dma_start3A_372 = tpu.memref_slice %arg4[%dma_start3A_371, %multiple_of3A_364] : memref<32x1000000xf32, #tpu.memory_space<hbm>> -> memref<32x128xf32, #tpu.memory_space<hbm>>
      %dma_start3A_373 = arith.constant 0 : i32
      %dma_start3A_374 = arith.constant 0 : i32
      %dma_start3A_375 = tpu.memref_slice %arg10[%dma_start3A_365, %dma_start3A_366, %dma_start3A_373, %dma_start3A_374] : memref<2x4x32x128xf32, #tpu.memory_space<vmem>> -> memref<1x1x32x128xf32, #tpu.memory_space<vmem>>
      %dma_start3A_376 = tpu.memref_squeeze %dma_start3A_375 : memref<1x1x32x128xf32, #tpu.memory_space<vmem>> -> memref<32x128xf32, #tpu.memory_space<vmem>>
      %dma_start3A_377 = arith.constant 0 : i32
      %dma_start3A_378 = tpu.memref_slice %arg4[%dma_start3A_377, %multiple_of3A_364] : memref<32x1000000xf32, #tpu.memory_space<hbm>> -> memref<32x128xf32, #tpu.memory_space<hbm>>
      tpu.enqueue_dma source(%dma_start3A_378 : memref<32x128xf32, #tpu.memory_space<hbm>>) target(%dma_start3A_376 : memref<32x128xf32, #tpu.memory_space<vmem>>) target_semaphore(%arg17 : memref<!tpu.dma_semaphore, #tpu.memory_space<semaphore_mem>>)
      %mul3A_379 = arith.constant 128 : i32
      %mul3A_380 = arith.muli %shift_right_logical3A_361, %mul3A_379 : i32
      %multiple_of3A_381 = tpu.assume_multiple %mul3A_380, 128 : i32
      %dma_start3A_382 = arith.constant 1 : i32
      %dma_start3A_383 = arith.constant 3 : i32
      %dma_start3A_384 = arith.constant 0 : i32
      %dma_start3A_385 = arith.constant 0 : i32
      %dma_start3A_386 = tpu.memref_slice %arg11[%dma_start3A_382, %dma_start3A_383, %dma_start3A_384, %dma_start3A_385] : memref<2x4x32x128xf32, #tpu.memory_space<vmem>> -> memref<1x1x32x128xf32, #tpu.memory_space<vmem>>
      %dma_start3A_387 = tpu.memref_squeeze %dma_start3A_386 : memref<1x1x32x128xf32, #tpu.memory_space<vmem>> -> memref<32x128xf32, #tpu.memory_space<vmem>>
      %dma_start3A_388 = arith.constant 0 : i32
      %dma_start3A_389 = tpu.memref_slice %arg5[%dma_start3A_388, %multiple_of3A_381] : memref<32x1000000xf32, #tpu.memory_space<hbm>> -> memref<32x128xf32, #tpu.memory_space<hbm>>
      %dma_start3A_390 = arith.constant 0 : i32
      %dma_start3A_391 = arith.constant 0 : i32
      %dma_start3A_392 = tpu.memref_slice %arg11[%dma_start3A_382, %dma_start3A_383, %dma_start3A_390, %dma_start3A_391] : memref<2x4x32x128xf32, #tpu.memory_space<vmem>> -> memref<1x1x32x128xf32, #tpu.memory_space<vmem>>
      %dma_start3A_393 = tpu.memref_squeeze %dma_start3A_392 : memref<1x1x32x128xf32, #tpu.memory_space<vmem>> -> memref<32x128xf32, #tpu.memory_space<vmem>>
      %dma_start3A_394 = arith.constant 0 : i32
      %dma_start3A_395 = tpu.memref_slice %arg5[%dma_start3A_394, %multiple_of3A_381] : memref<32x1000000xf32, #tpu.memory_space<hbm>> -> memref<32x128xf32, #tpu.memory_space<hbm>>
      tpu.enqueue_dma source(%dma_start3A_395 : memref<32x128xf32, #tpu.memory_space<hbm>>) target(%dma_start3A_393 : memref<32x128xf32, #tpu.memory_space<vmem>>) target_semaphore(%arg17 : memref<!tpu.dma_semaphore, #tpu.memory_space<semaphore_mem>>)
      %dma_wait3A = arith.constant 0 : i32
      %dma_wait3A_396 = arith.constant 0 : i32
      %dma_wait3A_397 = arith.constant 0 : i32
      %dma_wait3A_398 = arith.constant 0 : i32
      %dma_wait3A_399 = tpu.memref_slice %arg10[%dma_wait3A, %dma_wait3A_396, %dma_wait3A_397, %dma_wait3A_398] : memref<2x4x32x128xf32, #tpu.memory_space<vmem>> -> memref<1x1x32x128xf32, #tpu.memory_space<vmem>>
      %dma_wait3A_400 = tpu.memref_squeeze %dma_wait3A_399 : memref<1x1x32x128xf32, #tpu.memory_space<vmem>> -> memref<32x128xf32, #tpu.memory_space<vmem>>
      %dma_wait3A_401 = arith.constant 0 : i32
      %dma_wait3A_402 = arith.constant 0 : i32
      %dma_wait3A_403 = tpu.memref_slice %arg4[%dma_wait3A_401, %dma_wait3A_402] : memref<32x1000000xf32, #tpu.memory_space<hbm>> -> memref<32x128xf32, #tpu.memory_space<hbm>>
      %dma_wait3A_404 = arith.constant 0 : i32
      %dma_wait3A_405 = arith.constant 0 : i32
      %dma_wait3A_406 = tpu.memref_slice %arg10[%dma_wait3A, %dma_wait3A_396, %dma_wait3A_404, %dma_wait3A_405] : memref<2x4x32x128xf32, #tpu.memory_space<vmem>> -> memref<1x1x32x128xf32, #tpu.memory_space<vmem>>
      %dma_wait3A_407 = tpu.memref_squeeze %dma_wait3A_406 : memref<1x1x32x128xf32, #tpu.memory_space<vmem>> -> memref<32x128xf32, #tpu.memory_space<vmem>>
      %dma_wait3A_408 = arith.constant 0 : i32
      %dma_wait3A_409 = arith.constant 0 : i32
      %dma_wait3A_410 = tpu.memref_slice %arg4[%dma_wait3A_408, %dma_wait3A_409] : memref<32x1000000xf32, #tpu.memory_space<hbm>> -> memref<32x128xf32, #tpu.memory_space<hbm>>
      tpu.wait_dma2 semaphore(%arg16 : memref<!tpu.dma_semaphore, #tpu.memory_space<semaphore_mem>>) src(%dma_wait3A_410 : memref<32x128xf32, #tpu.memory_space<hbm>>) dst(%dma_wait3A_407 : memref<32x128xf32, #tpu.memory_space<vmem>>)
      %dma_wait3A_411 = arith.constant 0 : i32
      %dma_wait3A_412 = arith.constant 0 : i32
      %dma_wait3A_413 = arith.constant 0 : i32
      %dma_wait3A_414 = arith.constant 0 : i32
      %dma_wait3A_415 = tpu.memref_slice %arg11[%dma_wait3A_411, %dma_wait3A_412, %dma_wait3A_413, %dma_wait3A_414] : memref<2x4x32x128xf32, #tpu.memory_space<vmem>> -> memref<1x1x32x128xf32, #tpu.memory_space<vmem>>
      %dma_wait3A_416 = tpu.memref_squeeze %dma_wait3A_415 : memref<1x1x32x128xf32, #tpu.memory_space<vmem>> -> memref<32x128xf32, #tpu.memory_space<vmem>>
      %dma_wait3A_417 = arith.constant 0 : i32
      %dma_wait3A_418 = arith.constant 0 : i32
      %dma_wait3A_419 = tpu.memref_slice %arg5[%dma_wait3A_417, %dma_wait3A_418] : memref<32x1000000xf32, #tpu.memory_space<hbm>> -> memref<32x128xf32, #tpu.memory_space<hbm>>
      %dma_wait3A_420 = arith.constant 0 : i32
      %dma_wait3A_421 = arith.constant 0 : i32
      %dma_wait3A_422 = tpu.memref_slice %arg11[%dma_wait3A_411, %dma_wait3A_412, %dma_wait3A_420, %dma_wait3A_421] : memref<2x4x32x128xf32, #tpu.memory_space<vmem>> -> memref<1x1x32x128xf32, #tpu.memory_space<vmem>>
      %dma_wait3A_423 = tpu.memref_squeeze %dma_wait3A_422 : memref<1x1x32x128xf32, #tpu.memory_space<vmem>> -> memref<32x128xf32, #tpu.memory_space<vmem>>
      %dma_wait3A_424 = arith.constant 0 : i32
      %dma_wait3A_425 = arith.constant 0 : i32
      %dma_wait3A_426 = tpu.memref_slice %arg5[%dma_wait3A_424, %dma_wait3A_425] : memref<32x1000000xf32, #tpu.memory_space<hbm>> -> memref<32x128xf32, #tpu.memory_space<hbm>>
      tpu.wait_dma2 semaphore(%arg16 : memref<!tpu.dma_semaphore, #tpu.memory_space<semaphore_mem>>) src(%dma_wait3A_426 : memref<32x128xf32, #tpu.memory_space<hbm>>) dst(%dma_wait3A_423 : memref<32x128xf32, #tpu.memory_space<vmem>>)
      %dma_wait3A_427 = arith.constant 0 : i32
      %dma_wait3A_428 = arith.constant 1 : i32
      %dma_wait3A_429 = arith.constant 0 : i32
      %dma_wait3A_430 = arith.constant 0 : i32
      %dma_wait3A_431 = tpu.memref_slice %arg10[%dma_wait3A_427, %dma_wait3A_428, %dma_wait3A_429, %dma_wait3A_430] : memref<2x4x32x128xf32, #tpu.memory_space<vmem>> -> memref<1x1x32x128xf32, #tpu.memory_space<vmem>>
      %dma_wait3A_432 = tpu.memref_squeeze %dma_wait3A_431 : memref<1x1x32x128xf32, #tpu.memory_space<vmem>> -> memref<32x128xf32, #tpu.memory_space<vmem>>
      %dma_wait3A_433 = arith.constant 0 : i32
      %dma_wait3A_434 = arith.constant 0 : i32
      %dma_wait3A_435 = tpu.memref_slice %arg4[%dma_wait3A_433, %dma_wait3A_434] : memref<32x1000000xf32, #tpu.memory_space<hbm>> -> memref<32x128xf32, #tpu.memory_space<hbm>>
      %dma_wait3A_436 = arith.constant 0 : i32
      %dma_wait3A_437 = arith.constant 0 : i32
      %dma_wait3A_438 = tpu.memref_slice %arg10[%dma_wait3A_427, %dma_wait3A_428, %dma_wait3A_436, %dma_wait3A_437] : memref<2x4x32x128xf32, #tpu.memory_space<vmem>> -> memref<1x1x32x128xf32, #tpu.memory_space<vmem>>
      %dma_wait3A_439 = tpu.memref_squeeze %dma_wait3A_438 : memref<1x1x32x128xf32, #tpu.memory_space<vmem>> -> memref<32x128xf32, #tpu.memory_space<vmem>>
      %dma_wait3A_440 = arith.constant 0 : i32
      %dma_wait3A_441 = arith.constant 0 : i32
      %dma_wait3A_442 = tpu.memref_slice %arg4[%dma_wait3A_440, %dma_wait3A_441] : memref<32x1000000xf32, #tpu.memory_space<hbm>> -> memref<32x128xf32, #tpu.memory_space<hbm>>
      tpu.wait_dma2 semaphore(%arg16 : memref<!tpu.dma_semaphore, #tpu.memory_space<semaphore_mem>>) src(%dma_wait3A_442 : memref<32x128xf32, #tpu.memory_space<hbm>>) dst(%dma_wait3A_439 : memref<32x128xf32, #tpu.memory_space<vmem>>)
      %dma_wait3A_443 = arith.constant 0 : i32
      %dma_wait3A_444 = arith.constant 1 : i32
      %dma_wait3A_445 = arith.constant 0 : i32
      %dma_wait3A_446 = arith.constant 0 : i32
      %dma_wait3A_447 = tpu.memref_slice %arg11[%dma_wait3A_443, %dma_wait3A_444, %dma_wait3A_445, %dma_wait3A_446] : memref<2x4x32x128xf32, #tpu.memory_space<vmem>> -> memref<1x1x32x128xf32, #tpu.memory_space<vmem>>
      %dma_wait3A_448 = tpu.memref_squeeze %dma_wait3A_447 : memref<1x1x32x128xf32, #tpu.memory_space<vmem>> -> memref<32x128xf32, #tpu.memory_space<vmem>>
      %dma_wait3A_449 = arith.constant 0 : i32
      %dma_wait3A_450 = arith.constant 0 : i32
      %dma_wait3A_451 = tpu.memref_slice %arg5[%dma_wait3A_449, %dma_wait3A_450] : memref<32x1000000xf32, #tpu.memory_space<hbm>> -> memref<32x128xf32, #tpu.memory_space<hbm>>
      %dma_wait3A_452 = arith.constant 0 : i32
      %dma_wait3A_453 = arith.constant 0 : i32
      %dma_wait3A_454 = tpu.memref_slice %arg11[%dma_wait3A_443, %dma_wait3A_444, %dma_wait3A_452, %dma_wait3A_453] : memref<2x4x32x128xf32, #tpu.memory_space<vmem>> -> memref<1x1x32x128xf32, #tpu.memory_space<vmem>>
      %dma_wait3A_455 = tpu.memref_squeeze %dma_wait3A_454 : memref<1x1x32x128xf32, #tpu.memory_space<vmem>> -> memref<32x128xf32, #tpu.memory_space<vmem>>
      %dma_wait3A_456 = arith.constant 0 : i32
      %dma_wait3A_457 = arith.constant 0 : i32
      %dma_wait3A_458 = tpu.memref_slice %arg5[%dma_wait3A_456, %dma_wait3A_457] : memref<32x1000000xf32, #tpu.memory_space<hbm>> -> memref<32x128xf32, #tpu.memory_space<hbm>>
      tpu.wait_dma2 semaphore(%arg16 : memref<!tpu.dma_semaphore, #tpu.memory_space<semaphore_mem>>) src(%dma_wait3A_458 : memref<32x128xf32, #tpu.memory_space<hbm>>) dst(%dma_wait3A_455 : memref<32x128xf32, #tpu.memory_space<vmem>>)
      %dma_wait3A_459 = arith.constant 0 : i32
      %dma_wait3A_460 = arith.constant 2 : i32
      %dma_wait3A_461 = arith.constant 0 : i32
      %dma_wait3A_462 = arith.constant 0 : i32
      %dma_wait3A_463 = tpu.memref_slice %arg10[%dma_wait3A_459, %dma_wait3A_460, %dma_wait3A_461, %dma_wait3A_462] : memref<2x4x32x128xf32, #tpu.memory_space<vmem>> -> memref<1x1x32x128xf32, #tpu.memory_space<vmem>>
      %dma_wait3A_464 = tpu.memref_squeeze %dma_wait3A_463 : memref<1x1x32x128xf32, #tpu.memory_space<vmem>> -> memref<32x128xf32, #tpu.memory_space<vmem>>
      %dma_wait3A_465 = arith.constant 0 : i32
      %dma_wait3A_466 = arith.constant 0 : i32
      %dma_wait3A_467 = tpu.memref_slice %arg4[%dma_wait3A_465, %dma_wait3A_466] : memref<32x1000000xf32, #tpu.memory_space<hbm>> -> memref<32x128xf32, #tpu.memory_space<hbm>>
      %dma_wait3A_468 = arith.constant 0 : i32
      %dma_wait3A_469 = arith.constant 0 : i32
      %dma_wait3A_470 = tpu.memref_slice %arg10[%dma_wait3A_459, %dma_wait3A_460, %dma_wait3A_468, %dma_wait3A_469] : memref<2x4x32x128xf32, #tpu.memory_space<vmem>> -> memref<1x1x32x128xf32, #tpu.memory_space<vmem>>
      %dma_wait3A_471 = tpu.memref_squeeze %dma_wait3A_470 : memref<1x1x32x128xf32, #tpu.memory_space<vmem>> -> memref<32x128xf32, #tpu.memory_space<vmem>>
      %dma_wait3A_472 = arith.constant 0 : i32
      %dma_wait3A_473 = arith.constant 0 : i32
      %dma_wait3A_474 = tpu.memref_slice %arg4[%dma_wait3A_472, %dma_wait3A_473] : memref<32x1000000xf32, #tpu.memory_space<hbm>> -> memref<32x128xf32, #tpu.memory_space<hbm>>
      tpu.wait_dma2 semaphore(%arg16 : memref<!tpu.dma_semaphore, #tpu.memory_space<semaphore_mem>>) src(%dma_wait3A_474 : memref<32x128xf32, #tpu.memory_space<hbm>>) dst(%dma_wait3A_471 : memref<32x128xf32, #tpu.memory_space<vmem>>)
      %dma_wait3A_475 = arith.constant 0 : i32
      %dma_wait3A_476 = arith.constant 2 : i32
      %dma_wait3A_477 = arith.constant 0 : i32
      %dma_wait3A_478 = arith.constant 0 : i32
      %dma_wait3A_479 = tpu.memref_slice %arg11[%dma_wait3A_475, %dma_wait3A_476, %dma_wait3A_477, %dma_wait3A_478] : memref<2x4x32x128xf32, #tpu.memory_space<vmem>> -> memref<1x1x32x128xf32, #tpu.memory_space<vmem>>
      %dma_wait3A_480 = tpu.memref_squeeze %dma_wait3A_479 : memref<1x1x32x128xf32, #tpu.memory_space<vmem>> -> memref<32x128xf32, #tpu.memory_space<vmem>>
      %dma_wait3A_481 = arith.constant 0 : i32
      %dma_wait3A_482 = arith.constant 0 : i32
      %dma_wait3A_483 = tpu.memref_slice %arg5[%dma_wait3A_481, %dma_wait3A_482] : memref<32x1000000xf32, #tpu.memory_space<hbm>> -> memref<32x128xf32, #tpu.memory_space<hbm>>
      %dma_wait3A_484 = arith.constant 0 : i32
      %dma_wait3A_485 = arith.constant 0 : i32
      %dma_wait3A_486 = tpu.memref_slice %arg11[%dma_wait3A_475, %dma_wait3A_476, %dma_wait3A_484, %dma_wait3A_485] : memref<2x4x32x128xf32, #tpu.memory_space<vmem>> -> memref<1x1x32x128xf32, #tpu.memory_space<vmem>>
      %dma_wait3A_487 = tpu.memref_squeeze %dma_wait3A_486 : memref<1x1x32x128xf32, #tpu.memory_space<vmem>> -> memref<32x128xf32, #tpu.memory_space<vmem>>
      %dma_wait3A_488 = arith.constant 0 : i32
      %dma_wait3A_489 = arith.constant 0 : i32
      %dma_wait3A_490 = tpu.memref_slice %arg5[%dma_wait3A_488, %dma_wait3A_489] : memref<32x1000000xf32, #tpu.memory_space<hbm>> -> memref<32x128xf32, #tpu.memory_space<hbm>>
      tpu.wait_dma2 semaphore(%arg16 : memref<!tpu.dma_semaphore, #tpu.memory_space<semaphore_mem>>) src(%dma_wait3A_490 : memref<32x128xf32, #tpu.memory_space<hbm>>) dst(%dma_wait3A_487 : memref<32x128xf32, #tpu.memory_space<vmem>>)
      %dma_wait3A_491 = arith.constant 0 : i32
      %dma_wait3A_492 = arith.constant 3 : i32
      %dma_wait3A_493 = arith.constant 0 : i32
      %dma_wait3A_494 = arith.constant 0 : i32
      %dma_wait3A_495 = tpu.memref_slice %arg10[%dma_wait3A_491, %dma_wait3A_492, %dma_wait3A_493, %dma_wait3A_494] : memref<2x4x32x128xf32, #tpu.memory_space<vmem>> -> memref<1x1x32x128xf32, #tpu.memory_space<vmem>>
      %dma_wait3A_496 = tpu.memref_squeeze %dma_wait3A_495 : memref<1x1x32x128xf32, #tpu.memory_space<vmem>> -> memref<32x128xf32, #tpu.memory_space<vmem>>
      %dma_wait3A_497 = arith.constant 0 : i32
      %dma_wait3A_498 = arith.constant 0 : i32
      %dma_wait3A_499 = tpu.memref_slice %arg4[%dma_wait3A_497, %dma_wait3A_498] : memref<32x1000000xf32, #tpu.memory_space<hbm>> -> memref<32x128xf32, #tpu.memory_space<hbm>>
      %dma_wait3A_500 = arith.constant 0 : i32
      %dma_wait3A_501 = arith.constant 0 : i32
      %dma_wait3A_502 = tpu.memref_slice %arg10[%dma_wait3A_491, %dma_wait3A_492, %dma_wait3A_500, %dma_wait3A_501] : memref<2x4x32x128xf32, #tpu.memory_space<vmem>> -> memref<1x1x32x128xf32, #tpu.memory_space<vmem>>
      %dma_wait3A_503 = tpu.memref_squeeze %dma_wait3A_502 : memref<1x1x32x128xf32, #tpu.memory_space<vmem>> -> memref<32x128xf32, #tpu.memory_space<vmem>>
      %dma_wait3A_504 = arith.constant 0 : i32
      %dma_wait3A_505 = arith.constant 0 : i32
      %dma_wait3A_506 = tpu.memref_slice %arg4[%dma_wait3A_504, %dma_wait3A_505] : memref<32x1000000xf32, #tpu.memory_space<hbm>> -> memref<32x128xf32, #tpu.memory_space<hbm>>
      tpu.wait_dma2 semaphore(%arg16 : memref<!tpu.dma_semaphore, #tpu.memory_space<semaphore_mem>>) src(%dma_wait3A_506 : memref<32x128xf32, #tpu.memory_space<hbm>>) dst(%dma_wait3A_503 : memref<32x128xf32, #tpu.memory_space<vmem>>)
      %dma_wait3A_507 = arith.constant 0 : i32
      %dma_wait3A_508 = arith.constant 3 : i32
      %dma_wait3A_509 = arith.constant 0 : i32
      %dma_wait3A_510 = arith.constant 0 : i32
      %dma_wait3A_511 = tpu.memref_slice %arg11[%dma_wait3A_507, %dma_wait3A_508, %dma_wait3A_509, %dma_wait3A_510] : memref<2x4x32x128xf32, #tpu.memory_space<vmem>> -> memref<1x1x32x128xf32, #tpu.memory_space<vmem>>
      %dma_wait3A_512 = tpu.memref_squeeze %dma_wait3A_511 : memref<1x1x32x128xf32, #tpu.memory_space<vmem>> -> memref<32x128xf32, #tpu.memory_space<vmem>>
      %dma_wait3A_513 = arith.constant 0 : i32
      %dma_wait3A_514 = arith.constant 0 : i32
      %dma_wait3A_515 = tpu.memref_slice %arg5[%dma_wait3A_513, %dma_wait3A_514] : memref<32x1000000xf32, #tpu.memory_space<hbm>> -> memref<32x128xf32, #tpu.memory_space<hbm>>
      %dma_wait3A_516 = arith.constant 0 : i32
      %dma_wait3A_517 = arith.constant 0 : i32
      %dma_wait3A_518 = tpu.memref_slice %arg11[%dma_wait3A_507, %dma_wait3A_508, %dma_wait3A_516, %dma_wait3A_517] : memref<2x4x32x128xf32, #tpu.memory_space<vmem>> -> memref<1x1x32x128xf32, #tpu.memory_space<vmem>>
      %dma_wait3A_519 = tpu.memref_squeeze %dma_wait3A_518 : memref<1x1x32x128xf32, #tpu.memory_space<vmem>> -> memref<32x128xf32, #tpu.memory_space<vmem>>
      %dma_wait3A_520 = arith.constant 0 : i32
      %dma_wait3A_521 = arith.constant 0 : i32
      %dma_wait3A_522 = tpu.memref_slice %arg5[%dma_wait3A_520, %dma_wait3A_521] : memref<32x1000000xf32, #tpu.memory_space<hbm>> -> memref<32x128xf32, #tpu.memory_space<hbm>>
      tpu.wait_dma2 semaphore(%arg16 : memref<!tpu.dma_semaphore, #tpu.memory_space<semaphore_mem>>) src(%dma_wait3A_522 : memref<32x128xf32, #tpu.memory_space<hbm>>) dst(%dma_wait3A_519 : memref<32x128xf32, #tpu.memory_space<vmem>>)
      %broadcast_in_dim3A = arith.constant 0 : i32
      %broadcast_in_dim3A_523 = vector.broadcast %broadcast_in_dim3A : i32 to vector<16xi32>
      %mul3A_524 = arith.constant 16 : i32
      %mul3A_525 = arith.muli %scan3A_22, %mul3A_524 : i32
      %add3A_526 = arith.constant 0 : i32
      %add3A_527 = arith.addi %mul3A_525, %add3A_526 : i32
      %add3A_528 = arith.constant 0 : i32
      %add3A_529 = arith.addi %add3A_527, %add3A_528 : i32
      %broadcast_in_dim3A_530 = arith.constant 0 : i32
      %broadcast_in_dim3A_531 = vector.broadcast %broadcast_in_dim3A_530 : i32 to vector<16xi32>
      %and3A = arith.constant 127 : i32
      %and3A_532 = arith.andi %squeeze3A_32, %and3A : i32
      %broadcast_in_dim3A_533 = vector.broadcast %and3A_532 : i32 to vector<16xi32>
      %and3A_534 = arith.constant 127 : i32
      %and3A_535 = arith.andi %squeeze3A_64, %and3A_534 : i32
      %broadcast_in_dim3A_536 = vector.broadcast %and3A_535 : i32 to vector<16xi32>
      %gather3A = tpu.vector_load_idx %arg10[%broadcast_in_dim3A_523, %broadcast_in_dim3A_531, %iota3A, %broadcast_in_dim3A_533] : memref<2x4x32x128xf32, #tpu.memory_space<vmem>>[vector<16xi32>, vector<16xi32>, vector<16xi32>, vector<16xi32>], vector<16xf32>,
      %add3A_537 = arith.constant 16 : i32
      %add3A_538 = vector.broadcast %add3A_537 : i32 to vector<16xi32>
      %add3A_539 = arith.addi %iota3A, %add3A_538 : vector<16xi32>
      %gather3A_540 = tpu.vector_load_idx %arg10[%broadcast_in_dim3A_523, %broadcast_in_dim3A_531, %add3A_539, %broadcast_in_dim3A_533] : memref<2x4x32x128xf32, #tpu.memory_space<vmem>>[vector<16xi32>, vector<16xi32>, vector<16xi32>, vector<16xi32>], vector<16xf32>,
      %gather3A_541 = tpu.vector_load_idx %arg11[%broadcast_in_dim3A_523, %broadcast_in_dim3A_531, %iota3A, %broadcast_in_dim3A_536] : memref<2x4x32x128xf32, #tpu.memory_space<vmem>>[vector<16xi32>, vector<16xi32>, vector<16xi32>, vector<16xi32>], vector<16xf32>,
      %add3A_542 = arith.constant 16 : i32
      %add3A_543 = vector.broadcast %add3A_542 : i32 to vector<16xi32>
      %add3A_544 = arith.addi %iota3A, %add3A_543 : vector<16xi32>
      %gather3A_545 = tpu.vector_load_idx %arg11[%broadcast_in_dim3A_523, %broadcast_in_dim3A_531, %add3A_544, %broadcast_in_dim3A_536] : memref<2x4x32x128xf32, #tpu.memory_space<vmem>>[vector<16xi32>, vector<16xi32>, vector<16xi32>, vector<16xi32>], vector<16xf32>,
      %mul3A_546 = arith.mulf %gather3A, %gather3A_541 : vector<16xf32>
      %mul3A_547 = arith.mulf %mul3A_546, %get3A_3 : vector<16xf32>
      %mul3A_548 = arith.mulf %gather3A_540, %gather3A_545 : vector<16xf32>
      %mul3A_549 = arith.mulf %mul3A_548, %get3A_5 : vector<16xf32>
      %add3A_550 = arith.addf %mul3A_547, %mul3A_549 : vector<16xf32>
      %mul3A_551 = arith.constant 16 : i32
      %mul3A_552 = arith.muli %add3A_529, %mul3A_551 : i32
      %swap3A = arith.index_cast %mul3A_552 : i32 to index
      %swap3A_553 = tpu.vector_load %arg12[%swap3A] {strides = array<i32>} : memref<8192xf32, #tpu.memory_space<vmem>>, vector<16xf32>,
      tpu.vector_store %arg12[%swap3A], %add3A_550 {strides = array<i32>} : memref<8192xf32, #tpu.memory_space<vmem>>, vector<16xf32>,
      %mul3A_554 = arith.constant 16 : i32
      %mul3A_555 = arith.muli %scan3A_22, %mul3A_554 : i32
      %add3A_556 = arith.constant 0 : i32
      %add3A_557 = arith.addi %mul3A_555, %add3A_556 : i32
      %add3A_558 = arith.constant 1 : i32
      %add3A_559 = arith.addi %add3A_557, %add3A_558 : i32
      %broadcast_in_dim3A_560 = arith.constant 1 : i32
      %broadcast_in_dim3A_561 = vector.broadcast %broadcast_in_dim3A_560 : i32 to vector<16xi32>
      %and3A_562 = arith.constant 127 : i32
      %and3A_563 = arith.andi %squeeze3A_34, %and3A_562 : i32
      %broadcast_in_dim3A_564 = vector.broadcast %and3A_563 : i32 to vector<16xi32>
      %and3A_565 = arith.constant 127 : i32
      %and3A_566 = arith.andi %squeeze3A_66, %and3A_565 : i32
      %broadcast_in_dim3A_567 = vector.broadcast %and3A_566 : i32 to vector<16xi32>
      %gather3A_568 = tpu.vector_load_idx %arg10[%broadcast_in_dim3A_523, %broadcast_in_dim3A_561, %iota3A, %broadcast_in_dim3A_564] : memref<2x4x32x128xf32, #tpu.memory_space<vmem>>[vector<16xi32>, vector<16xi32>, vector<16xi32>, vector<16xi32>], vector<16xf32>,
      %add3A_569 = arith.constant 16 : i32
      %add3A_570 = vector.broadcast %add3A_569 : i32 to vector<16xi32>
      %add3A_571 = arith.addi %iota3A, %add3A_570 : vector<16xi32>
      %gather3A_572 = tpu.vector_load_idx %arg10[%broadcast_in_dim3A_523, %broadcast_in_dim3A_561, %add3A_571, %broadcast_in_dim3A_564] : memref<2x4x32x128xf32, #tpu.memory_space<vmem>>[vector<16xi32>, vector<16xi32>, vector<16xi32>, vector<16xi32>], vector<16xf32>,
      %gather3A_573 = tpu.vector_load_idx %arg11[%broadcast_in_dim3A_523, %broadcast_in_dim3A_561, %iota3A, %broadcast_in_dim3A_567] : memref<2x4x32x128xf32, #tpu.memory_space<vmem>>[vector<16xi32>, vector<16xi32>, vector<16xi32>, vector<16xi32>], vector<16xf32>,
      %add3A_574 = arith.constant 16 : i32
      %add3A_575 = vector.broadcast %add3A_574 : i32 to vector<16xi32>
      %add3A_576 = arith.addi %iota3A, %add3A_575 : vector<16xi32>
      %gather3A_577 = tpu.vector_load_idx %arg11[%broadcast_in_dim3A_523, %broadcast_in_dim3A_561, %add3A_576, %broadcast_in_dim3A_567] : memref<2x4x32x128xf32, #tpu.memory_space<vmem>>[vector<16xi32>, vector<16xi32>, vector<16xi32>, vector<16xi32>], vector<16xf32>,
      %mul3A_578 = arith.mulf %gather3A_568, %gather3A_573 : vector<16xf32>
      %mul3A_579 = arith.mulf %mul3A_578, %get3A_3 : vector<16xf32>
      %mul3A_580 = arith.mulf %gather3A_572, %gather3A_577 : vector<16xf32>
      %mul3A_581 = arith.mulf %mul3A_580, %get3A_5 : vector<16xf32>
      %add3A_582 = arith.addf %mul3A_579, %mul3A_581 : vector<16xf32>
      %mul3A_583 = arith.constant 16 : i32
      %mul3A_584 = arith.muli %add3A_559, %mul3A_583 : i32
      %swap3A_585 = arith.index_cast %mul3A_584 : i32 to index
      %swap3A_586 = tpu.vector_load %arg12[%swap3A_585] {strides = array<i32>} : memref<8192xf32, #tpu.memory_space<vmem>>, vector<16xf32>,
      tpu.vector_store %arg12[%swap3A_585], %add3A_582 {strides = array<i32>} : memref<8192xf32, #tpu.memory_space<vmem>>, vector<16xf32>,
      %mul3A_587 = arith.constant 16 : i32
      %mul3A_588 = arith.muli %scan3A_22, %mul3A_587 : i32
      %add3A_589 = arith.constant 0 : i32
      %add3A_590 = arith.addi %mul3A_588, %add3A_589 : i32
      %add3A_591 = arith.constant 2 : i32
      %add3A_592 = arith.addi %add3A_590, %add3A_591 : i32
      %broadcast_in_dim3A_593 = arith.constant 2 : i32
      %broadcast_in_dim3A_594 = vector.broadcast %broadcast_in_dim3A_593 : i32 to vector<16xi32>
      %and3A_595 = arith.constant 127 : i32
      %and3A_596 = arith.andi %squeeze3A_36, %and3A_595 : i32
      %broadcast_in_dim3A_597 = vector.broadcast %and3A_596 : i32 to vector<16xi32>
      %and3A_598 = arith.constant 127 : i32
      %and3A_599 = arith.andi %squeeze3A_68, %and3A_598 : i32
      %broadcast_in_dim3A_600 = vector.broadcast %and3A_599 : i32 to vector<16xi32>
      %gather3A_601 = tpu.vector_load_idx %arg10[%broadcast_in_dim3A_523, %broadcast_in_dim3A_594, %iota3A, %broadcast_in_dim3A_597] : memref<2x4x32x128xf32, #tpu.memory_space<vmem>>[vector<16xi32>, vector<16xi32>, vector<16xi32>, vector<16xi32>], vector<16xf32>,
      %add3A_602 = arith.constant 16 : i32
      %add3A_603 = vector.broadcast %add3A_602 : i32 to vector<16xi32>
      %add3A_604 = arith.addi %iota3A, %add3A_603 : vector<16xi32>
      %gather3A_605 = tpu.vector_load_idx %arg10[%broadcast_in_dim3A_523, %broadcast_in_dim3A_594, %add3A_604, %broadcast_in_dim3A_597] : memref<2x4x32x128xf32, #tpu.memory_space<vmem>>[vector<16xi32>, vector<16xi32>, vector<16xi32>, vector<16xi32>], vector<16xf32>,
      %gather3A_606 = tpu.vector_load_idx %arg11[%broadcast_in_dim3A_523, %broadcast_in_dim3A_594, %iota3A, %broadcast_in_dim3A_600] : memref<2x4x32x128xf32, #tpu.memory_space<vmem>>[vector<16xi32>, vector<16xi32>, vector<16xi32>, vector<16xi32>], vector<16xf32>,
      %add3A_607 = arith.constant 16 : i32
      %add3A_608 = vector.broadcast %add3A_607 : i32 to vector<16xi32>
      %add3A_609 = arith.addi %iota3A, %add3A_608 : vector<16xi32>
      %gather3A_610 = tpu.vector_load_idx %arg11[%broadcast_in_dim3A_523, %broadcast_in_dim3A_594, %add3A_609, %broadcast_in_dim3A_600] : memref<2x4x32x128xf32, #tpu.memory_space<vmem>>[vector<16xi32>, vector<16xi32>, vector<16xi32>, vector<16xi32>], vector<16xf32>,
      %mul3A_611 = arith.mulf %gather3A_601, %gather3A_606 : vector<16xf32>
      %mul3A_612 = arith.mulf %mul3A_611, %get3A_3 : vector<16xf32>
      %mul3A_613 = arith.mulf %gather3A_605, %gather3A_610 : vector<16xf32>
      %mul3A_614 = arith.mulf %mul3A_613, %get3A_5 : vector<16xf32>
      %add3A_615 = arith.addf %mul3A_612, %mul3A_614 : vector<16xf32>
      %mul3A_616 = arith.constant 16 : i32
      %mul3A_617 = arith.muli %add3A_592, %mul3A_616 : i32
      %swap3A_618 = arith.index_cast %mul3A_617 : i32 to index
      %swap3A_619 = tpu.vector_load %arg12[%swap3A_618] {strides = array<i32>} : memref<8192xf32, #tpu.memory_space<vmem>>, vector<16xf32>,
      tpu.vector_store %arg12[%swap3A_618], %add3A_615 {strides = array<i32>} : memref<8192xf32, #tpu.memory_space<vmem>>, vector<16xf32>,
      %mul3A_620 = arith.constant 16 : i32
      %mul3A_621 = arith.muli %scan3A_22, %mul3A_620 : i32
      %add3A_622 = arith.constant 0 : i32
      %add3A_623 = arith.addi %mul3A_621, %add3A_622 : i32
      %add3A_624 = arith.constant 3 : i32
      %add3A_625 = arith.addi %add3A_623, %add3A_624 : i32
      %broadcast_in_dim3A_626 = arith.constant 3 : i32
      %broadcast_in_dim3A_627 = vector.broadcast %broadcast_in_dim3A_626 : i32 to vector<16xi32>
      %and3A_628 = arith.constant 127 : i32
      %and3A_629 = arith.andi %squeeze3A_38, %and3A_628 : i32
      %broadcast_in_dim3A_630 = vector.broadcast %and3A_629 : i32 to vector<16xi32>
      %and3A_631 = arith.constant 127 : i32
      %and3A_632 = arith.andi %squeeze3A_70, %and3A_631 : i32
      %broadcast_in_dim3A_633 = vector.broadcast %and3A_632 : i32 to vector<16xi32>
      %gather3A_634 = tpu.vector_load_idx %arg10[%broadcast_in_dim3A_523, %broadcast_in_dim3A_627, %iota3A, %broadcast_in_dim3A_630] : memref<2x4x32x128xf32, #tpu.memory_space<vmem>>[vector<16xi32>, vector<16xi32>, vector<16xi32>, vector<16xi32>], vector<16xf32>,
      %add3A_635 = arith.constant 16 : i32
      %add3A_636 = vector.broadcast %add3A_635 : i32 to vector<16xi32>
      %add3A_637 = arith.addi %iota3A, %add3A_636 : vector<16xi32>
      %gather3A_638 = tpu.vector_load_idx %arg10[%broadcast_in_dim3A_523, %broadcast_in_dim3A_627, %add3A_637, %broadcast_in_dim3A_630] : memref<2x4x32x128xf32, #tpu.memory_space<vmem>>[vector<16xi32>, vector<16xi32>, vector<16xi32>, vector<16xi32>], vector<16xf32>,
      %gather3A_639 = tpu.vector_load_idx %arg11[%broadcast_in_dim3A_523, %broadcast_in_dim3A_627, %iota3A, %broadcast_in_dim3A_633] : memref<2x4x32x128xf32, #tpu.memory_space<vmem>>[vector<16xi32>, vector<16xi32>, vector<16xi32>, vector<16xi32>], vector<16xf32>,
      %add3A_640 = arith.constant 16 : i32
      %add3A_641 = vector.broadcast %add3A_640 : i32 to vector<16xi32>
      %add3A_642 = arith.addi %iota3A, %add3A_641 : vector<16xi32>
      %gather3A_643 = tpu.vector_load_idx %arg11[%broadcast_in_dim3A_523, %broadcast_in_dim3A_627, %add3A_642, %broadcast_in_dim3A_633] : memref<2x4x32x128xf32, #tpu.memory_space<vmem>>[vector<16xi32>, vector<16xi32>, vector<16xi32>, vector<16xi32>], vector<16xf32>,
      %mul3A_644 = arith.mulf %gather3A_634, %gather3A_639 : vector<16xf32>
      %mul3A_645 = arith.mulf %mul3A_644, %get3A_3 : vector<16xf32>
      %mul3A_646 = arith.mulf %gather3A_638, %gather3A_643 : vector<16xf32>
      %mul3A_647 = arith.mulf %mul3A_646, %get3A_5 : vector<16xf32>
      %add3A_648 = arith.addf %mul3A_645, %mul3A_647 : vector<16xf32>
      %mul3A_649 = arith.constant 16 : i32
      %mul3A_650 = arith.muli %add3A_625, %mul3A_649 : i32
      %swap3A_651 = arith.index_cast %mul3A_650 : i32 to index
      %swap3A_652 = tpu.vector_load %arg12[%swap3A_651] {strides = array<i32>} : memref<8192xf32, #tpu.memory_space<vmem>>, vector<16xf32>,
      tpu.vector_store %arg12[%swap3A_651], %add3A_648 {strides = array<i32>} : memref<8192xf32, #tpu.memory_space<vmem>>, vector<16xf32>,
      %shift_right_logical3A_653 = arith.constant 7 : i32
      %shift_right_logical3A_654 = arith.shrui %squeeze3A_48, %shift_right_logical3A_653 : i32
      %shift_right_logical3A_655 = arith.constant 7 : i32
      %shift_right_logical3A_656 = arith.shrui %squeeze3A_80, %shift_right_logical3A_655 : i32
      %mul3A_657 = arith.constant 128 : i32
      %mul3A_658 = arith.muli %shift_right_logical3A_654, %mul3A_657 : i32
      %multiple_of3A_659 = tpu.assume_multiple %mul3A_658, 128 : i32
      %dma_start3A_660 = arith.constant 0 : i32
      %dma_start3A_661 = arith.constant 0 : i32
      %dma_start3A_662 = arith.constant 0 : i32
      %dma_start3A_663 = arith.constant 0 : i32
      %dma_start3A_664 = tpu.memref_slice %arg10[%dma_start3A_660, %dma_start3A_661, %dma_start3A_662, %dma_start3A_663] : memref<2x4x32x128xf32, #tpu.memory_space<vmem>> -> memref<1x1x32x128xf32, #tpu.memory_space<vmem>>
      %dma_start3A_665 = tpu.memref_squeeze %dma_start3A_664 : memref<1x1x32x128xf32, #tpu.memory_space<vmem>> -> memref<32x128xf32, #tpu.memory_space<vmem>>
      %dma_start3A_666 = arith.constant 0 : i32
      %dma_start3A_667 = tpu.memref_slice %arg4[%dma_start3A_666, %multiple_of3A_659] : memref<32x1000000xf32, #tpu.memory_space<hbm>> -> memref<32x128xf32, #tpu.memory_space<hbm>>
      %dma_start3A_668 = arith.constant 0 : i32
      %dma_start3A_669 = arith.constant 0 : i32
      %dma_start3A_670 = tpu.memref_slice %arg10[%dma_start3A_660, %dma_start3A_661, %dma_start3A_668, %dma_start3A_669] : memref<2x4x32x128xf32, #tpu.memory_space<vmem>> -> memref<1x1x32x128xf32, #tpu.memory_space<vmem>>
      %dma_start3A_671 = tpu.memref_squeeze %dma_start3A_670 : memref<1x1x32x128xf32, #tpu.memory_space<vmem>> -> memref<32x128xf32, #tpu.memory_space<vmem>>
      %dma_start3A_672 = arith.constant 0 : i32
      %dma_start3A_673 = tpu.memref_slice %arg4[%dma_start3A_672, %multiple_of3A_659] : memref<32x1000000xf32, #tpu.memory_space<hbm>> -> memref<32x128xf32, #tpu.memory_space<hbm>>
      tpu.enqueue_dma source(%dma_start3A_673 : memref<32x128xf32, #tpu.memory_space<hbm>>) target(%dma_start3A_671 : memref<32x128xf32, #tpu.memory_space<vmem>>) target_semaphore(%arg16 : memref<!tpu.dma_semaphore, #tpu.memory_space<semaphore_mem>>)
      %mul3A_674 = arith.constant 128 : i32
      %mul3A_675 = arith.muli %shift_right_logical3A_656, %mul3A_674 : i32
      %multiple_of3A_676 = tpu.assume_multiple %mul3A_675, 128 : i32
      %dma_start3A_677 = arith.constant 0 : i32
      %dma_start3A_678 = arith.constant 0 : i32
      %dma_start3A_679 = arith.constant 0 : i32
      %dma_start3A_680 = arith.constant 0 : i32
      %dma_start3A_681 = tpu.memref_slice %arg11[%dma_start3A_677, %dma_start3A_678, %dma_start3A_679, %dma_start3A_680] : memref<2x4x32x128xf32, #tpu.memory_space<vmem>> -> memref<1x1x32x128xf32, #tpu.memory_space<vmem>>
      %dma_start3A_682 = tpu.memref_squeeze %dma_start3A_681 : memref<1x1x32x128xf32, #tpu.memory_space<vmem>> -> memref<32x128xf32, #tpu.memory_space<vmem>>
      %dma_start3A_683 = arith.constant 0 : i32
      %dma_start3A_684 = tpu.memref_slice %arg5[%dma_start3A_683, %multiple_of3A_676] : memref<32x1000000xf32, #tpu.memory_space<hbm>> -> memref<32x128xf32, #tpu.memory_space<hbm>>
      %dma_start3A_685 = arith.constant 0 : i32
      %dma_start3A_686 = arith.constant 0 : i32
      %dma_start3A_687 = tpu.memref_slice %arg11[%dma_start3A_677, %dma_start3A_678, %dma_start3A_685, %dma_start3A_686] : memref<2x4x32x128xf32, #tpu.memory_space<vmem>> -> memref<1x1x32x128xf32, #tpu.memory_space<vmem>>
      %dma_start3A_688 = tpu.memref_squeeze %dma_start3A_687 : memref<1x1x32x128xf32, #tpu.memory_space<vmem>> -> memref<32x128xf32, #tpu.memory_space<vmem>>
      %dma_start3A_689 = arith.constant 0 : i32
      %dma_start3A_690 = tpu.memref_slice %arg5[%dma_start3A_689, %multiple_of3A_676] : memref<32x1000000xf32, #tpu.memory_space<hbm>> -> memref<32x128xf32, #tpu.memory_space<hbm>>
      tpu.enqueue_dma source(%dma_start3A_690 : memref<32x128xf32, #tpu.memory_space<hbm>>) target(%dma_start3A_688 : memref<32x128xf32, #tpu.memory_space<vmem>>) target_semaphore(%arg16 : memref<!tpu.dma_semaphore, #tpu.memory_space<semaphore_mem>>)
      %shift_right_logical3A_691 = arith.constant 7 : i32
      %shift_right_logical3A_692 = arith.shrui %squeeze3A_50, %shift_right_logical3A_691 : i32
      %shift_right_logical3A_693 = arith.constant 7 : i32
      %shift_right_logical3A_694 = arith.shrui %squeeze3A_82, %shift_right_logical3A_693 : i32
      %mul3A_695 = arith.constant 128 : i32
      %mul3A_696 = arith.muli %shift_right_logical3A_692, %mul3A_695 : i32
      %multiple_of3A_697 = tpu.assume_multiple %mul3A_696, 128 : i32
      %dma_start3A_698 = arith.constant 0 : i32
      %dma_start3A_699 = arith.constant 1 : i32
      %dma_start3A_700 = arith.constant 0 : i32
      %dma_start3A_701 = arith.constant 0 : i32
      %dma_start3A_702 = tpu.memref_slice %arg10[%dma_start3A_698, %dma_start3A_699, %dma_start3A_700, %dma_start3A_701] : memref<2x4x32x128xf32, #tpu.memory_space<vmem>> -> memref<1x1x32x128xf32, #tpu.memory_space<vmem>>
      %dma_start3A_703 = tpu.memref_squeeze %dma_start3A_702 : memref<1x1x32x128xf32, #tpu.memory_space<vmem>> -> memref<32x128xf32, #tpu.memory_space<vmem>>
      %dma_start3A_704 = arith.constant 0 : i32
      %dma_start3A_705 = tpu.memref_slice %arg4[%dma_start3A_704, %multiple_of3A_697] : memref<32x1000000xf32, #tpu.memory_space<hbm>> -> memref<32x128xf32, #tpu.memory_space<hbm>>
      %dma_start3A_706 = arith.constant 0 : i32
      %dma_start3A_707 = arith.constant 0 : i32
      %dma_start3A_708 = tpu.memref_slice %arg10[%dma_start3A_698, %dma_start3A_699, %dma_start3A_706, %dma_start3A_707] : memref<2x4x32x128xf32, #tpu.memory_space<vmem>> -> memref<1x1x32x128xf32, #tpu.memory_space<vmem>>
      %dma_start3A_709 = tpu.memref_squeeze %dma_start3A_708 : memref<1x1x32x128xf32, #tpu.memory_space<vmem>> -> memref<32x128xf32, #tpu.memory_space<vmem>>
      %dma_start3A_710 = arith.constant 0 : i32
      %dma_start3A_711 = tpu.memref_slice %arg4[%dma_start3A_710, %multiple_of3A_697] : memref<32x1000000xf32, #tpu.memory_space<hbm>> -> memref<32x128xf32, #tpu.memory_space<hbm>>
      tpu.enqueue_dma source(%dma_start3A_711 : memref<32x128xf32, #tpu.memory_space<hbm>>) target(%dma_start3A_709 : memref<32x128xf32, #tpu.memory_space<vmem>>) target_semaphore(%arg16 : memref<!tpu.dma_semaphore, #tpu.memory_space<semaphore_mem>>)
      %mul3A_712 = arith.constant 128 : i32
      %mul3A_713 = arith.muli %shift_right_logical3A_694, %mul3A_712 : i32
      %multiple_of3A_714 = tpu.assume_multiple %mul3A_713, 128 : i32
      %dma_start3A_715 = arith.constant 0 : i32
      %dma_start3A_716 = arith.constant 1 : i32
      %dma_start3A_717 = arith.constant 0 : i32
      %dma_start3A_718 = arith.constant 0 : i32
      %dma_start3A_719 = tpu.memref_slice %arg11[%dma_start3A_715, %dma_start3A_716, %dma_start3A_717, %dma_start3A_718] : memref<2x4x32x128xf32, #tpu.memory_space<vmem>> -> memref<1x1x32x128xf32, #tpu.memory_space<vmem>>
      %dma_start3A_720 = tpu.memref_squeeze %dma_start3A_719 : memref<1x1x32x128xf32, #tpu.memory_space<vmem>> -> memref<32x128xf32, #tpu.memory_space<vmem>>
      %dma_start3A_721 = arith.constant 0 : i32
      %dma_start3A_722 = tpu.memref_slice %arg5[%dma_start3A_721, %multiple_of3A_714] : memref<32x1000000xf32, #tpu.memory_space<hbm>> -> memref<32x128xf32, #tpu.memory_space<hbm>>
      %dma_start3A_723 = arith.constant 0 : i32
      %dma_start3A_724 = arith.constant 0 : i32
      %dma_start3A_725 = tpu.memref_slice %arg11[%dma_start3A_715, %dma_start3A_716, %dma_start3A_723, %dma_start3A_724] : memref<2x4x32x128xf32, #tpu.memory_space<vmem>> -> memref<1x1x32x128xf32, #tpu.memory_space<vmem>>
      %dma_start3A_726 = tpu.memref_squeeze %dma_start3A_725 : memref<1x1x32x128xf32, #tpu.memory_space<vmem>> -> memref<32x128xf32, #tpu.memory_space<vmem>>
      %dma_start3A_727 = arith.constant 0 : i32
      %dma_start3A_728 = tpu.memref_slice %arg5[%dma_start3A_727, %multiple_of3A_714] : memref<32x1000000xf32, #tpu.memory_space<hbm>> -> memref<32x128xf32, #tpu.memory_space<hbm>>
      tpu.enqueue_dma source(%dma_start3A_728 : memref<32x128xf32, #tpu.memory_space<hbm>>) target(%dma_start3A_726 : memref<32x128xf32, #tpu.memory_space<vmem>>) target_semaphore(%arg16 : memref<!tpu.dma_semaphore, #tpu.memory_space<semaphore_mem>>)
      %shift_right_logical3A_729 = arith.constant 7 : i32
      %shift_right_logical3A_730 = arith.shrui %squeeze3A_52, %shift_right_logical3A_729 : i32
      %shift_right_logical3A_731 = arith.constant 7 : i32
      %shift_right_logical3A_732 = arith.shrui %squeeze3A_84, %shift_right_logical3A_731 : i32
      %mul3A_733 = arith.constant 128 : i32
      %mul3A_734 = arith.muli %shift_right_logical3A_730, %mul3A_733 : i32
      %multiple_of3A_735 = tpu.assume_multiple %mul3A_734, 128 : i32
      %dma_start3A_736 = arith.constant 0 : i32
      %dma_start3A_737 = arith.constant 2 : i32
      %dma_start3A_738 = arith.constant 0 : i32
      %dma_start3A_739 = arith.constant 0 : i32
      %dma_start3A_740 = tpu.memref_slice %arg10[%dma_start3A_736, %dma_start3A_737, %dma_start3A_738, %dma_start3A_739] : memref<2x4x32x128xf32, #tpu.memory_space<vmem>> -> memref<1x1x32x128xf32, #tpu.memory_space<vmem>>
      %dma_start3A_741 = tpu.memref_squeeze %dma_start3A_740 : memref<1x1x32x128xf32, #tpu.memory_space<vmem>> -> memref<32x128xf32, #tpu.memory_space<vmem>>
      %dma_start3A_742 = arith.constant 0 : i32
      %dma_start3A_743 = tpu.memref_slice %arg4[%dma_start3A_742, %multiple_of3A_735] : memref<32x1000000xf32, #tpu.memory_space<hbm>> -> memref<32x128xf32, #tpu.memory_space<hbm>>
      %dma_start3A_744 = arith.constant 0 : i32
      %dma_start3A_745 = arith.constant 0 : i32
      %dma_start3A_746 = tpu.memref_slice %arg10[%dma_start3A_736, %dma_start3A_737, %dma_start3A_744, %dma_start3A_745] : memref<2x4x32x128xf32, #tpu.memory_space<vmem>> -> memref<1x1x32x128xf32, #tpu.memory_space<vmem>>
      %dma_start3A_747 = tpu.memref_squeeze %dma_start3A_746 : memref<1x1x32x128xf32, #tpu.memory_space<vmem>> -> memref<32x128xf32, #tpu.memory_space<vmem>>
      %dma_start3A_748 = arith.constant 0 : i32
      %dma_start3A_749 = tpu.memref_slice %arg4[%dma_start3A_748, %multiple_of3A_735] : memref<32x1000000xf32, #tpu.memory_space<hbm>> -> memref<32x128xf32, #tpu.memory_space<hbm>>
      tpu.enqueue_dma source(%dma_start3A_749 : memref<32x128xf32, #tpu.memory_space<hbm>>) target(%dma_start3A_747 : memref<32x128xf32, #tpu.memory_space<vmem>>) target_semaphore(%arg16 : memref<!tpu.dma_semaphore, #tpu.memory_space<semaphore_mem>>)
      %mul3A_750 = arith.constant 128 : i32
      %mul3A_751 = arith.muli %shift_right_logical3A_732, %mul3A_750 : i32
      %multiple_of3A_752 = tpu.assume_multiple %mul3A_751, 128 : i32
      %dma_start3A_753 = arith.constant 0 : i32
      %dma_start3A_754 = arith.constant 2 : i32
      %dma_start3A_755 = arith.constant 0 : i32
      %dma_start3A_756 = arith.constant 0 : i32
      %dma_start3A_757 = tpu.memref_slice %arg11[%dma_start3A_753, %dma_start3A_754, %dma_start3A_755, %dma_start3A_756] : memref<2x4x32x128xf32, #tpu.memory_space<vmem>> -> memref<1x1x32x128xf32, #tpu.memory_space<vmem>>
      %dma_start3A_758 = tpu.memref_squeeze %dma_start3A_757 : memref<1x1x32x128xf32, #tpu.memory_space<vmem>> -> memref<32x128xf32, #tpu.memory_space<vmem>>
      %dma_start3A_759 = arith.constant 0 : i32
      %dma_start3A_760 = tpu.memref_slice %arg5[%dma_start3A_759, %multiple_of3A_752] : memref<32x1000000xf32, #tpu.memory_space<hbm>> -> memref<32x128xf32, #tpu.memory_space<hbm>>
      %dma_start3A_761 = arith.constant 0 : i32
      %dma_start3A_762 = arith.constant 0 : i32
      %dma_start3A_763 = tpu.memref_slice %arg11[%dma_start3A_753, %dma_start3A_754, %dma_start3A_761, %dma_start3A_762] : memref<2x4x32x128xf32, #tpu.memory_space<vmem>> -> memref<1x1x32x128xf32, #tpu.memory_space<vmem>>
      %dma_start3A_764 = tpu.memref_squeeze %dma_start3A_763 : memref<1x1x32x128xf32, #tpu.memory_space<vmem>> -> memref<32x128xf32, #tpu.memory_space<vmem>>
      %dma_start3A_765 = arith.constant 0 : i32
      %dma_start3A_766 = tpu.memref_slice %arg5[%dma_start3A_765, %multiple_of3A_752] : memref<32x1000000xf32, #tpu.memory_space<hbm>> -> memref<32x128xf32, #tpu.memory_space<hbm>>
      tpu.enqueue_dma source(%dma_start3A_766 : memref<32x128xf32, #tpu.memory_space<hbm>>) target(%dma_start3A_764 : memref<32x128xf32, #tpu.memory_space<vmem>>) target_semaphore(%arg16 : memref<!tpu.dma_semaphore, #tpu.memory_space<semaphore_mem>>)
      %shift_right_logical3A_767 = arith.constant 7 : i32
      %shift_right_logical3A_768 = arith.shrui %squeeze3A_54, %shift_right_logical3A_767 : i32
      %shift_right_logical3A_769 = arith.constant 7 : i32
      %shift_right_logical3A_770 = arith.shrui %squeeze3A_86, %shift_right_logical3A_769 : i32
      %mul3A_771 = arith.constant 128 : i32
      %mul3A_772 = arith.muli %shift_right_logical3A_768, %mul3A_771 : i32
      %multiple_of3A_773 = tpu.assume_multiple %mul3A_772, 128 : i32
      %dma_start3A_774 = arith.constant 0 : i32
      %dma_start3A_775 = arith.constant 3 : i32
      %dma_start3A_776 = arith.constant 0 : i32
      %dma_start3A_777 = arith.constant 0 : i32
      %dma_start3A_778 = tpu.memref_slice %arg10[%dma_start3A_774, %dma_start3A_775, %dma_start3A_776, %dma_start3A_777] : memref<2x4x32x128xf32, #tpu.memory_space<vmem>> -> memref<1x1x32x128xf32, #tpu.memory_space<vmem>>
      %dma_start3A_779 = tpu.memref_squeeze %dma_start3A_778 : memref<1x1x32x128xf32, #tpu.memory_space<vmem>> -> memref<32x128xf32, #tpu.memory_space<vmem>>
      %dma_start3A_780 = arith.constant 0 : i32
      %dma_start3A_781 = tpu.memref_slice %arg4[%dma_start3A_780, %multiple_of3A_773] : memref<32x1000000xf32, #tpu.memory_space<hbm>> -> memref<32x128xf32, #tpu.memory_space<hbm>>
      %dma_start3A_782 = arith.constant 0 : i32
      %dma_start3A_783 = arith.constant 0 : i32
      %dma_start3A_784 = tpu.memref_slice %arg10[%dma_start3A_774, %dma_start3A_775, %dma_start3A_782, %dma_start3A_783] : memref<2x4x32x128xf32, #tpu.memory_space<vmem>> -> memref<1x1x32x128xf32, #tpu.memory_space<vmem>>
      %dma_start3A_785 = tpu.memref_squeeze %dma_start3A_784 : memref<1x1x32x128xf32, #tpu.memory_space<vmem>> -> memref<32x128xf32, #tpu.memory_space<vmem>>
      %dma_start3A_786 = arith.constant 0 : i32
      %dma_start3A_787 = tpu.memref_slice %arg4[%dma_start3A_786, %multiple_of3A_773] : memref<32x1000000xf32, #tpu.memory_space<hbm>> -> memref<32x128xf32, #tpu.memory_space<hbm>>
      tpu.enqueue_dma source(%dma_start3A_787 : memref<32x128xf32, #tpu.memory_space<hbm>>) target(%dma_start3A_785 : memref<32x128xf32, #tpu.memory_space<vmem>>) target_semaphore(%arg16 : memref<!tpu.dma_semaphore, #tpu.memory_space<semaphore_mem>>)
      %mul3A_788 = arith.constant 128 : i32
      %mul3A_789 = arith.muli %shift_right_logical3A_770, %mul3A_788 : i32
      %multiple_of3A_790 = tpu.assume_multiple %mul3A_789, 128 : i32
      %dma_start3A_791 = arith.constant 0 : i32
      %dma_start3A_792 = arith.constant 3 : i32
      %dma_start3A_793 = arith.constant 0 : i32
      %dma_start3A_794 = arith.constant 0 : i32
      %dma_start3A_795 = tpu.memref_slice %arg11[%dma_start3A_791, %dma_start3A_792, %dma_start3A_793, %dma_start3A_794] : memref<2x4x32x128xf32, #tpu.memory_space<vmem>> -> memref<1x1x32x128xf32, #tpu.memory_space<vmem>>
      %dma_start3A_796 = tpu.memref_squeeze %dma_start3A_795 : memref<1x1x32x128xf32, #tpu.memory_space<vmem>> -> memref<32x128xf32, #tpu.memory_space<vmem>>
      %dma_start3A_797 = arith.constant 0 : i32
      %dma_start3A_798 = tpu.memref_slice %arg5[%dma_start3A_797, %multiple_of3A_790] : memref<32x1000000xf32, #tpu.memory_space<hbm>> -> memref<32x128xf32, #tpu.memory_space<hbm>>
      %dma_start3A_799 = arith.constant 0 : i32
      %dma_start3A_800 = arith.constant 0 : i32
      %dma_start3A_801 = tpu.memref_slice %arg11[%dma_start3A_791, %dma_start3A_792, %dma_start3A_799, %dma_start3A_800] : memref<2x4x32x128xf32, #tpu.memory_space<vmem>> -> memref<1x1x32x128xf32, #tpu.memory_space<vmem>>
      %dma_start3A_802 = tpu.memref_squeeze %dma_start3A_801 : memref<1x1x32x128xf32, #tpu.memory_space<vmem>> -> memref<32x128xf32, #tpu.memory_space<vmem>>
      %dma_start3A_803 = arith.constant 0 : i32
      %dma_start3A_804 = tpu.memref_slice %arg5[%dma_start3A_803, %multiple_of3A_790] : memref<32x1000000xf32, #tpu.memory_space<hbm>> -> memref<32x128xf32, #tpu.memory_space<hbm>>
      tpu.enqueue_dma source(%dma_start3A_804 : memref<32x128xf32, #tpu.memory_space<hbm>>) target(%dma_start3A_802 : memref<32x128xf32, #tpu.memory_space<vmem>>) target_semaphore(%arg16 : memref<!tpu.dma_semaphore, #tpu.memory_space<semaphore_mem>>)
      %dma_wait3A_805 = arith.constant 1 : i32
      %dma_wait3A_806 = arith.constant 0 : i32
      %dma_wait3A_807 = arith.constant 0 : i32
      %dma_wait3A_808 = arith.constant 0 : i32
      %dma_wait3A_809 = tpu.memref_slice %arg10[%dma_wait3A_805, %dma_wait3A_806, %dma_wait3A_807, %dma_wait3A_808] : memref<2x4x32x128xf32, #tpu.memory_space<vmem>> -> memref<1x1x32x128xf32, #tpu.memory_space<vmem>>
      %dma_wait3A_810 = tpu.memref_squeeze %dma_wait3A_809 : memref<1x1x32x128xf32, #tpu.memory_space<vmem>> -> memref<32x128xf32, #tpu.memory_space<vmem>>
      %dma_wait3A_811 = arith.constant 0 : i32
      %dma_wait3A_812 = arith.constant 0 : i32
      %dma_wait3A_813 = tpu.memref_slice %arg4[%dma_wait3A_811, %dma_wait3A_812] : memref<32x1000000xf32, #tpu.memory_space<hbm>> -> memref<32x128xf32, #tpu.memory_space<hbm>>
      %dma_wait3A_814 = arith.constant 0 : i32
      %dma_wait3A_815 = arith.constant 0 : i32
      %dma_wait3A_816 = tpu.memref_slice %arg10[%dma_wait3A_805, %dma_wait3A_806, %dma_wait3A_814, %dma_wait3A_815] : memref<2x4x32x128xf32, #tpu.memory_space<vmem>> -> memref<1x1x32x128xf32, #tpu.memory_space<vmem>>
      %dma_wait3A_817 = tpu.memref_squeeze %dma_wait3A_816 : memref<1x1x32x128xf32, #tpu.memory_space<vmem>> -> memref<32x128xf32, #tpu.memory_space<vmem>>
      %dma_wait3A_818 = arith.constant 0 : i32
      %dma_wait3A_819 = arith.constant 0 : i32
      %dma_wait3A_820 = tpu.memref_slice %arg4[%dma_wait3A_818, %dma_wait3A_819] : memref<32x1000000xf32, #tpu.memory_space<hbm>> -> memref<32x128xf32, #tpu.memory_space<hbm>>
      tpu.wait_dma2 semaphore(%arg17 : memref<!tpu.dma_semaphore, #tpu.memory_space<semaphore_mem>>) src(%dma_wait3A_820 : memref<32x128xf32, #tpu.memory_space<hbm>>) dst(%dma_wait3A_817 : memref<32x128xf32, #tpu.memory_space<vmem>>)
      %dma_wait3A_821 = arith.constant 1 : i32
      %dma_wait3A_822 = arith.constant 0 : i32
      %dma_wait3A_823 = arith.constant 0 : i32
      %dma_wait3A_824 = arith.constant 0 : i32
      %dma_wait3A_825 = tpu.memref_slice %arg11[%dma_wait3A_821, %dma_wait3A_822, %dma_wait3A_823, %dma_wait3A_824] : memref<2x4x32x128xf32, #tpu.memory_space<vmem>> -> memref<1x1x32x128xf32, #tpu.memory_space<vmem>>
      %dma_wait3A_826 = tpu.memref_squeeze %dma_wait3A_825 : memref<1x1x32x128xf32, #tpu.memory_space<vmem>> -> memref<32x128xf32, #tpu.memory_space<vmem>>
      %dma_wait3A_827 = arith.constant 0 : i32
      %dma_wait3A_828 = arith.constant 0 : i32
      %dma_wait3A_829 = tpu.memref_slice %arg5[%dma_wait3A_827, %dma_wait3A_828] : memref<32x1000000xf32, #tpu.memory_space<hbm>> -> memref<32x128xf32, #tpu.memory_space<hbm>>
      %dma_wait3A_830 = arith.constant 0 : i32
      %dma_wait3A_831 = arith.constant 0 : i32
      %dma_wait3A_832 = tpu.memref_slice %arg11[%dma_wait3A_821, %dma_wait3A_822, %dma_wait3A_830, %dma_wait3A_831] : memref<2x4x32x128xf32, #tpu.memory_space<vmem>> -> memref<1x1x32x128xf32, #tpu.memory_space<vmem>>
      %dma_wait3A_833 = tpu.memref_squeeze %dma_wait3A_832 : memref<1x1x32x128xf32, #tpu.memory_space<vmem>> -> memref<32x128xf32, #tpu.memory_space<vmem>>
      %dma_wait3A_834 = arith.constant 0 : i32
      %dma_wait3A_835 = arith.constant 0 : i32
      %dma_wait3A_836 = tpu.memref_slice %arg5[%dma_wait3A_834, %dma_wait3A_835] : memref<32x1000000xf32, #tpu.memory_space<hbm>> -> memref<32x128xf32, #tpu.memory_space<hbm>>
      tpu.wait_dma2 semaphore(%arg17 : memref<!tpu.dma_semaphore, #tpu.memory_space<semaphore_mem>>) src(%dma_wait3A_836 : memref<32x128xf32, #tpu.memory_space<hbm>>) dst(%dma_wait3A_833 : memref<32x128xf32, #tpu.memory_space<vmem>>)
      %dma_wait3A_837 = arith.constant 1 : i32
      %dma_wait3A_838 = arith.constant 1 : i32
      %dma_wait3A_839 = arith.constant 0 : i32
      %dma_wait3A_840 = arith.constant 0 : i32
      %dma_wait3A_841 = tpu.memref_slice %arg10[%dma_wait3A_837, %dma_wait3A_838, %dma_wait3A_839, %dma_wait3A_840] : memref<2x4x32x128xf32, #tpu.memory_space<vmem>> -> memref<1x1x32x128xf32, #tpu.memory_space<vmem>>
      %dma_wait3A_842 = tpu.memref_squeeze %dma_wait3A_841 : memref<1x1x32x128xf32, #tpu.memory_space<vmem>> -> memref<32x128xf32, #tpu.memory_space<vmem>>
      %dma_wait3A_843 = arith.constant 0 : i32
      %dma_wait3A_844 = arith.constant 0 : i32
      %dma_wait3A_845 = tpu.memref_slice %arg4[%dma_wait3A_843, %dma_wait3A_844] : memref<32x1000000xf32, #tpu.memory_space<hbm>> -> memref<32x128xf32, #tpu.memory_space<hbm>>
      %dma_wait3A_846 = arith.constant 0 : i32
      %dma_wait3A_847 = arith.constant 0 : i32
      %dma_wait3A_848 = tpu.memref_slice %arg10[%dma_wait3A_837, %dma_wait3A_838, %dma_wait3A_846, %dma_wait3A_847] : memref<2x4x32x128xf32, #tpu.memory_space<vmem>> -> memref<1x1x32x128xf32, #tpu.memory_space<vmem>>
      %dma_wait3A_849 = tpu.memref_squeeze %dma_wait3A_848 : memref<1x1x32x128xf32, #tpu.memory_space<vmem>> -> memref<32x128xf32, #tpu.memory_space<vmem>>
      %dma_wait3A_850 = arith.constant 0 : i32
      %dma_wait3A_851 = arith.constant 0 : i32
      %dma_wait3A_852 = tpu.memref_slice %arg4[%dma_wait3A_850, %dma_wait3A_851] : memref<32x1000000xf32, #tpu.memory_space<hbm>> -> memref<32x128xf32, #tpu.memory_space<hbm>>
      tpu.wait_dma2 semaphore(%arg17 : memref<!tpu.dma_semaphore, #tpu.memory_space<semaphore_mem>>) src(%dma_wait3A_852 : memref<32x128xf32, #tpu.memory_space<hbm>>) dst(%dma_wait3A_849 : memref<32x128xf32, #tpu.memory_space<vmem>>)
      %dma_wait3A_853 = arith.constant 1 : i32
      %dma_wait3A_854 = arith.constant 1 : i32
      %dma_wait3A_855 = arith.constant 0 : i32
      %dma_wait3A_856 = arith.constant 0 : i32
      %dma_wait3A_857 = tpu.memref_slice %arg11[%dma_wait3A_853, %dma_wait3A_854, %dma_wait3A_855, %dma_wait3A_856] : memref<2x4x32x128xf32, #tpu.memory_space<vmem>> -> memref<1x1x32x128xf32, #tpu.memory_space<vmem>>
      %dma_wait3A_858 = tpu.memref_squeeze %dma_wait3A_857 : memref<1x1x32x128xf32, #tpu.memory_space<vmem>> -> memref<32x128xf32, #tpu.memory_space<vmem>>
      %dma_wait3A_859 = arith.constant 0 : i32
      %dma_wait3A_860 = arith.constant 0 : i32
      %dma_wait3A_861 = tpu.memref_slice %arg5[%dma_wait3A_859, %dma_wait3A_860] : memref<32x1000000xf32, #tpu.memory_space<hbm>> -> memref<32x128xf32, #tpu.memory_space<hbm>>
      %dma_wait3A_862 = arith.constant 0 : i32
      %dma_wait3A_863 = arith.constant 0 : i32
      %dma_wait3A_864 = tpu.memref_slice %arg11[%dma_wait3A_853, %dma_wait3A_854, %dma_wait3A_862, %dma_wait3A_863] : memref<2x4x32x128xf32, #tpu.memory_space<vmem>> -> memref<1x1x32x128xf32, #tpu.memory_space<vmem>>
      %dma_wait3A_865 = tpu.memref_squeeze %dma_wait3A_864 : memref<1x1x32x128xf32, #tpu.memory_space<vmem>> -> memref<32x128xf32, #tpu.memory_space<vmem>>
      %dma_wait3A_866 = arith.constant 0 : i32
      %dma_wait3A_867 = arith.constant 0 : i32
      %dma_wait3A_868 = tpu.memref_slice %arg5[%dma_wait3A_866, %dma_wait3A_867] : memref<32x1000000xf32, #tpu.memory_space<hbm>> -> memref<32x128xf32, #tpu.memory_space<hbm>>
      tpu.wait_dma2 semaphore(%arg17 : memref<!tpu.dma_semaphore, #tpu.memory_space<semaphore_mem>>) src(%dma_wait3A_868 : memref<32x128xf32, #tpu.memory_space<hbm>>) dst(%dma_wait3A_865 : memref<32x128xf32, #tpu.memory_space<vmem>>)
      %dma_wait3A_869 = arith.constant 1 : i32
      %dma_wait3A_870 = arith.constant 2 : i32
      %dma_wait3A_871 = arith.constant 0 : i32
      %dma_wait3A_872 = arith.constant 0 : i32
      %dma_wait3A_873 = tpu.memref_slice %arg10[%dma_wait3A_869, %dma_wait3A_870, %dma_wait3A_871, %dma_wait3A_872] : memref<2x4x32x128xf32, #tpu.memory_space<vmem>> -> memref<1x1x32x128xf32, #tpu.memory_space<vmem>>
      %dma_wait3A_874 = tpu.memref_squeeze %dma_wait3A_873 : memref<1x1x32x128xf32, #tpu.memory_space<vmem>> -> memref<32x128xf32, #tpu.memory_space<vmem>>
      %dma_wait3A_875 = arith.constant 0 : i32
      %dma_wait3A_876 = arith.constant 0 : i32
      %dma_wait3A_877 = tpu.memref_slice %arg4[%dma_wait3A_875, %dma_wait3A_876] : memref<32x1000000xf32, #tpu.memory_space<hbm>> -> memref<32x128xf32, #tpu.memory_space<hbm>>
      %dma_wait3A_878 = arith.constant 0 : i32
      %dma_wait3A_879 = arith.constant 0 : i32
      %dma_wait3A_880 = tpu.memref_slice %arg10[%dma_wait3A_869, %dma_wait3A_870, %dma_wait3A_878, %dma_wait3A_879] : memref<2x4x32x128xf32, #tpu.memory_space<vmem>> -> memref<1x1x32x128xf32, #tpu.memory_space<vmem>>
      %dma_wait3A_881 = tpu.memref_squeeze %dma_wait3A_880 : memref<1x1x32x128xf32, #tpu.memory_space<vmem>> -> memref<32x128xf32, #tpu.memory_space<vmem>>
      %dma_wait3A_882 = arith.constant 0 : i32
      %dma_wait3A_883 = arith.constant 0 : i32
      %dma_wait3A_884 = tpu.memref_slice %arg4[%dma_wait3A_882, %dma_wait3A_883] : memref<32x1000000xf32, #tpu.memory_space<hbm>> -> memref<32x128xf32, #tpu.memory_space<hbm>>
      tpu.wait_dma2 semaphore(%arg17 : memref<!tpu.dma_semaphore, #tpu.memory_space<semaphore_mem>>) src(%dma_wait3A_884 : memref<32x128xf32, #tpu.memory_space<hbm>>) dst(%dma_wait3A_881 : memref<32x128xf32, #tpu.memory_space<vmem>>)
      %dma_wait3A_885 = arith.constant 1 : i32
      %dma_wait3A_886 = arith.constant 2 : i32
      %dma_wait3A_887 = arith.constant 0 : i32
      %dma_wait3A_888 = arith.constant 0 : i32
      %dma_wait3A_889 = tpu.memref_slice %arg11[%dma_wait3A_885, %dma_wait3A_886, %dma_wait3A_887, %dma_wait3A_888] : memref<2x4x32x128xf32, #tpu.memory_space<vmem>> -> memref<1x1x32x128xf32, #tpu.memory_space<vmem>>
      %dma_wait3A_890 = tpu.memref_squeeze %dma_wait3A_889 : memref<1x1x32x128xf32, #tpu.memory_space<vmem>> -> memref<32x128xf32, #tpu.memory_space<vmem>>
      %dma_wait3A_891 = arith.constant 0 : i32
      %dma_wait3A_892 = arith.constant 0 : i32
      %dma_wait3A_893 = tpu.memref_slice %arg5[%dma_wait3A_891, %dma_wait3A_892] : memref<32x1000000xf32, #tpu.memory_space<hbm>> -> memref<32x128xf32, #tpu.memory_space<hbm>>
      %dma_wait3A_894 = arith.constant 0 : i32
      %dma_wait3A_895 = arith.constant 0 : i32
      %dma_wait3A_896 = tpu.memref_slice %arg11[%dma_wait3A_885, %dma_wait3A_886, %dma_wait3A_894, %dma_wait3A_895] : memref<2x4x32x128xf32, #tpu.memory_space<vmem>> -> memref<1x1x32x128xf32, #tpu.memory_space<vmem>>
      %dma_wait3A_897 = tpu.memref_squeeze %dma_wait3A_896 : memref<1x1x32x128xf32, #tpu.memory_space<vmem>> -> memref<32x128xf32, #tpu.memory_space<vmem>>
      %dma_wait3A_898 = arith.constant 0 : i32
      %dma_wait3A_899 = arith.constant 0 : i32
      %dma_wait3A_900 = tpu.memref_slice %arg5[%dma_wait3A_898, %dma_wait3A_899] : memref<32x1000000xf32, #tpu.memory_space<hbm>> -> memref<32x128xf32, #tpu.memory_space<hbm>>
      tpu.wait_dma2 semaphore(%arg17 : memref<!tpu.dma_semaphore, #tpu.memory_space<semaphore_mem>>) src(%dma_wait3A_900 : memref<32x128xf32, #tpu.memory_space<hbm>>) dst(%dma_wait3A_897 : memref<32x128xf32, #tpu.memory_space<vmem>>)
      %dma_wait3A_901 = arith.constant 1 : i32
      %dma_wait3A_902 = arith.constant 3 : i32
      %dma_wait3A_903 = arith.constant 0 : i32
      %dma_wait3A_904 = arith.constant 0 : i32
      %dma_wait3A_905 = tpu.memref_slice %arg10[%dma_wait3A_901, %dma_wait3A_902, %dma_wait3A_903, %dma_wait3A_904] : memref<2x4x32x128xf32, #tpu.memory_space<vmem>> -> memref<1x1x32x128xf32, #tpu.memory_space<vmem>>
      %dma_wait3A_906 = tpu.memref_squeeze %dma_wait3A_905 : memref<1x1x32x128xf32, #tpu.memory_space<vmem>> -> memref<32x128xf32, #tpu.memory_space<vmem>>
      %dma_wait3A_907 = arith.constant 0 : i32
      %dma_wait3A_908 = arith.constant 0 : i32
      %dma_wait3A_909 = tpu.memref_slice %arg4[%dma_wait3A_907, %dma_wait3A_908] : memref<32x1000000xf32, #tpu.memory_space<hbm>> -> memref<32x128xf32, #tpu.memory_space<hbm>>
      %dma_wait3A_910 = arith.constant 0 : i32
      %dma_wait3A_911 = arith.constant 0 : i32
      %dma_wait3A_912 = tpu.memref_slice %arg10[%dma_wait3A_901, %dma_wait3A_902, %dma_wait3A_910, %dma_wait3A_911] : memref<2x4x32x128xf32, #tpu.memory_space<vmem>> -> memref<1x1x32x128xf32, #tpu.memory_space<vmem>>
      %dma_wait3A_913 = tpu.memref_squeeze %dma_wait3A_912 : memref<1x1x32x128xf32, #tpu.memory_space<vmem>> -> memref<32x128xf32, #tpu.memory_space<vmem>>
      %dma_wait3A_914 = arith.constant 0 : i32
      %dma_wait3A_915 = arith.constant 0 : i32
      %dma_wait3A_916 = tpu.memref_slice %arg4[%dma_wait3A_914, %dma_wait3A_915] : memref<32x1000000xf32, #tpu.memory_space<hbm>> -> memref<32x128xf32, #tpu.memory_space<hbm>>
      tpu.wait_dma2 semaphore(%arg17 : memref<!tpu.dma_semaphore, #tpu.memory_space<semaphore_mem>>) src(%dma_wait3A_916 : memref<32x128xf32, #tpu.memory_space<hbm>>) dst(%dma_wait3A_913 : memref<32x128xf32, #tpu.memory_space<vmem>>)
      %dma_wait3A_917 = arith.constant 1 : i32
      %dma_wait3A_918 = arith.constant 3 : i32
      %dma_wait3A_919 = arith.constant 0 : i32
      %dma_wait3A_920 = arith.constant 0 : i32
      %dma_wait3A_921 = tpu.memref_slice %arg11[%dma_wait3A_917, %dma_wait3A_918, %dma_wait3A_919, %dma_wait3A_920] : memref<2x4x32x128xf32, #tpu.memory_space<vmem>> -> memref<1x1x32x128xf32, #tpu.memory_space<vmem>>
      %dma_wait3A_922 = tpu.memref_squeeze %dma_wait3A_921 : memref<1x1x32x128xf32, #tpu.memory_space<vmem>> -> memref<32x128xf32, #tpu.memory_space<vmem>>
      %dma_wait3A_923 = arith.constant 0 : i32
      %dma_wait3A_924 = arith.constant 0 : i32
      %dma_wait3A_925 = tpu.memref_slice %arg5[%dma_wait3A_923, %dma_wait3A_924] : memref<32x1000000xf32, #tpu.memory_space<hbm>> -> memref<32x128xf32, #tpu.memory_space<hbm>>
      %dma_wait3A_926 = arith.constant 0 : i32
      %dma_wait3A_927 = arith.constant 0 : i32
      %dma_wait3A_928 = tpu.memref_slice %arg11[%dma_wait3A_917, %dma_wait3A_918, %dma_wait3A_926, %dma_wait3A_927] : memref<2x4x32x128xf32, #tpu.memory_space<vmem>> -> memref<1x1x32x128xf32, #tpu.memory_space<vmem>>
      %dma_wait3A_929 = tpu.memref_squeeze %dma_wait3A_928 : memref<1x1x32x128xf32, #tpu.memory_space<vmem>> -> memref<32x128xf32, #tpu.memory_space<vmem>>
      %dma_wait3A_930 = arith.constant 0 : i32
      %dma_wait3A_931 = arith.constant 0 : i32
      %dma_wait3A_932 = tpu.memref_slice %arg5[%dma_wait3A_930, %dma_wait3A_931] : memref<32x1000000xf32, #tpu.memory_space<hbm>> -> memref<32x128xf32, #tpu.memory_space<hbm>>
      tpu.wait_dma2 semaphore(%arg17 : memref<!tpu.dma_semaphore, #tpu.memory_space<semaphore_mem>>) src(%dma_wait3A_932 : memref<32x128xf32, #tpu.memory_space<hbm>>) dst(%dma_wait3A_929 : memref<32x128xf32, #tpu.memory_space<vmem>>)
      %broadcast_in_dim3A_933 = arith.constant 1 : i32
      %broadcast_in_dim3A_934 = vector.broadcast %broadcast_in_dim3A_933 : i32 to vector<16xi32>
      %mul3A_935 = arith.constant 16 : i32
      %mul3A_936 = arith.muli %scan3A_22, %mul3A_935 : i32
      %add3A_937 = arith.constant 4 : i32
      %add3A_938 = arith.addi %mul3A_936, %add3A_937 : i32
      %add3A_939 = arith.constant 0 : i32
      %add3A_940 = arith.addi %add3A_938, %add3A_939 : i32
      %broadcast_in_dim3A_941 = arith.constant 0 : i32
      %broadcast_in_dim3A_942 = vector.broadcast %broadcast_in_dim3A_941 : i32 to vector<16xi32>
      %and3A_943 = arith.constant 127 : i32
      %and3A_944 = arith.andi %squeeze3A_40, %and3A_943 : i32
      %broadcast_in_dim3A_945 = vector.broadcast %and3A_944 : i32 to vector<16xi32>
      %and3A_946 = arith.constant 127 : i32
      %and3A_947 = arith.andi %squeeze3A_72, %and3A_946 : i32
      %broadcast_in_dim3A_948 = vector.broadcast %and3A_947 : i32 to vector<16xi32>
      %gather3A_949 = tpu.vector_load_idx %arg10[%broadcast_in_dim3A_934, %broadcast_in_dim3A_942, %iota3A, %broadcast_in_dim3A_945] : memref<2x4x32x128xf32, #tpu.memory_space<vmem>>[vector<16xi32>, vector<16xi32>, vector<16xi32>, vector<16xi32>], vector<16xf32>,
      %add3A_950 = arith.constant 16 : i32
      %add3A_951 = vector.broadcast %add3A_950 : i32 to vector<16xi32>
      %add3A_952 = arith.addi %iota3A, %add3A_951 : vector<16xi32>
      %gather3A_953 = tpu.vector_load_idx %arg10[%broadcast_in_dim3A_934, %broadcast_in_dim3A_942, %add3A_952, %broadcast_in_dim3A_945] : memref<2x4x32x128xf32, #tpu.memory_space<vmem>>[vector<16xi32>, vector<16xi32>, vector<16xi32>, vector<16xi32>], vector<16xf32>,
      %gather3A_954 = tpu.vector_load_idx %arg11[%broadcast_in_dim3A_934, %broadcast_in_dim3A_942, %iota3A, %broadcast_in_dim3A_948] : memref<2x4x32x128xf32, #tpu.memory_space<vmem>>[vector<16xi32>, vector<16xi32>, vector<16xi32>, vector<16xi32>], vector<16xf32>,
      %add3A_955 = arith.constant 16 : i32
      %add3A_956 = vector.broadcast %add3A_955 : i32 to vector<16xi32>
      %add3A_957 = arith.addi %iota3A, %add3A_956 : vector<16xi32>
      %gather3A_958 = tpu.vector_load_idx %arg11[%broadcast_in_dim3A_934, %broadcast_in_dim3A_942, %add3A_957, %broadcast_in_dim3A_948] : memref<2x4x32x128xf32, #tpu.memory_space<vmem>>[vector<16xi32>, vector<16xi32>, vector<16xi32>, vector<16xi32>], vector<16xf32>,
      %mul3A_959 = arith.mulf %gather3A_949, %gather3A_954 : vector<16xf32>
      %mul3A_960 = arith.mulf %mul3A_959, %get3A_3 : vector<16xf32>
      %mul3A_961 = arith.mulf %gather3A_953, %gather3A_958 : vector<16xf32>
      %mul3A_962 = arith.mulf %mul3A_961, %get3A_5 : vector<16xf32>
      %add3A_963 = arith.addf %mul3A_960, %mul3A_962 : vector<16xf32>
      %mul3A_964 = arith.constant 16 : i32
      %mul3A_965 = arith.muli %add3A_940, %mul3A_964 : i32
      %swap3A_966 = arith.index_cast %mul3A_965 : i32 to index
      %swap3A_967 = tpu.vector_load %arg12[%swap3A_966] {strides = array<i32>} : memref<8192xf32, #tpu.memory_space<vmem>>, vector<16xf32>,
      tpu.vector_store %arg12[%swap3A_966], %add3A_963 {strides = array<i32>} : memref<8192xf32, #tpu.memory_space<vmem>>, vector<16xf32>,
      %mul3A_968 = arith.constant 16 : i32
      %mul3A_969 = arith.muli %scan3A_22, %mul3A_968 : i32
      %add3A_970 = arith.constant 4 : i32
      %add3A_971 = arith.addi %mul3A_969, %add3A_970 : i32
      %add3A_972 = arith.constant 1 : i32
      %add3A_973 = arith.addi %add3A_971, %add3A_972 : i32
      %broadcast_in_dim3A_974 = arith.constant 1 : i32
      %broadcast_in_dim3A_975 = vector.broadcast %broadcast_in_dim3A_974 : i32 to vector<16xi32>
      %and3A_976 = arith.constant 127 : i32
      %and3A_977 = arith.andi %squeeze3A_42, %and3A_976 : i32
      %broadcast_in_dim3A_978 = vector.broadcast %and3A_977 : i32 to vector<16xi32>
      %and3A_979 = arith.constant 127 : i32
      %and3A_980 = arith.andi %squeeze3A_74, %and3A_979 : i32
      %broadcast_in_dim3A_981 = vector.broadcast %and3A_980 : i32 to vector<16xi32>
      %gather3A_982 = tpu.vector_load_idx %arg10[%broadcast_in_dim3A_934, %broadcast_in_dim3A_975, %iota3A, %broadcast_in_dim3A_978] : memref<2x4x32x128xf32, #tpu.memory_space<vmem>>[vector<16xi32>, vector<16xi32>, vector<16xi32>, vector<16xi32>], vector<16xf32>,
      %add3A_983 = arith.constant 16 : i32
      %add3A_984 = vector.broadcast %add3A_983 : i32 to vector<16xi32>
      %add3A_985 = arith.addi %iota3A, %add3A_984 : vector<16xi32>
      %gather3A_986 = tpu.vector_load_idx %arg10[%broadcast_in_dim3A_934, %broadcast_in_dim3A_975, %add3A_985, %broadcast_in_dim3A_978] : memref<2x4x32x128xf32, #tpu.memory_space<vmem>>[vector<16xi32>, vector<16xi32>, vector<16xi32>, vector<16xi32>], vector<16xf32>,
      %gather3A_987 = tpu.vector_load_idx %arg11[%broadcast_in_dim3A_934, %broadcast_in_dim3A_975, %iota3A, %broadcast_in_dim3A_981] : memref<2x4x32x128xf32, #tpu.memory_space<vmem>>[vector<16xi32>, vector<16xi32>, vector<16xi32>, vector<16xi32>], vector<16xf32>,
      %add3A_988 = arith.constant 16 : i32
      %add3A_989 = vector.broadcast %add3A_988 : i32 to vector<16xi32>
      %add3A_990 = arith.addi %iota3A, %add3A_989 : vector<16xi32>
      %gather3A_991 = tpu.vector_load_idx %arg11[%broadcast_in_dim3A_934, %broadcast_in_dim3A_975, %add3A_990, %broadcast_in_dim3A_981] : memref<2x4x32x128xf32, #tpu.memory_space<vmem>>[vector<16xi32>, vector<16xi32>, vector<16xi32>, vector<16xi32>], vector<16xf32>,
      %mul3A_992 = arith.mulf %gather3A_982, %gather3A_987 : vector<16xf32>
      %mul3A_993 = arith.mulf %mul3A_992, %get3A_3 : vector<16xf32>
      %mul3A_994 = arith.mulf %gather3A_986, %gather3A_991 : vector<16xf32>
      %mul3A_995 = arith.mulf %mul3A_994, %get3A_5 : vector<16xf32>
      %add3A_996 = arith.addf %mul3A_993, %mul3A_995 : vector<16xf32>
      %mul3A_997 = arith.constant 16 : i32
      %mul3A_998 = arith.muli %add3A_973, %mul3A_997 : i32
      %swap3A_999 = arith.index_cast %mul3A_998 : i32 to index
      %swap3A_1000 = tpu.vector_load %arg12[%swap3A_999] {strides = array<i32>} : memref<8192xf32, #tpu.memory_space<vmem>>, vector<16xf32>,
      tpu.vector_store %arg12[%swap3A_999], %add3A_996 {strides = array<i32>} : memref<8192xf32, #tpu.memory_space<vmem>>, vector<16xf32>,
      %mul3A_1001 = arith.constant 16 : i32
      %mul3A_1002 = arith.muli %scan3A_22, %mul3A_1001 : i32
      %add3A_1003 = arith.constant 4 : i32
      %add3A_1004 = arith.addi %mul3A_1002, %add3A_1003 : i32
      %add3A_1005 = arith.constant 2 : i32
      %add3A_1006 = arith.addi %add3A_1004, %add3A_1005 : i32
      %broadcast_in_dim3A_1007 = arith.constant 2 : i32
      %broadcast_in_dim3A_1008 = vector.broadcast %broadcast_in_dim3A_1007 : i32 to vector<16xi32>
      %and3A_1009 = arith.constant 127 : i32
      %and3A_1010 = arith.andi %squeeze3A_44, %and3A_1009 : i32
      %broadcast_in_dim3A_1011 = vector.broadcast %and3A_1010 : i32 to vector<16xi32>
      %and3A_1012 = arith.constant 127 : i32
      %and3A_1013 = arith.andi %squeeze3A_76, %and3A_1012 : i32
      %broadcast_in_dim3A_1014 = vector.broadcast %and3A_1013 : i32 to vector<16xi32>
      %gather3A_1015 = tpu.vector_load_idx %arg10[%broadcast_in_dim3A_934, %broadcast_in_dim3A_1008, %iota3A, %broadcast_in_dim3A_1011] : memref<2x4x32x128xf32, #tpu.memory_space<vmem>>[vector<16xi32>, vector<16xi32>, vector<16xi32>, vector<16xi32>], vector<16xf32>,
      %add3A_1016 = arith.constant 16 : i32
      %add3A_1017 = vector.broadcast %add3A_1016 : i32 to vector<16xi32>
      %add3A_1018 = arith.addi %iota3A, %add3A_1017 : vector<16xi32>
      %gather3A_1019 = tpu.vector_load_idx %arg10[%broadcast_in_dim3A_934, %broadcast_in_dim3A_1008, %add3A_1018, %broadcast_in_dim3A_1011] : memref<2x4x32x128xf32, #tpu.memory_space<vmem>>[vector<16xi32>, vector<16xi32>, vector<16xi32>, vector<16xi32>], vector<16xf32>,
      %gather3A_1020 = tpu.vector_load_idx %arg11[%broadcast_in_dim3A_934, %broadcast_in_dim3A_1008, %iota3A, %broadcast_in_dim3A_1014] : memref<2x4x32x128xf32, #tpu.memory_space<vmem>>[vector<16xi32>, vector<16xi32>, vector<16xi32>, vector<16xi32>], vector<16xf32>,
      %add3A_1021 = arith.constant 16 : i32
      %add3A_1022 = vector.broadcast %add3A_1021 : i32 to vector<16xi32>
      %add3A_1023 = arith.addi %iota3A, %add3A_1022 : vector<16xi32>
      %gather3A_1024 = tpu.vector_load_idx %arg11[%broadcast_in_dim3A_934, %broadcast_in_dim3A_1008, %add3A_1023, %broadcast_in_dim3A_1014] : memref<2x4x32x128xf32, #tpu.memory_space<vmem>>[vector<16xi32>, vector<16xi32>, vector<16xi32>, vector<16xi32>], vector<16xf32>,
      %mul3A_1025 = arith.mulf %gather3A_1015, %gather3A_1020 : vector<16xf32>
      %mul3A_1026 = arith.mulf %mul3A_1025, %get3A_3 : vector<16xf32>
      %mul3A_1027 = arith.mulf %gather3A_1019, %gather3A_1024 : vector<16xf32>
      %mul3A_1028 = arith.mulf %mul3A_1027, %get3A_5 : vector<16xf32>
      %add3A_1029 = arith.addf %mul3A_1026, %mul3A_1028 : vector<16xf32>
      %mul3A_1030 = arith.constant 16 : i32
      %mul3A_1031 = arith.muli %add3A_1006, %mul3A_1030 : i32
      %swap3A_1032 = arith.index_cast %mul3A_1031 : i32 to index
      %swap3A_1033 = tpu.vector_load %arg12[%swap3A_1032] {strides = array<i32>} : memref<8192xf32, #tpu.memory_space<vmem>>, vector<16xf32>,
      tpu.vector_store %arg12[%swap3A_1032], %add3A_1029 {strides = array<i32>} : memref<8192xf32, #tpu.memory_space<vmem>>, vector<16xf32>,
      %mul3A_1034 = arith.constant 16 : i32
      %mul3A_1035 = arith.muli %scan3A_22, %mul3A_1034 : i32
      %add3A_1036 = arith.constant 4 : i32
      %add3A_1037 = arith.addi %mul3A_1035, %add3A_1036 : i32
      %add3A_1038 = arith.constant 3 : i32
      %add3A_1039 = arith.addi %add3A_1037, %add3A_1038 : i32
      %broadcast_in_dim3A_1040 = arith.constant 3 : i32
      %broadcast_in_dim3A_1041 = vector.broadcast %broadcast_in_dim3A_1040 : i32 to vector<16xi32>
      %and3A_1042 = arith.constant 127 : i32
      %and3A_1043 = arith.andi %squeeze3A_46, %and3A_1042 : i32
      %broadcast_in_dim3A_1044 = vector.broadcast %and3A_1043 : i32 to vector<16xi32>
      %and3A_1045 = arith.constant 127 : i32
      %and3A_1046 = arith.andi %squeeze3A_78, %and3A_1045 : i32
      %broadcast_in_dim3A_1047 = vector.broadcast %and3A_1046 : i32 to vector<16xi32>
      %gather3A_1048 = tpu.vector_load_idx %arg10[%broadcast_in_dim3A_934, %broadcast_in_dim3A_1041, %iota3A, %broadcast_in_dim3A_1044] : memref<2x4x32x128xf32, #tpu.memory_space<vmem>>[vector<16xi32>, vector<16xi32>, vector<16xi32>, vector<16xi32>], vector<16xf32>,
      %add3A_1049 = arith.constant 16 : i32
      %add3A_1050 = vector.broadcast %add3A_1049 : i32 to vector<16xi32>
      %add3A_1051 = arith.addi %iota3A, %add3A_1050 : vector<16xi32>
      %gather3A_1052 = tpu.vector_load_idx %arg10[%broadcast_in_dim3A_934, %broadcast_in_dim3A_1041, %add3A_1051, %broadcast_in_dim3A_1044] : memref<2x4x32x128xf32, #tpu.memory_space<vmem>>[vector<16xi32>, vector<16xi32>, vector<16xi32>, vector<16xi32>], vector<16xf32>,
      %gather3A_1053 = tpu.vector_load_idx %arg11[%broadcast_in_dim3A_934, %broadcast_in_dim3A_1041, %iota3A, %broadcast_in_dim3A_1047] : memref<2x4x32x128xf32, #tpu.memory_space<vmem>>[vector<16xi32>, vector<16xi32>, vector<16xi32>, vector<16xi32>], vector<16xf32>,
      %add3A_1054 = arith.constant 16 : i32
      %add3A_1055 = vector.broadcast %add3A_1054 : i32 to vector<16xi32>
      %add3A_1056 = arith.addi %iota3A, %add3A_1055 : vector<16xi32>
      %gather3A_1057 = tpu.vector_load_idx %arg11[%broadcast_in_dim3A_934, %broadcast_in_dim3A_1041, %add3A_1056, %broadcast_in_dim3A_1047] : memref<2x4x32x128xf32, #tpu.memory_space<vmem>>[vector<16xi32>, vector<16xi32>, vector<16xi32>, vector<16xi32>], vector<16xf32>,
      %mul3A_1058 = arith.mulf %gather3A_1048, %gather3A_1053 : vector<16xf32>
      %mul3A_1059 = arith.mulf %mul3A_1058, %get3A_3 : vector<16xf32>
      %mul3A_1060 = arith.mulf %gather3A_1052, %gather3A_1057 : vector<16xf32>
      %mul3A_1061 = arith.mulf %mul3A_1060, %get3A_5 : vector<16xf32>
      %add3A_1062 = arith.addf %mul3A_1059, %mul3A_1061 : vector<16xf32>
      %mul3A_1063 = arith.constant 16 : i32
      %mul3A_1064 = arith.muli %add3A_1039, %mul3A_1063 : i32
      %swap3A_1065 = arith.index_cast %mul3A_1064 : i32 to index
      %swap3A_1066 = tpu.vector_load %arg12[%swap3A_1065] {strides = array<i32>} : memref<8192xf32, #tpu.memory_space<vmem>>, vector<16xf32>,
      tpu.vector_store %arg12[%swap3A_1065], %add3A_1062 {strides = array<i32>} : memref<8192xf32, #tpu.memory_space<vmem>>, vector<16xf32>,
      %shift_right_logical3A_1067 = arith.constant 7 : i32
      %shift_right_logical3A_1068 = arith.shrui %squeeze3A_56, %shift_right_logical3A_1067 : i32
      %shift_right_logical3A_1069 = arith.constant 7 : i32
      %shift_right_logical3A_1070 = arith.shrui %squeeze3A_88, %shift_right_logical3A_1069 : i32
      %mul3A_1071 = arith.constant 128 : i32
      %mul3A_1072 = arith.muli %shift_right_logical3A_1068, %mul3A_1071 : i32
      %multiple_of3A_1073 = tpu.assume_multiple %mul3A_1072, 128 : i32
      %dma_start3A_1074 = arith.constant 1 : i32
      %dma_start3A_1075 = arith.constant 0 : i32
      %dma_start3A_1076 = arith.constant 0 : i32
      %dma_start3A_1077 = arith.constant 0 : i32
      %dma_start3A_1078 = tpu.memref_slice %arg10[%dma_start3A_1074, %dma_start3A_1075, %dma_start3A_1076, %dma_start3A_1077] : memref<2x4x32x128xf32, #tpu.memory_space<vmem>> -> memref<1x1x32x128xf32, #tpu.memory_space<vmem>>
      %dma_start3A_1079 = tpu.memref_squeeze %dma_start3A_1078 : memref<1x1x32x128xf32, #tpu.memory_space<vmem>> -> memref<32x128xf32, #tpu.memory_space<vmem>>
      %dma_start3A_1080 = arith.constant 0 : i32
      %dma_start3A_1081 = tpu.memref_slice %arg4[%dma_start3A_1080, %multiple_of3A_1073] : memref<32x1000000xf32, #tpu.memory_space<hbm>> -> memref<32x128xf32, #tpu.memory_space<hbm>>
      %dma_start3A_1082 = arith.constant 0 : i32
      %dma_start3A_1083 = arith.constant 0 : i32
      %dma_start3A_1084 = tpu.memref_slice %arg10[%dma_start3A_1074, %dma_start3A_1075, %dma_start3A_1082, %dma_start3A_1083] : memref<2x4x32x128xf32, #tpu.memory_space<vmem>> -> memref<1x1x32x128xf32, #tpu.memory_space<vmem>>
      %dma_start3A_1085 = tpu.memref_squeeze %dma_start3A_1084 : memref<1x1x32x128xf32, #tpu.memory_space<vmem>> -> memref<32x128xf32, #tpu.memory_space<vmem>>
      %dma_start3A_1086 = arith.constant 0 : i32
      %dma_start3A_1087 = tpu.memref_slice %arg4[%dma_start3A_1086, %multiple_of3A_1073] : memref<32x1000000xf32, #tpu.memory_space<hbm>> -> memref<32x128xf32, #tpu.memory_space<hbm>>
      tpu.enqueue_dma source(%dma_start3A_1087 : memref<32x128xf32, #tpu.memory_space<hbm>>) target(%dma_start3A_1085 : memref<32x128xf32, #tpu.memory_space<vmem>>) target_semaphore(%arg17 : memref<!tpu.dma_semaphore, #tpu.memory_space<semaphore_mem>>)
      %mul3A_1088 = arith.constant 128 : i32
      %mul3A_1089 = arith.muli %shift_right_logical3A_1070, %mul3A_1088 : i32
      %multiple_of3A_1090 = tpu.assume_multiple %mul3A_1089, 128 : i32
      %dma_start3A_1091 = arith.constant 1 : i32
      %dma_start3A_1092 = arith.constant 0 : i32
      %dma_start3A_1093 = arith.constant 0 : i32
      %dma_start3A_1094 = arith.constant 0 : i32
      %dma_start3A_1095 = tpu.memref_slice %arg11[%dma_start3A_1091, %dma_start3A_1092, %dma_start3A_1093, %dma_start3A_1094] : memref<2x4x32x128xf32, #tpu.memory_space<vmem>> -> memref<1x1x32x128xf32, #tpu.memory_space<vmem>>
      %dma_start3A_1096 = tpu.memref_squeeze %dma_start3A_1095 : memref<1x1x32x128xf32, #tpu.memory_space<vmem>> -> memref<32x128xf32, #tpu.memory_space<vmem>>
      %dma_start3A_1097 = arith.constant 0 : i32
      %dma_start3A_1098 = tpu.memref_slice %arg5[%dma_start3A_1097, %multiple_of3A_1090] : memref<32x1000000xf32, #tpu.memory_space<hbm>> -> memref<32x128xf32, #tpu.memory_space<hbm>>
      %dma_start3A_1099 = arith.constant 0 : i32
      %dma_start3A_1100 = arith.constant 0 : i32
      %dma_start3A_1101 = tpu.memref_slice %arg11[%dma_start3A_1091, %dma_start3A_1092, %dma_start3A_1099, %dma_start3A_1100] : memref<2x4x32x128xf32, #tpu.memory_space<vmem>> -> memref<1x1x32x128xf32, #tpu.memory_space<vmem>>
      %dma_start3A_1102 = tpu.memref_squeeze %dma_start3A_1101 : memref<1x1x32x128xf32, #tpu.memory_space<vmem>> -> memref<32x128xf32, #tpu.memory_space<vmem>>
      %dma_start3A_1103 = arith.constant 0 : i32
      %dma_start3A_1104 = tpu.memref_slice %arg5[%dma_start3A_1103, %multiple_of3A_1090] : memref<32x1000000xf32, #tpu.memory_space<hbm>> -> memref<32x128xf32, #tpu.memory_space<hbm>>
      tpu.enqueue_dma source(%dma_start3A_1104 : memref<32x128xf32, #tpu.memory_space<hbm>>) target(%dma_start3A_1102 : memref<32x128xf32, #tpu.memory_space<vmem>>) target_semaphore(%arg17 : memref<!tpu.dma_semaphore, #tpu.memory_space<semaphore_mem>>)
      %shift_right_logical3A_1105 = arith.constant 7 : i32
      %shift_right_logical3A_1106 = arith.shrui %squeeze3A_58, %shift_right_logical3A_1105 : i32
      %shift_right_logical3A_1107 = arith.constant 7 : i32
      %shift_right_logical3A_1108 = arith.shrui %squeeze3A_90, %shift_right_logical3A_1107 : i32
      %mul3A_1109 = arith.constant 128 : i32
      %mul3A_1110 = arith.muli %shift_right_logical3A_1106, %mul3A_1109 : i32
      %multiple_of3A_1111 = tpu.assume_multiple %mul3A_1110, 128 : i32
      %dma_start3A_1112 = arith.constant 1 : i32
      %dma_start3A_1113 = arith.constant 1 : i32
      %dma_start3A_1114 = arith.constant 0 : i32
      %dma_start3A_1115 = arith.constant 0 : i32
      %dma_start3A_1116 = tpu.memref_slice %arg10[%dma_start3A_1112, %dma_start3A_1113, %dma_start3A_1114, %dma_start3A_1115] : memref<2x4x32x128xf32, #tpu.memory_space<vmem>> -> memref<1x1x32x128xf32, #tpu.memory_space<vmem>>
      %dma_start3A_1117 = tpu.memref_squeeze %dma_start3A_1116 : memref<1x1x32x128xf32, #tpu.memory_space<vmem>> -> memref<32x128xf32, #tpu.memory_space<vmem>>
      %dma_start3A_1118 = arith.constant 0 : i32
      %dma_start3A_1119 = tpu.memref_slice %arg4[%dma_start3A_1118, %multiple_of3A_1111] : memref<32x1000000xf32, #tpu.memory_space<hbm>> -> memref<32x128xf32, #tpu.memory_space<hbm>>
      %dma_start3A_1120 = arith.constant 0 : i32
      %dma_start3A_1121 = arith.constant 0 : i32
      %dma_start3A_1122 = tpu.memref_slice %arg10[%dma_start3A_1112, %dma_start3A_1113, %dma_start3A_1120, %dma_start3A_1121] : memref<2x4x32x128xf32, #tpu.memory_space<vmem>> -> memref<1x1x32x128xf32, #tpu.memory_space<vmem>>
      %dma_start3A_1123 = tpu.memref_squeeze %dma_start3A_1122 : memref<1x1x32x128xf32, #tpu.memory_space<vmem>> -> memref<32x128xf32, #tpu.memory_space<vmem>>
      %dma_start3A_1124 = arith.constant 0 : i32
      %dma_start3A_1125 = tpu.memref_slice %arg4[%dma_start3A_1124, %multiple_of3A_1111] : memref<32x1000000xf32, #tpu.memory_space<hbm>> -> memref<32x128xf32, #tpu.memory_space<hbm>>
      tpu.enqueue_dma source(%dma_start3A_1125 : memref<32x128xf32, #tpu.memory_space<hbm>>) target(%dma_start3A_1123 : memref<32x128xf32, #tpu.memory_space<vmem>>) target_semaphore(%arg17 : memref<!tpu.dma_semaphore, #tpu.memory_space<semaphore_mem>>)
      %mul3A_1126 = arith.constant 128 : i32
      %mul3A_1127 = arith.muli %shift_right_logical3A_1108, %mul3A_1126 : i32
      %multiple_of3A_1128 = tpu.assume_multiple %mul3A_1127, 128 : i32
      %dma_start3A_1129 = arith.constant 1 : i32
      %dma_start3A_1130 = arith.constant 1 : i32
      %dma_start3A_1131 = arith.constant 0 : i32
      %dma_start3A_1132 = arith.constant 0 : i32
      %dma_start3A_1133 = tpu.memref_slice %arg11[%dma_start3A_1129, %dma_start3A_1130, %dma_start3A_1131, %dma_start3A_1132] : memref<2x4x32x128xf32, #tpu.memory_space<vmem>> -> memref<1x1x32x128xf32, #tpu.memory_space<vmem>>
      %dma_start3A_1134 = tpu.memref_squeeze %dma_start3A_1133 : memref<1x1x32x128xf32, #tpu.memory_space<vmem>> -> memref<32x128xf32, #tpu.memory_space<vmem>>
      %dma_start3A_1135 = arith.constant 0 : i32
      %dma_start3A_1136 = tpu.memref_slice %arg5[%dma_start3A_1135, %multiple_of3A_1128] : memref<32x1000000xf32, #tpu.memory_space<hbm>> -> memref<32x128xf32, #tpu.memory_space<hbm>>
      %dma_start3A_1137 = arith.constant 0 : i32
      %dma_start3A_1138 = arith.constant 0 : i32
      %dma_start3A_1139 = tpu.memref_slice %arg11[%dma_start3A_1129, %dma_start3A_1130, %dma_start3A_1137, %dma_start3A_1138] : memref<2x4x32x128xf32, #tpu.memory_space<vmem>> -> memref<1x1x32x128xf32, #tpu.memory_space<vmem>>
      %dma_start3A_1140 = tpu.memref_squeeze %dma_start3A_1139 : memref<1x1x32x128xf32, #tpu.memory_space<vmem>> -> memref<32x128xf32, #tpu.memory_space<vmem>>
      %dma_start3A_1141 = arith.constant 0 : i32
      %dma_start3A_1142 = tpu.memref_slice %arg5[%dma_start3A_1141, %multiple_of3A_1128] : memref<32x1000000xf32, #tpu.memory_space<hbm>> -> memref<32x128xf32, #tpu.memory_space<hbm>>
      tpu.enqueue_dma source(%dma_start3A_1142 : memref<32x128xf32, #tpu.memory_space<hbm>>) target(%dma_start3A_1140 : memref<32x128xf32, #tpu.memory_space<vmem>>) target_semaphore(%arg17 : memref<!tpu.dma_semaphore, #tpu.memory_space<semaphore_mem>>)
      %shift_right_logical3A_1143 = arith.constant 7 : i32
      %shift_right_logical3A_1144 = arith.shrui %squeeze3A_60, %shift_right_logical3A_1143 : i32
      %shift_right_logical3A_1145 = arith.constant 7 : i32
      %shift_right_logical3A_1146 = arith.shrui %squeeze3A_92, %shift_right_logical3A_1145 : i32
      %mul3A_1147 = arith.constant 128 : i32
      %mul3A_1148 = arith.muli %shift_right_logical3A_1144, %mul3A_1147 : i32
      %multiple_of3A_1149 = tpu.assume_multiple %mul3A_1148, 128 : i32
      %dma_start3A_1150 = arith.constant 1 : i32
      %dma_start3A_1151 = arith.constant 2 : i32
      %dma_start3A_1152 = arith.constant 0 : i32
      %dma_start3A_1153 = arith.constant 0 : i32
      %dma_start3A_1154 = tpu.memref_slice %arg10[%dma_start3A_1150, %dma_start3A_1151, %dma_start3A_1152, %dma_start3A_1153] : memref<2x4x32x128xf32, #tpu.memory_space<vmem>> -> memref<1x1x32x128xf32, #tpu.memory_space<vmem>>
      %dma_start3A_1155 = tpu.memref_squeeze %dma_start3A_1154 : memref<1x1x32x128xf32, #tpu.memory_space<vmem>> -> memref<32x128xf32, #tpu.memory_space<vmem>>
      %dma_start3A_1156 = arith.constant 0 : i32
      %dma_start3A_1157 = tpu.memref_slice %arg4[%dma_start3A_1156, %multiple_of3A_1149] : memref<32x1000000xf32, #tpu.memory_space<hbm>> -> memref<32x128xf32, #tpu.memory_space<hbm>>
      %dma_start3A_1158 = arith.constant 0 : i32
      %dma_start3A_1159 = arith.constant 0 : i32
      %dma_start3A_1160 = tpu.memref_slice %arg10[%dma_start3A_1150, %dma_start3A_1151, %dma_start3A_1158, %dma_start3A_1159] : memref<2x4x32x128xf32, #tpu.memory_space<vmem>> -> memref<1x1x32x128xf32, #tpu.memory_space<vmem>>
      %dma_start3A_1161 = tpu.memref_squeeze %dma_start3A_1160 : memref<1x1x32x128xf32, #tpu.memory_space<vmem>> -> memref<32x128xf32, #tpu.memory_space<vmem>>
      %dma_start3A_1162 = arith.constant 0 : i32
      %dma_start3A_1163 = tpu.memref_slice %arg4[%dma_start3A_1162, %multiple_of3A_1149] : memref<32x1000000xf32, #tpu.memory_space<hbm>> -> memref<32x128xf32, #tpu.memory_space<hbm>>
      tpu.enqueue_dma source(%dma_start3A_1163 : memref<32x128xf32, #tpu.memory_space<hbm>>) target(%dma_start3A_1161 : memref<32x128xf32, #tpu.memory_space<vmem>>) target_semaphore(%arg17 : memref<!tpu.dma_semaphore, #tpu.memory_space<semaphore_mem>>)
      %mul3A_1164 = arith.constant 128 : i32
      %mul3A_1165 = arith.muli %shift_right_logical3A_1146, %mul3A_1164 : i32
      %multiple_of3A_1166 = tpu.assume_multiple %mul3A_1165, 128 : i32
      %dma_start3A_1167 = arith.constant 1 : i32
      %dma_start3A_1168 = arith.constant 2 : i32
      %dma_start3A_1169 = arith.constant 0 : i32
      %dma_start3A_1170 = arith.constant 0 : i32
      %dma_start3A_1171 = tpu.memref_slice %arg11[%dma_start3A_1167, %dma_start3A_1168, %dma_start3A_1169, %dma_start3A_1170] : memref<2x4x32x128xf32, #tpu.memory_space<vmem>> -> memref<1x1x32x128xf32, #tpu.memory_space<vmem>>
      %dma_start3A_1172 = tpu.memref_squeeze %dma_start3A_1171 : memref<1x1x32x128xf32, #tpu.memory_space<vmem>> -> memref<32x128xf32, #tpu.memory_space<vmem>>
      %dma_start3A_1173 = arith.constant 0 : i32
      %dma_start3A_1174 = tpu.memref_slice %arg5[%dma_start3A_1173, %multiple_of3A_1166] : memref<32x1000000xf32, #tpu.memory_space<hbm>> -> memref<32x128xf32, #tpu.memory_space<hbm>>
      %dma_start3A_1175 = arith.constant 0 : i32
      %dma_start3A_1176 = arith.constant 0 : i32
      %dma_start3A_1177 = tpu.memref_slice %arg11[%dma_start3A_1167, %dma_start3A_1168, %dma_start3A_1175, %dma_start3A_1176] : memref<2x4x32x128xf32, #tpu.memory_space<vmem>> -> memref<1x1x32x128xf32, #tpu.memory_space<vmem>>
      %dma_start3A_1178 = tpu.memref_squeeze %dma_start3A_1177 : memref<1x1x32x128xf32, #tpu.memory_space<vmem>> -> memref<32x128xf32, #tpu.memory_space<vmem>>
      %dma_start3A_1179 = arith.constant 0 : i32
      %dma_start3A_1180 = tpu.memref_slice %arg5[%dma_start3A_1179, %multiple_of3A_1166] : memref<32x1000000xf32, #tpu.memory_space<hbm>> -> memref<32x128xf32, #tpu.memory_space<hbm>>
      tpu.enqueue_dma source(%dma_start3A_1180 : memref<32x128xf32, #tpu.memory_space<hbm>>) target(%dma_start3A_1178 : memref<32x128xf32, #tpu.memory_space<vmem>>) target_semaphore(%arg17 : memref<!tpu.dma_semaphore, #tpu.memory_space<semaphore_mem>>)
      %shift_right_logical3A_1181 = arith.constant 7 : i32
      %shift_right_logical3A_1182 = arith.shrui %squeeze3A_62, %shift_right_logical3A_1181 : i32
      %shift_right_logical3A_1183 = arith.constant 7 : i32
      %shift_right_logical3A_1184 = arith.shrui %squeeze3A_94, %shift_right_logical3A_1183 : i32
      %mul3A_1185 = arith.constant 128 : i32
      %mul3A_1186 = arith.muli %shift_right_logical3A_1182, %mul3A_1185 : i32
      %multiple_of3A_1187 = tpu.assume_multiple %mul3A_1186, 128 : i32
      %dma_start3A_1188 = arith.constant 1 : i32
      %dma_start3A_1189 = arith.constant 3 : i32
      %dma_start3A_1190 = arith.constant 0 : i32
      %dma_start3A_1191 = arith.constant 0 : i32
      %dma_start3A_1192 = tpu.memref_slice %arg10[%dma_start3A_1188, %dma_start3A_1189, %dma_start3A_1190, %dma_start3A_1191] : memref<2x4x32x128xf32, #tpu.memory_space<vmem>> -> memref<1x1x32x128xf32, #tpu.memory_space<vmem>>
      %dma_start3A_1193 = tpu.memref_squeeze %dma_start3A_1192 : memref<1x1x32x128xf32, #tpu.memory_space<vmem>> -> memref<32x128xf32, #tpu.memory_space<vmem>>
      %dma_start3A_1194 = arith.constant 0 : i32
      %dma_start3A_1195 = tpu.memref_slice %arg4[%dma_start3A_1194, %multiple_of3A_1187] : memref<32x1000000xf32, #tpu.memory_space<hbm>> -> memref<32x128xf32, #tpu.memory_space<hbm>>
      %dma_start3A_1196 = arith.constant 0 : i32
      %dma_start3A_1197 = arith.constant 0 : i32
      %dma_start3A_1198 = tpu.memref_slice %arg10[%dma_start3A_1188, %dma_start3A_1189, %dma_start3A_1196, %dma_start3A_1197] : memref<2x4x32x128xf32, #tpu.memory_space<vmem>> -> memref<1x1x32x128xf32, #tpu.memory_space<vmem>>
      %dma_start3A_1199 = tpu.memref_squeeze %dma_start3A_1198 : memref<1x1x32x128xf32, #tpu.memory_space<vmem>> -> memref<32x128xf32, #tpu.memory_space<vmem>>
      %dma_start3A_1200 = arith.constant 0 : i32
      %dma_start3A_1201 = tpu.memref_slice %arg4[%dma_start3A_1200, %multiple_of3A_1187] : memref<32x1000000xf32, #tpu.memory_space<hbm>> -> memref<32x128xf32, #tpu.memory_space<hbm>>
      tpu.enqueue_dma source(%dma_start3A_1201 : memref<32x128xf32, #tpu.memory_space<hbm>>) target(%dma_start3A_1199 : memref<32x128xf32, #tpu.memory_space<vmem>>) target_semaphore(%arg17 : memref<!tpu.dma_semaphore, #tpu.memory_space<semaphore_mem>>)
      %mul3A_1202 = arith.constant 128 : i32
      %mul3A_1203 = arith.muli %shift_right_logical3A_1184, %mul3A_1202 : i32
      %multiple_of3A_1204 = tpu.assume_multiple %mul3A_1203, 128 : i32
      %dma_start3A_1205 = arith.constant 1 : i32
      %dma_start3A_1206 = arith.constant 3 : i32
      %dma_start3A_1207 = arith.constant 0 : i32
      %dma_start3A_1208 = arith.constant 0 : i32
      %dma_start3A_1209 = tpu.memref_slice %arg11[%dma_start3A_1205, %dma_start3A_1206, %dma_start3A_1207, %dma_start3A_1208] : memref<2x4x32x128xf32, #tpu.memory_space<vmem>> -> memref<1x1x32x128xf32, #tpu.memory_space<vmem>>
      %dma_start3A_1210 = tpu.memref_squeeze %dma_start3A_1209 : memref<1x1x32x128xf32, #tpu.memory_space<vmem>> -> memref<32x128xf32, #tpu.memory_space<vmem>>
      %dma_start3A_1211 = arith.constant 0 : i32
      %dma_start3A_1212 = tpu.memref_slice %arg5[%dma_start3A_1211, %multiple_of3A_1204] : memref<32x1000000xf32, #tpu.memory_space<hbm>> -> memref<32x128xf32, #tpu.memory_space<hbm>>
      %dma_start3A_1213 = arith.constant 0 : i32
      %dma_start3A_1214 = arith.constant 0 : i32
      %dma_start3A_1215 = tpu.memref_slice %arg11[%dma_start3A_1205, %dma_start3A_1206, %dma_start3A_1213, %dma_start3A_1214] : memref<2x4x32x128xf32, #tpu.memory_space<vmem>> -> memref<1x1x32x128xf32, #tpu.memory_space<vmem>>
      %dma_start3A_1216 = tpu.memref_squeeze %dma_start3A_1215 : memref<1x1x32x128xf32, #tpu.memory_space<vmem>> -> memref<32x128xf32, #tpu.memory_space<vmem>>
      %dma_start3A_1217 = arith.constant 0 : i32
      %dma_start3A_1218 = tpu.memref_slice %arg5[%dma_start3A_1217, %multiple_of3A_1204] : memref<32x1000000xf32, #tpu.memory_space<hbm>> -> memref<32x128xf32, #tpu.memory_space<hbm>>
      tpu.enqueue_dma source(%dma_start3A_1218 : memref<32x128xf32, #tpu.memory_space<hbm>>) target(%dma_start3A_1216 : memref<32x128xf32, #tpu.memory_space<vmem>>) target_semaphore(%arg17 : memref<!tpu.dma_semaphore, #tpu.memory_space<semaphore_mem>>)
      %dma_wait3A_1219 = arith.constant 0 : i32
      %dma_wait3A_1220 = arith.constant 0 : i32
      %dma_wait3A_1221 = arith.constant 0 : i32
      %dma_wait3A_1222 = arith.constant 0 : i32
      %dma_wait3A_1223 = tpu.memref_slice %arg10[%dma_wait3A_1219, %dma_wait3A_1220, %dma_wait3A_1221, %dma_wait3A_1222] : memref<2x4x32x128xf32, #tpu.memory_space<vmem>> -> memref<1x1x32x128xf32, #tpu.memory_space<vmem>>
      %dma_wait3A_1224 = tpu.memref_squeeze %dma_wait3A_1223 : memref<1x1x32x128xf32, #tpu.memory_space<vmem>> -> memref<32x128xf32, #tpu.memory_space<vmem>>
      %dma_wait3A_1225 = arith.constant 0 : i32
      %dma_wait3A_1226 = arith.constant 0 : i32
      %dma_wait3A_1227 = tpu.memref_slice %arg4[%dma_wait3A_1225, %dma_wait3A_1226] : memref<32x1000000xf32, #tpu.memory_space<hbm>> -> memref<32x128xf32, #tpu.memory_space<hbm>>
      %dma_wait3A_1228 = arith.constant 0 : i32
      %dma_wait3A_1229 = arith.constant 0 : i32
      %dma_wait3A_1230 = tpu.memref_slice %arg10[%dma_wait3A_1219, %dma_wait3A_1220, %dma_wait3A_1228, %dma_wait3A_1229] : memref<2x4x32x128xf32, #tpu.memory_space<vmem>> -> memref<1x1x32x128xf32, #tpu.memory_space<vmem>>
      %dma_wait3A_1231 = tpu.memref_squeeze %dma_wait3A_1230 : memref<1x1x32x128xf32, #tpu.memory_space<vmem>> -> memref<32x128xf32, #tpu.memory_space<vmem>>
      %dma_wait3A_1232 = arith.constant 0 : i32
      %dma_wait3A_1233 = arith.constant 0 : i32
      %dma_wait3A_1234 = tpu.memref_slice %arg4[%dma_wait3A_1232, %dma_wait3A_1233] : memref<32x1000000xf32, #tpu.memory_space<hbm>> -> memref<32x128xf32, #tpu.memory_space<hbm>>
      tpu.wait_dma2 semaphore(%arg16 : memref<!tpu.dma_semaphore, #tpu.memory_space<semaphore_mem>>) src(%dma_wait3A_1234 : memref<32x128xf32, #tpu.memory_space<hbm>>) dst(%dma_wait3A_1231 : memref<32x128xf32, #tpu.memory_space<vmem>>)
      %dma_wait3A_1235 = arith.constant 0 : i32
      %dma_wait3A_1236 = arith.constant 0 : i32
      %dma_wait3A_1237 = arith.constant 0 : i32
      %dma_wait3A_1238 = arith.constant 0 : i32
      %dma_wait3A_1239 = tpu.memref_slice %arg11[%dma_wait3A_1235, %dma_wait3A_1236, %dma_wait3A_1237, %dma_wait3A_1238] : memref<2x4x32x128xf32, #tpu.memory_space<vmem>> -> memref<1x1x32x128xf32, #tpu.memory_space<vmem>>
      %dma_wait3A_1240 = tpu.memref_squeeze %dma_wait3A_1239 : memref<1x1x32x128xf32, #tpu.memory_space<vmem>> -> memref<32x128xf32, #tpu.memory_space<vmem>>
      %dma_wait3A_1241 = arith.constant 0 : i32
      %dma_wait3A_1242 = arith.constant 0 : i32
      %dma_wait3A_1243 = tpu.memref_slice %arg5[%dma_wait3A_1241, %dma_wait3A_1242] : memref<32x1000000xf32, #tpu.memory_space<hbm>> -> memref<32x128xf32, #tpu.memory_space<hbm>>
      %dma_wait3A_1244 = arith.constant 0 : i32
      %dma_wait3A_1245 = arith.constant 0 : i32
      %dma_wait3A_1246 = tpu.memref_slice %arg11[%dma_wait3A_1235, %dma_wait3A_1236, %dma_wait3A_1244, %dma_wait3A_1245] : memref<2x4x32x128xf32, #tpu.memory_space<vmem>> -> memref<1x1x32x128xf32, #tpu.memory_space<vmem>>
      %dma_wait3A_1247 = tpu.memref_squeeze %dma_wait3A_1246 : memref<1x1x32x128xf32, #tpu.memory_space<vmem>> -> memref<32x128xf32, #tpu.memory_space<vmem>>
      %dma_wait3A_1248 = arith.constant 0 : i32
      %dma_wait3A_1249 = arith.constant 0 : i32
      %dma_wait3A_1250 = tpu.memref_slice %arg5[%dma_wait3A_1248, %dma_wait3A_1249] : memref<32x1000000xf32, #tpu.memory_space<hbm>> -> memref<32x128xf32, #tpu.memory_space<hbm>>
      tpu.wait_dma2 semaphore(%arg16 : memref<!tpu.dma_semaphore, #tpu.memory_space<semaphore_mem>>) src(%dma_wait3A_1250 : memref<32x128xf32, #tpu.memory_space<hbm>>) dst(%dma_wait3A_1247 : memref<32x128xf32, #tpu.memory_space<vmem>>)
      %dma_wait3A_1251 = arith.constant 0 : i32
      %dma_wait3A_1252 = arith.constant 1 : i32
      %dma_wait3A_1253 = arith.constant 0 : i32
      %dma_wait3A_1254 = arith.constant 0 : i32
      %dma_wait3A_1255 = tpu.memref_slice %arg10[%dma_wait3A_1251, %dma_wait3A_1252, %dma_wait3A_1253, %dma_wait3A_1254] : memref<2x4x32x128xf32, #tpu.memory_space<vmem>> -> memref<1x1x32x128xf32, #tpu.memory_space<vmem>>
      %dma_wait3A_1256 = tpu.memref_squeeze %dma_wait3A_1255 : memref<1x1x32x128xf32, #tpu.memory_space<vmem>> -> memref<32x128xf32, #tpu.memory_space<vmem>>
      %dma_wait3A_1257 = arith.constant 0 : i32
      %dma_wait3A_1258 = arith.constant 0 : i32
      %dma_wait3A_1259 = tpu.memref_slice %arg4[%dma_wait3A_1257, %dma_wait3A_1258] : memref<32x1000000xf32, #tpu.memory_space<hbm>> -> memref<32x128xf32, #tpu.memory_space<hbm>>
      %dma_wait3A_1260 = arith.constant 0 : i32
      %dma_wait3A_1261 = arith.constant 0 : i32
      %dma_wait3A_1262 = tpu.memref_slice %arg10[%dma_wait3A_1251, %dma_wait3A_1252, %dma_wait3A_1260, %dma_wait3A_1261] : memref<2x4x32x128xf32, #tpu.memory_space<vmem>> -> memref<1x1x32x128xf32, #tpu.memory_space<vmem>>
      %dma_wait3A_1263 = tpu.memref_squeeze %dma_wait3A_1262 : memref<1x1x32x128xf32, #tpu.memory_space<vmem>> -> memref<32x128xf32, #tpu.memory_space<vmem>>
      %dma_wait3A_1264 = arith.constant 0 : i32
      %dma_wait3A_1265 = arith.constant 0 : i32
      %dma_wait3A_1266 = tpu.memref_slice %arg4[%dma_wait3A_1264, %dma_wait3A_1265] : memref<32x1000000xf32, #tpu.memory_space<hbm>> -> memref<32x128xf32, #tpu.memory_space<hbm>>
      tpu.wait_dma2 semaphore(%arg16 : memref<!tpu.dma_semaphore, #tpu.memory_space<semaphore_mem>>) src(%dma_wait3A_1266 : memref<32x128xf32, #tpu.memory_space<hbm>>) dst(%dma_wait3A_1263 : memref<32x128xf32, #tpu.memory_space<vmem>>)
      %dma_wait3A_1267 = arith.constant 0 : i32
      %dma_wait3A_1268 = arith.constant 1 : i32
      %dma_wait3A_1269 = arith.constant 0 : i32
      %dma_wait3A_1270 = arith.constant 0 : i32
      %dma_wait3A_1271 = tpu.memref_slice %arg11[%dma_wait3A_1267, %dma_wait3A_1268, %dma_wait3A_1269, %dma_wait3A_1270] : memref<2x4x32x128xf32, #tpu.memory_space<vmem>> -> memref<1x1x32x128xf32, #tpu.memory_space<vmem>>
      %dma_wait3A_1272 = tpu.memref_squeeze %dma_wait3A_1271 : memref<1x1x32x128xf32, #tpu.memory_space<vmem>> -> memref<32x128xf32, #tpu.memory_space<vmem>>
      %dma_wait3A_1273 = arith.constant 0 : i32
      %dma_wait3A_1274 = arith.constant 0 : i32
      %dma_wait3A_1275 = tpu.memref_slice %arg5[%dma_wait3A_1273, %dma_wait3A_1274] : memref<32x1000000xf32, #tpu.memory_space<hbm>> -> memref<32x128xf32, #tpu.memory_space<hbm>>
      %dma_wait3A_1276 = arith.constant 0 : i32
      %dma_wait3A_1277 = arith.constant 0 : i32
      %dma_wait3A_1278 = tpu.memref_slice %arg11[%dma_wait3A_1267, %dma_wait3A_1268, %dma_wait3A_1276, %dma_wait3A_1277] : memref<2x4x32x128xf32, #tpu.memory_space<vmem>> -> memref<1x1x32x128xf32, #tpu.memory_space<vmem>>
      %dma_wait3A_1279 = tpu.memref_squeeze %dma_wait3A_1278 : memref<1x1x32x128xf32, #tpu.memory_space<vmem>> -> memref<32x128xf32, #tpu.memory_space<vmem>>
      %dma_wait3A_1280 = arith.constant 0 : i32
      %dma_wait3A_1281 = arith.constant 0 : i32
      %dma_wait3A_1282 = tpu.memref_slice %arg5[%dma_wait3A_1280, %dma_wait3A_1281] : memref<32x1000000xf32, #tpu.memory_space<hbm>> -> memref<32x128xf32, #tpu.memory_space<hbm>>
      tpu.wait_dma2 semaphore(%arg16 : memref<!tpu.dma_semaphore, #tpu.memory_space<semaphore_mem>>) src(%dma_wait3A_1282 : memref<32x128xf32, #tpu.memory_space<hbm>>) dst(%dma_wait3A_1279 : memref<32x128xf32, #tpu.memory_space<vmem>>)
      %dma_wait3A_1283 = arith.constant 0 : i32
      %dma_wait3A_1284 = arith.constant 2 : i32
      %dma_wait3A_1285 = arith.constant 0 : i32
      %dma_wait3A_1286 = arith.constant 0 : i32
      %dma_wait3A_1287 = tpu.memref_slice %arg10[%dma_wait3A_1283, %dma_wait3A_1284, %dma_wait3A_1285, %dma_wait3A_1286] : memref<2x4x32x128xf32, #tpu.memory_space<vmem>> -> memref<1x1x32x128xf32, #tpu.memory_space<vmem>>
      %dma_wait3A_1288 = tpu.memref_squeeze %dma_wait3A_1287 : memref<1x1x32x128xf32, #tpu.memory_space<vmem>> -> memref<32x128xf32, #tpu.memory_space<vmem>>
      %dma_wait3A_1289 = arith.constant 0 : i32
      %dma_wait3A_1290 = arith.constant 0 : i32
      %dma_wait3A_1291 = tpu.memref_slice %arg4[%dma_wait3A_1289, %dma_wait3A_1290] : memref<32x1000000xf32, #tpu.memory_space<hbm>> -> memref<32x128xf32, #tpu.memory_space<hbm>>
      %dma_wait3A_1292 = arith.constant 0 : i32
      %dma_wait3A_1293 = arith.constant 0 : i32
      %dma_wait3A_1294 = tpu.memref_slice %arg10[%dma_wait3A_1283, %dma_wait3A_1284, %dma_wait3A_1292, %dma_wait3A_1293] : memref<2x4x32x128xf32, #tpu.memory_space<vmem>> -> memref<1x1x32x128xf32, #tpu.memory_space<vmem>>
      %dma_wait3A_1295 = tpu.memref_squeeze %dma_wait3A_1294 : memref<1x1x32x128xf32, #tpu.memory_space<vmem>> -> memref<32x128xf32, #tpu.memory_space<vmem>>
      %dma_wait3A_1296 = arith.constant 0 : i32
      %dma_wait3A_1297 = arith.constant 0 : i32
      %dma_wait3A_1298 = tpu.memref_slice %arg4[%dma_wait3A_1296, %dma_wait3A_1297] : memref<32x1000000xf32, #tpu.memory_space<hbm>> -> memref<32x128xf32, #tpu.memory_space<hbm>>
      tpu.wait_dma2 semaphore(%arg16 : memref<!tpu.dma_semaphore, #tpu.memory_space<semaphore_mem>>) src(%dma_wait3A_1298 : memref<32x128xf32, #tpu.memory_space<hbm>>) dst(%dma_wait3A_1295 : memref<32x128xf32, #tpu.memory_space<vmem>>)
      %dma_wait3A_1299 = arith.constant 0 : i32
      %dma_wait3A_1300 = arith.constant 2 : i32
      %dma_wait3A_1301 = arith.constant 0 : i32
      %dma_wait3A_1302 = arith.constant 0 : i32
      %dma_wait3A_1303 = tpu.memref_slice %arg11[%dma_wait3A_1299, %dma_wait3A_1300, %dma_wait3A_1301, %dma_wait3A_1302] : memref<2x4x32x128xf32, #tpu.memory_space<vmem>> -> memref<1x1x32x128xf32, #tpu.memory_space<vmem>>
      %dma_wait3A_1304 = tpu.memref_squeeze %dma_wait3A_1303 : memref<1x1x32x128xf32, #tpu.memory_space<vmem>> -> memref<32x128xf32, #tpu.memory_space<vmem>>
      %dma_wait3A_1305 = arith.constant 0 : i32
      %dma_wait3A_1306 = arith.constant 0 : i32
      %dma_wait3A_1307 = tpu.memref_slice %arg5[%dma_wait3A_1305, %dma_wait3A_1306] : memref<32x1000000xf32, #tpu.memory_space<hbm>> -> memref<32x128xf32, #tpu.memory_space<hbm>>
      %dma_wait3A_1308 = arith.constant 0 : i32
      %dma_wait3A_1309 = arith.constant 0 : i32
      %dma_wait3A_1310 = tpu.memref_slice %arg11[%dma_wait3A_1299, %dma_wait3A_1300, %dma_wait3A_1308, %dma_wait3A_1309] : memref<2x4x32x128xf32, #tpu.memory_space<vmem>> -> memref<1x1x32x128xf32, #tpu.memory_space<vmem>>
      %dma_wait3A_1311 = tpu.memref_squeeze %dma_wait3A_1310 : memref<1x1x32x128xf32, #tpu.memory_space<vmem>> -> memref<32x128xf32, #tpu.memory_space<vmem>>
      %dma_wait3A_1312 = arith.constant 0 : i32
      %dma_wait3A_1313 = arith.constant 0 : i32
      %dma_wait3A_1314 = tpu.memref_slice %arg5[%dma_wait3A_1312, %dma_wait3A_1313] : memref<32x1000000xf32, #tpu.memory_space<hbm>> -> memref<32x128xf32, #tpu.memory_space<hbm>>
      tpu.wait_dma2 semaphore(%arg16 : memref<!tpu.dma_semaphore, #tpu.memory_space<semaphore_mem>>) src(%dma_wait3A_1314 : memref<32x128xf32, #tpu.memory_space<hbm>>) dst(%dma_wait3A_1311 : memref<32x128xf32, #tpu.memory_space<vmem>>)
      %dma_wait3A_1315 = arith.constant 0 : i32
      %dma_wait3A_1316 = arith.constant 3 : i32
      %dma_wait3A_1317 = arith.constant 0 : i32
      %dma_wait3A_1318 = arith.constant 0 : i32
      %dma_wait3A_1319 = tpu.memref_slice %arg10[%dma_wait3A_1315, %dma_wait3A_1316, %dma_wait3A_1317, %dma_wait3A_1318] : memref<2x4x32x128xf32, #tpu.memory_space<vmem>> -> memref<1x1x32x128xf32, #tpu.memory_space<vmem>>
      %dma_wait3A_1320 = tpu.memref_squeeze %dma_wait3A_1319 : memref<1x1x32x128xf32, #tpu.memory_space<vmem>> -> memref<32x128xf32, #tpu.memory_space<vmem>>
      %dma_wait3A_1321 = arith.constant 0 : i32
      %dma_wait3A_1322 = arith.constant 0 : i32
      %dma_wait3A_1323 = tpu.memref_slice %arg4[%dma_wait3A_1321, %dma_wait3A_1322] : memref<32x1000000xf32, #tpu.memory_space<hbm>> -> memref<32x128xf32, #tpu.memory_space<hbm>>
      %dma_wait3A_1324 = arith.constant 0 : i32
      %dma_wait3A_1325 = arith.constant 0 : i32
      %dma_wait3A_1326 = tpu.memref_slice %arg10[%dma_wait3A_1315, %dma_wait3A_1316, %dma_wait3A_1324, %dma_wait3A_1325] : memref<2x4x32x128xf32, #tpu.memory_space<vmem>> -> memref<1x1x32x128xf32, #tpu.memory_space<vmem>>
      %dma_wait3A_1327 = tpu.memref_squeeze %dma_wait3A_1326 : memref<1x1x32x128xf32, #tpu.memory_space<vmem>> -> memref<32x128xf32, #tpu.memory_space<vmem>>
      %dma_wait3A_1328 = arith.constant 0 : i32
      %dma_wait3A_1329 = arith.constant 0 : i32
      %dma_wait3A_1330 = tpu.memref_slice %arg4[%dma_wait3A_1328, %dma_wait3A_1329] : memref<32x1000000xf32, #tpu.memory_space<hbm>> -> memref<32x128xf32, #tpu.memory_space<hbm>>
      tpu.wait_dma2 semaphore(%arg16 : memref<!tpu.dma_semaphore, #tpu.memory_space<semaphore_mem>>) src(%dma_wait3A_1330 : memref<32x128xf32, #tpu.memory_space<hbm>>) dst(%dma_wait3A_1327 : memref<32x128xf32, #tpu.memory_space<vmem>>)
      %dma_wait3A_1331 = arith.constant 0 : i32
      %dma_wait3A_1332 = arith.constant 3 : i32
      %dma_wait3A_1333 = arith.constant 0 : i32
      %dma_wait3A_1334 = arith.constant 0 : i32
      %dma_wait3A_1335 = tpu.memref_slice %arg11[%dma_wait3A_1331, %dma_wait3A_1332, %dma_wait3A_1333, %dma_wait3A_1334] : memref<2x4x32x128xf32, #tpu.memory_space<vmem>> -> memref<1x1x32x128xf32, #tpu.memory_space<vmem>>
      %dma_wait3A_1336 = tpu.memref_squeeze %dma_wait3A_1335 : memref<1x1x32x128xf32, #tpu.memory_space<vmem>> -> memref<32x128xf32, #tpu.memory_space<vmem>>
      %dma_wait3A_1337 = arith.constant 0 : i32
      %dma_wait3A_1338 = arith.constant 0 : i32
      %dma_wait3A_1339 = tpu.memref_slice %arg5[%dma_wait3A_1337, %dma_wait3A_1338] : memref<32x1000000xf32, #tpu.memory_space<hbm>> -> memref<32x128xf32, #tpu.memory_space<hbm>>
      %dma_wait3A_1340 = arith.constant 0 : i32
      %dma_wait3A_1341 = arith.constant 0 : i32
      %dma_wait3A_1342 = tpu.memref_slice %arg11[%dma_wait3A_1331, %dma_wait3A_1332, %dma_wait3A_1340, %dma_wait3A_1341] : memref<2x4x32x128xf32, #tpu.memory_space<vmem>> -> memref<1x1x32x128xf32, #tpu.memory_space<vmem>>
      %dma_wait3A_1343 = tpu.memref_squeeze %dma_wait3A_1342 : memref<1x1x32x128xf32, #tpu.memory_space<vmem>> -> memref<32x128xf32, #tpu.memory_space<vmem>>
      %dma_wait3A_1344 = arith.constant 0 : i32
      %dma_wait3A_1345 = arith.constant 0 : i32
      %dma_wait3A_1346 = tpu.memref_slice %arg5[%dma_wait3A_1344, %dma_wait3A_1345] : memref<32x1000000xf32, #tpu.memory_space<hbm>> -> memref<32x128xf32, #tpu.memory_space<hbm>>
      tpu.wait_dma2 semaphore(%arg16 : memref<!tpu.dma_semaphore, #tpu.memory_space<semaphore_mem>>) src(%dma_wait3A_1346 : memref<32x128xf32, #tpu.memory_space<hbm>>) dst(%dma_wait3A_1343 : memref<32x128xf32, #tpu.memory_space<vmem>>)
      %broadcast_in_dim3A_1347 = arith.constant 0 : i32
      %broadcast_in_dim3A_1348 = vector.broadcast %broadcast_in_dim3A_1347 : i32 to vector<16xi32>
      %mul3A_1349 = arith.constant 16 : i32
      %mul3A_1350 = arith.muli %scan3A_22, %mul3A_1349 : i32
      %add3A_1351 = arith.constant 8 : i32
      %add3A_1352 = arith.addi %mul3A_1350, %add3A_1351 : i32
      %add3A_1353 = arith.constant 0 : i32
      %add3A_1354 = arith.addi %add3A_1352, %add3A_1353 : i32
      %broadcast_in_dim3A_1355 = arith.constant 0 : i32
      %broadcast_in_dim3A_1356 = vector.broadcast %broadcast_in_dim3A_1355 : i32 to vector<16xi32>
      %and3A_1357 = arith.constant 127 : i32
      %and3A_1358 = arith.andi %squeeze3A_48, %and3A_1357 : i32
      %broadcast_in_dim3A_1359 = vector.broadcast %and3A_1358 : i32 to vector<16xi32>
      %and3A_1360 = arith.constant 127 : i32
      %and3A_1361 = arith.andi %squeeze3A_80, %and3A_1360 : i32
      %broadcast_in_dim3A_1362 = vector.broadcast %and3A_1361 : i32 to vector<16xi32>
      %gather3A_1363 = tpu.vector_load_idx %arg10[%broadcast_in_dim3A_1348, %broadcast_in_dim3A_1356, %iota3A, %broadcast_in_dim3A_1359] : memref<2x4x32x128xf32, #tpu.memory_space<vmem>>[vector<16xi32>, vector<16xi32>, vector<16xi32>, vector<16xi32>], vector<16xf32>,
      %add3A_1364 = arith.constant 16 : i32
      %add3A_1365 = vector.broadcast %add3A_1364 : i32 to vector<16xi32>
      %add3A_1366 = arith.addi %iota3A, %add3A_1365 : vector<16xi32>
      %gather3A_1367 = tpu.vector_load_idx %arg10[%broadcast_in_dim3A_1348, %broadcast_in_dim3A_1356, %add3A_1366, %broadcast_in_dim3A_1359] : memref<2x4x32x128xf32, #tpu.memory_space<vmem>>[vector<16xi32>, vector<16xi32>, vector<16xi32>, vector<16xi32>], vector<16xf32>,
      %gather3A_1368 = tpu.vector_load_idx %arg11[%broadcast_in_dim3A_1348, %broadcast_in_dim3A_1356, %iota3A, %broadcast_in_dim3A_1362] : memref<2x4x32x128xf32, #tpu.memory_space<vmem>>[vector<16xi32>, vector<16xi32>, vector<16xi32>, vector<16xi32>], vector<16xf32>,
      %add3A_1369 = arith.constant 16 : i32
      %add3A_1370 = vector.broadcast %add3A_1369 : i32 to vector<16xi32>
      %add3A_1371 = arith.addi %iota3A, %add3A_1370 : vector<16xi32>
      %gather3A_1372 = tpu.vector_load_idx %arg11[%broadcast_in_dim3A_1348, %broadcast_in_dim3A_1356, %add3A_1371, %broadcast_in_dim3A_1362] : memref<2x4x32x128xf32, #tpu.memory_space<vmem>>[vector<16xi32>, vector<16xi32>, vector<16xi32>, vector<16xi32>], vector<16xf32>,
      %mul3A_1373 = arith.mulf %gather3A_1363, %gather3A_1368 : vector<16xf32>
      %mul3A_1374 = arith.mulf %mul3A_1373, %get3A_3 : vector<16xf32>
      %mul3A_1375 = arith.mulf %gather3A_1367, %gather3A_1372 : vector<16xf32>
      %mul3A_1376 = arith.mulf %mul3A_1375, %get3A_5 : vector<16xf32>
      %add3A_1377 = arith.addf %mul3A_1374, %mul3A_1376 : vector<16xf32>
      %mul3A_1378 = arith.constant 16 : i32
      %mul3A_1379 = arith.muli %add3A_1354, %mul3A_1378 : i32
      %swap3A_1380 = arith.index_cast %mul3A_1379 : i32 to index
      %swap3A_1381 = tpu.vector_load %arg12[%swap3A_1380] {strides = array<i32>} : memref<8192xf32, #tpu.memory_space<vmem>>, vector<16xf32>,
      tpu.vector_store %arg12[%swap3A_1380], %add3A_1377 {strides = array<i32>} : memref<8192xf32, #tpu.memory_space<vmem>>, vector<16xf32>,
      %mul3A_1382 = arith.constant 16 : i32
      %mul3A_1383 = arith.muli %scan3A_22, %mul3A_1382 : i32
      %add3A_1384 = arith.constant 8 : i32
      %add3A_1385 = arith.addi %mul3A_1383, %add3A_1384 : i32
      %add3A_1386 = arith.constant 1 : i32
      %add3A_1387 = arith.addi %add3A_1385, %add3A_1386 : i32
      %broadcast_in_dim3A_1388 = arith.constant 1 : i32
      %broadcast_in_dim3A_1389 = vector.broadcast %broadcast_in_dim3A_1388 : i32 to vector<16xi32>
      %and3A_1390 = arith.constant 127 : i32
      %and3A_1391 = arith.andi %squeeze3A_50, %and3A_1390 : i32
      %broadcast_in_dim3A_1392 = vector.broadcast %and3A_1391 : i32 to vector<16xi32>
      %and3A_1393 = arith.constant 127 : i32
      %and3A_1394 = arith.andi %squeeze3A_82, %and3A_1393 : i32
      %broadcast_in_dim3A_1395 = vector.broadcast %and3A_1394 : i32 to vector<16xi32>
      %gather3A_1396 = tpu.vector_load_idx %arg10[%broadcast_in_dim3A_1348, %broadcast_in_dim3A_1389, %iota3A, %broadcast_in_dim3A_1392] : memref<2x4x32x128xf32, #tpu.memory_space<vmem>>[vector<16xi32>, vector<16xi32>, vector<16xi32>, vector<16xi32>], vector<16xf32>,
      %add3A_1397 = arith.constant 16 : i32
      %add3A_1398 = vector.broadcast %add3A_1397 : i32 to vector<16xi32>
      %add3A_1399 = arith.addi %iota3A, %add3A_1398 : vector<16xi32>
      %gather3A_1400 = tpu.vector_load_idx %arg10[%broadcast_in_dim3A_1348, %broadcast_in_dim3A_1389, %add3A_1399, %broadcast_in_dim3A_1392] : memref<2x4x32x128xf32, #tpu.memory_space<vmem>>[vector<16xi32>, vector<16xi32>, vector<16xi32>, vector<16xi32>], vector<16xf32>,
      %gather3A_1401 = tpu.vector_load_idx %arg11[%broadcast_in_dim3A_1348, %broadcast_in_dim3A_1389, %iota3A, %broadcast_in_dim3A_1395] : memref<2x4x32x128xf32, #tpu.memory_space<vmem>>[vector<16xi32>, vector<16xi32>, vector<16xi32>, vector<16xi32>], vector<16xf32>,
      %add3A_1402 = arith.constant 16 : i32
      %add3A_1403 = vector.broadcast %add3A_1402 : i32 to vector<16xi32>
      %add3A_1404 = arith.addi %iota3A, %add3A_1403 : vector<16xi32>
      %gather3A_1405 = tpu.vector_load_idx %arg11[%broadcast_in_dim3A_1348, %broadcast_in_dim3A_1389, %add3A_1404, %broadcast_in_dim3A_1395] : memref<2x4x32x128xf32, #tpu.memory_space<vmem>>[vector<16xi32>, vector<16xi32>, vector<16xi32>, vector<16xi32>], vector<16xf32>,
      %mul3A_1406 = arith.mulf %gather3A_1396, %gather3A_1401 : vector<16xf32>
      %mul3A_1407 = arith.mulf %mul3A_1406, %get3A_3 : vector<16xf32>
      %mul3A_1408 = arith.mulf %gather3A_1400, %gather3A_1405 : vector<16xf32>
      %mul3A_1409 = arith.mulf %mul3A_1408, %get3A_5 : vector<16xf32>
      %add3A_1410 = arith.addf %mul3A_1407, %mul3A_1409 : vector<16xf32>
      %mul3A_1411 = arith.constant 16 : i32
      %mul3A_1412 = arith.muli %add3A_1387, %mul3A_1411 : i32
      %swap3A_1413 = arith.index_cast %mul3A_1412 : i32 to index
      %swap3A_1414 = tpu.vector_load %arg12[%swap3A_1413] {strides = array<i32>} : memref<8192xf32, #tpu.memory_space<vmem>>, vector<16xf32>,
      tpu.vector_store %arg12[%swap3A_1413], %add3A_1410 {strides = array<i32>} : memref<8192xf32, #tpu.memory_space<vmem>>, vector<16xf32>,
      %mul3A_1415 = arith.constant 16 : i32
      %mul3A_1416 = arith.muli %scan3A_22, %mul3A_1415 : i32
      %add3A_1417 = arith.constant 8 : i32
      %add3A_1418 = arith.addi %mul3A_1416, %add3A_1417 : i32
      %add3A_1419 = arith.constant 2 : i32
      %add3A_1420 = arith.addi %add3A_1418, %add3A_1419 : i32
      %broadcast_in_dim3A_1421 = arith.constant 2 : i32
      %broadcast_in_dim3A_1422 = vector.broadcast %broadcast_in_dim3A_1421 : i32 to vector<16xi32>
      %and3A_1423 = arith.constant 127 : i32
      %and3A_1424 = arith.andi %squeeze3A_52, %and3A_1423 : i32
      %broadcast_in_dim3A_1425 = vector.broadcast %and3A_1424 : i32 to vector<16xi32>
      %and3A_1426 = arith.constant 127 : i32
      %and3A_1427 = arith.andi %squeeze3A_84, %and3A_1426 : i32
      %broadcast_in_dim3A_1428 = vector.broadcast %and3A_1427 : i32 to vector<16xi32>
      %gather3A_1429 = tpu.vector_load_idx %arg10[%broadcast_in_dim3A_1348, %broadcast_in_dim3A_1422, %iota3A, %broadcast_in_dim3A_1425] : memref<2x4x32x128xf32, #tpu.memory_space<vmem>>[vector<16xi32>, vector<16xi32>, vector<16xi32>, vector<16xi32>], vector<16xf32>,
      %add3A_1430 = arith.constant 16 : i32
      %add3A_1431 = vector.broadcast %add3A_1430 : i32 to vector<16xi32>
      %add3A_1432 = arith.addi %iota3A, %add3A_1431 : vector<16xi32>
      %gather3A_1433 = tpu.vector_load_idx %arg10[%broadcast_in_dim3A_1348, %broadcast_in_dim3A_1422, %add3A_1432, %broadcast_in_dim3A_1425] : memref<2x4x32x128xf32, #tpu.memory_space<vmem>>[vector<16xi32>, vector<16xi32>, vector<16xi32>, vector<16xi32>], vector<16xf32>,
      %gather3A_1434 = tpu.vector_load_idx %arg11[%broadcast_in_dim3A_1348, %broadcast_in_dim3A_1422, %iota3A, %broadcast_in_dim3A_1428] : memref<2x4x32x128xf32, #tpu.memory_space<vmem>>[vector<16xi32>, vector<16xi32>, vector<16xi32>, vector<16xi32>], vector<16xf32>,
      %add3A_1435 = arith.constant 16 : i32
      %add3A_1436 = vector.broadcast %add3A_1435 : i32 to vector<16xi32>
      %add3A_1437 = arith.addi %iota3A, %add3A_1436 : vector<16xi32>
      %gather3A_1438 = tpu.vector_load_idx %arg11[%broadcast_in_dim3A_1348, %broadcast_in_dim3A_1422, %add3A_1437, %broadcast_in_dim3A_1428] : memref<2x4x32x128xf32, #tpu.memory_space<vmem>>[vector<16xi32>, vector<16xi32>, vector<16xi32>, vector<16xi32>], vector<16xf32>,
      %mul3A_1439 = arith.mulf %gather3A_1429, %gather3A_1434 : vector<16xf32>
      %mul3A_1440 = arith.mulf %mul3A_1439, %get3A_3 : vector<16xf32>
      %mul3A_1441 = arith.mulf %gather3A_1433, %gather3A_1438 : vector<16xf32>
      %mul3A_1442 = arith.mulf %mul3A_1441, %get3A_5 : vector<16xf32>
      %add3A_1443 = arith.addf %mul3A_1440, %mul3A_1442 : vector<16xf32>
      %mul3A_1444 = arith.constant 16 : i32
      %mul3A_1445 = arith.muli %add3A_1420, %mul3A_1444 : i32
      %swap3A_1446 = arith.index_cast %mul3A_1445 : i32 to index
      %swap3A_1447 = tpu.vector_load %arg12[%swap3A_1446] {strides = array<i32>} : memref<8192xf32, #tpu.memory_space<vmem>>, vector<16xf32>,
      tpu.vector_store %arg12[%swap3A_1446], %add3A_1443 {strides = array<i32>} : memref<8192xf32, #tpu.memory_space<vmem>>, vector<16xf32>,
      %mul3A_1448 = arith.constant 16 : i32
      %mul3A_1449 = arith.muli %scan3A_22, %mul3A_1448 : i32
      %add3A_1450 = arith.constant 8 : i32
      %add3A_1451 = arith.addi %mul3A_1449, %add3A_1450 : i32
      %add3A_1452 = arith.constant 3 : i32
      %add3A_1453 = arith.addi %add3A_1451, %add3A_1452 : i32
      %broadcast_in_dim3A_1454 = arith.constant 3 : i32
      %broadcast_in_dim3A_1455 = vector.broadcast %broadcast_in_dim3A_1454 : i32 to vector<16xi32>
      %and3A_1456 = arith.constant 127 : i32
      %and3A_1457 = arith.andi %squeeze3A_54, %and3A_1456 : i32
      %broadcast_in_dim3A_1458 = vector.broadcast %and3A_1457 : i32 to vector<16xi32>
      %and3A_1459 = arith.constant 127 : i32
      %and3A_1460 = arith.andi %squeeze3A_86, %and3A_1459 : i32
      %broadcast_in_dim3A_1461 = vector.broadcast %and3A_1460 : i32 to vector<16xi32>
      %gather3A_1462 = tpu.vector_load_idx %arg10[%broadcast_in_dim3A_1348, %broadcast_in_dim3A_1455, %iota3A, %broadcast_in_dim3A_1458] : memref<2x4x32x128xf32, #tpu.memory_space<vmem>>[vector<16xi32>, vector<16xi32>, vector<16xi32>, vector<16xi32>], vector<16xf32>,
      %add3A_1463 = arith.constant 16 : i32
      %add3A_1464 = vector.broadcast %add3A_1463 : i32 to vector<16xi32>
      %add3A_1465 = arith.addi %iota3A, %add3A_1464 : vector<16xi32>
      %gather3A_1466 = tpu.vector_load_idx %arg10[%broadcast_in_dim3A_1348, %broadcast_in_dim3A_1455, %add3A_1465, %broadcast_in_dim3A_1458] : memref<2x4x32x128xf32, #tpu.memory_space<vmem>>[vector<16xi32>, vector<16xi32>, vector<16xi32>, vector<16xi32>], vector<16xf32>,
      %gather3A_1467 = tpu.vector_load_idx %arg11[%broadcast_in_dim3A_1348, %broadcast_in_dim3A_1455, %iota3A, %broadcast_in_dim3A_1461] : memref<2x4x32x128xf32, #tpu.memory_space<vmem>>[vector<16xi32>, vector<16xi32>, vector<16xi32>, vector<16xi32>], vector<16xf32>,
      %add3A_1468 = arith.constant 16 : i32
      %add3A_1469 = vector.broadcast %add3A_1468 : i32 to vector<16xi32>
      %add3A_1470 = arith.addi %iota3A, %add3A_1469 : vector<16xi32>
      %gather3A_1471 = tpu.vector_load_idx %arg11[%broadcast_in_dim3A_1348, %broadcast_in_dim3A_1455, %add3A_1470, %broadcast_in_dim3A_1461] : memref<2x4x32x128xf32, #tpu.memory_space<vmem>>[vector<16xi32>, vector<16xi32>, vector<16xi32>, vector<16xi32>], vector<16xf32>,
      %mul3A_1472 = arith.mulf %gather3A_1462, %gather3A_1467 : vector<16xf32>
      %mul3A_1473 = arith.mulf %mul3A_1472, %get3A_3 : vector<16xf32>
      %mul3A_1474 = arith.mulf %gather3A_1466, %gather3A_1471 : vector<16xf32>
      %mul3A_1475 = arith.mulf %mul3A_1474, %get3A_5 : vector<16xf32>
      %add3A_1476 = arith.addf %mul3A_1473, %mul3A_1475 : vector<16xf32>
      %mul3A_1477 = arith.constant 16 : i32
      %mul3A_1478 = arith.muli %add3A_1453, %mul3A_1477 : i32
      %swap3A_1479 = arith.index_cast %mul3A_1478 : i32 to index
      %swap3A_1480 = tpu.vector_load %arg12[%swap3A_1479] {strides = array<i32>} : memref<8192xf32, #tpu.memory_space<vmem>>, vector<16xf32>,
      tpu.vector_store %arg12[%swap3A_1479], %add3A_1476 {strides = array<i32>} : memref<8192xf32, #tpu.memory_space<vmem>>, vector<16xf32>,
      %dma_wait3A_1481 = arith.constant 1 : i32
      %dma_wait3A_1482 = arith.constant 0 : i32
      %dma_wait3A_1483 = arith.constant 0 : i32
      %dma_wait3A_1484 = arith.constant 0 : i32
      %dma_wait3A_1485 = tpu.memref_slice %arg10[%dma_wait3A_1481, %dma_wait3A_1482, %dma_wait3A_1483, %dma_wait3A_1484] : memref<2x4x32x128xf32, #tpu.memory_space<vmem>> -> memref<1x1x32x128xf32, #tpu.memory_space<vmem>>
      %dma_wait3A_1486 = tpu.memref_squeeze %dma_wait3A_1485 : memref<1x1x32x128xf32, #tpu.memory_space<vmem>> -> memref<32x128xf32, #tpu.memory_space<vmem>>
      %dma_wait3A_1487 = arith.constant 0 : i32
      %dma_wait3A_1488 = arith.constant 0 : i32
      %dma_wait3A_1489 = tpu.memref_slice %arg4[%dma_wait3A_1487, %dma_wait3A_1488] : memref<32x1000000xf32, #tpu.memory_space<hbm>> -> memref<32x128xf32, #tpu.memory_space<hbm>>
      %dma_wait3A_1490 = arith.constant 0 : i32
      %dma_wait3A_1491 = arith.constant 0 : i32
      %dma_wait3A_1492 = tpu.memref_slice %arg10[%dma_wait3A_1481, %dma_wait3A_1482, %dma_wait3A_1490, %dma_wait3A_1491] : memref<2x4x32x128xf32, #tpu.memory_space<vmem>> -> memref<1x1x32x128xf32, #tpu.memory_space<vmem>>
      %dma_wait3A_1493 = tpu.memref_squeeze %dma_wait3A_1492 : memref<1x1x32x128xf32, #tpu.memory_space<vmem>> -> memref<32x128xf32, #tpu.memory_space<vmem>>
      %dma_wait3A_1494 = arith.constant 0 : i32
      %dma_wait3A_1495 = arith.constant 0 : i32
      %dma_wait3A_1496 = tpu.memref_slice %arg4[%dma_wait3A_1494, %dma_wait3A_1495] : memref<32x1000000xf32, #tpu.memory_space<hbm>> -> memref<32x128xf32, #tpu.memory_space<hbm>>
      tpu.wait_dma2 semaphore(%arg17 : memref<!tpu.dma_semaphore, #tpu.memory_space<semaphore_mem>>) src(%dma_wait3A_1496 : memref<32x128xf32, #tpu.memory_space<hbm>>) dst(%dma_wait3A_1493 : memref<32x128xf32, #tpu.memory_space<vmem>>)
      %dma_wait3A_1497 = arith.constant 1 : i32
      %dma_wait3A_1498 = arith.constant 0 : i32
      %dma_wait3A_1499 = arith.constant 0 : i32
      %dma_wait3A_1500 = arith.constant 0 : i32
      %dma_wait3A_1501 = tpu.memref_slice %arg11[%dma_wait3A_1497, %dma_wait3A_1498, %dma_wait3A_1499, %dma_wait3A_1500] : memref<2x4x32x128xf32, #tpu.memory_space<vmem>> -> memref<1x1x32x128xf32, #tpu.memory_space<vmem>>
      %dma_wait3A_1502 = tpu.memref_squeeze %dma_wait3A_1501 : memref<1x1x32x128xf32, #tpu.memory_space<vmem>> -> memref<32x128xf32, #tpu.memory_space<vmem>>
      %dma_wait3A_1503 = arith.constant 0 : i32
      %dma_wait3A_1504 = arith.constant 0 : i32
      %dma_wait3A_1505 = tpu.memref_slice %arg5[%dma_wait3A_1503, %dma_wait3A_1504] : memref<32x1000000xf32, #tpu.memory_space<hbm>> -> memref<32x128xf32, #tpu.memory_space<hbm>>
      %dma_wait3A_1506 = arith.constant 0 : i32
      %dma_wait3A_1507 = arith.constant 0 : i32
      %dma_wait3A_1508 = tpu.memref_slice %arg11[%dma_wait3A_1497, %dma_wait3A_1498, %dma_wait3A_1506, %dma_wait3A_1507] : memref<2x4x32x128xf32, #tpu.memory_space<vmem>> -> memref<1x1x32x128xf32, #tpu.memory_space<vmem>>
      %dma_wait3A_1509 = tpu.memref_squeeze %dma_wait3A_1508 : memref<1x1x32x128xf32, #tpu.memory_space<vmem>> -> memref<32x128xf32, #tpu.memory_space<vmem>>
      %dma_wait3A_1510 = arith.constant 0 : i32
      %dma_wait3A_1511 = arith.constant 0 : i32
      %dma_wait3A_1512 = tpu.memref_slice %arg5[%dma_wait3A_1510, %dma_wait3A_1511] : memref<32x1000000xf32, #tpu.memory_space<hbm>> -> memref<32x128xf32, #tpu.memory_space<hbm>>
      tpu.wait_dma2 semaphore(%arg17 : memref<!tpu.dma_semaphore, #tpu.memory_space<semaphore_mem>>) src(%dma_wait3A_1512 : memref<32x128xf32, #tpu.memory_space<hbm>>) dst(%dma_wait3A_1509 : memref<32x128xf32, #tpu.memory_space<vmem>>)
      %dma_wait3A_1513 = arith.constant 1 : i32
      %dma_wait3A_1514 = arith.constant 1 : i32
      %dma_wait3A_1515 = arith.constant 0 : i32
      %dma_wait3A_1516 = arith.constant 0 : i32
      %dma_wait3A_1517 = tpu.memref_slice %arg10[%dma_wait3A_1513, %dma_wait3A_1514, %dma_wait3A_1515, %dma_wait3A_1516] : memref<2x4x32x128xf32, #tpu.memory_space<vmem>> -> memref<1x1x32x128xf32, #tpu.memory_space<vmem>>
      %dma_wait3A_1518 = tpu.memref_squeeze %dma_wait3A_1517 : memref<1x1x32x128xf32, #tpu.memory_space<vmem>> -> memref<32x128xf32, #tpu.memory_space<vmem>>
      %dma_wait3A_1519 = arith.constant 0 : i32
      %dma_wait3A_1520 = arith.constant 0 : i32
      %dma_wait3A_1521 = tpu.memref_slice %arg4[%dma_wait3A_1519, %dma_wait3A_1520] : memref<32x1000000xf32, #tpu.memory_space<hbm>> -> memref<32x128xf32, #tpu.memory_space<hbm>>
      %dma_wait3A_1522 = arith.constant 0 : i32
      %dma_wait3A_1523 = arith.constant 0 : i32
      %dma_wait3A_1524 = tpu.memref_slice %arg10[%dma_wait3A_1513, %dma_wait3A_1514, %dma_wait3A_1522, %dma_wait3A_1523] : memref<2x4x32x128xf32, #tpu.memory_space<vmem>> -> memref<1x1x32x128xf32, #tpu.memory_space<vmem>>
      %dma_wait3A_1525 = tpu.memref_squeeze %dma_wait3A_1524 : memref<1x1x32x128xf32, #tpu.memory_space<vmem>> -> memref<32x128xf32, #tpu.memory_space<vmem>>
      %dma_wait3A_1526 = arith.constant 0 : i32
      %dma_wait3A_1527 = arith.constant 0 : i32
      %dma_wait3A_1528 = tpu.memref_slice %arg4[%dma_wait3A_1526, %dma_wait3A_1527] : memref<32x1000000xf32, #tpu.memory_space<hbm>> -> memref<32x128xf32, #tpu.memory_space<hbm>>
      tpu.wait_dma2 semaphore(%arg17 : memref<!tpu.dma_semaphore, #tpu.memory_space<semaphore_mem>>) src(%dma_wait3A_1528 : memref<32x128xf32, #tpu.memory_space<hbm>>) dst(%dma_wait3A_1525 : memref<32x128xf32, #tpu.memory_space<vmem>>)
      %dma_wait3A_1529 = arith.constant 1 : i32
      %dma_wait3A_1530 = arith.constant 1 : i32
      %dma_wait3A_1531 = arith.constant 0 : i32
      %dma_wait3A_1532 = arith.constant 0 : i32
      %dma_wait3A_1533 = tpu.memref_slice %arg11[%dma_wait3A_1529, %dma_wait3A_1530, %dma_wait3A_1531, %dma_wait3A_1532] : memref<2x4x32x128xf32, #tpu.memory_space<vmem>> -> memref<1x1x32x128xf32, #tpu.memory_space<vmem>>
      %dma_wait3A_1534 = tpu.memref_squeeze %dma_wait3A_1533 : memref<1x1x32x128xf32, #tpu.memory_space<vmem>> -> memref<32x128xf32, #tpu.memory_space<vmem>>
      %dma_wait3A_1535 = arith.constant 0 : i32
      %dma_wait3A_1536 = arith.constant 0 : i32
      %dma_wait3A_1537 = tpu.memref_slice %arg5[%dma_wait3A_1535, %dma_wait3A_1536] : memref<32x1000000xf32, #tpu.memory_space<hbm>> -> memref<32x128xf32, #tpu.memory_space<hbm>>
      %dma_wait3A_1538 = arith.constant 0 : i32
      %dma_wait3A_1539 = arith.constant 0 : i32
      %dma_wait3A_1540 = tpu.memref_slice %arg11[%dma_wait3A_1529, %dma_wait3A_1530, %dma_wait3A_1538, %dma_wait3A_1539] : memref<2x4x32x128xf32, #tpu.memory_space<vmem>> -> memref<1x1x32x128xf32, #tpu.memory_space<vmem>>
      %dma_wait3A_1541 = tpu.memref_squeeze %dma_wait3A_1540 : memref<1x1x32x128xf32, #tpu.memory_space<vmem>> -> memref<32x128xf32, #tpu.memory_space<vmem>>
      %dma_wait3A_1542 = arith.constant 0 : i32
      %dma_wait3A_1543 = arith.constant 0 : i32
      %dma_wait3A_1544 = tpu.memref_slice %arg5[%dma_wait3A_1542, %dma_wait3A_1543] : memref<32x1000000xf32, #tpu.memory_space<hbm>> -> memref<32x128xf32, #tpu.memory_space<hbm>>
      tpu.wait_dma2 semaphore(%arg17 : memref<!tpu.dma_semaphore, #tpu.memory_space<semaphore_mem>>) src(%dma_wait3A_1544 : memref<32x128xf32, #tpu.memory_space<hbm>>) dst(%dma_wait3A_1541 : memref<32x128xf32, #tpu.memory_space<vmem>>)
      %dma_wait3A_1545 = arith.constant 1 : i32
      %dma_wait3A_1546 = arith.constant 2 : i32
      %dma_wait3A_1547 = arith.constant 0 : i32
      %dma_wait3A_1548 = arith.constant 0 : i32
      %dma_wait3A_1549 = tpu.memref_slice %arg10[%dma_wait3A_1545, %dma_wait3A_1546, %dma_wait3A_1547, %dma_wait3A_1548] : memref<2x4x32x128xf32, #tpu.memory_space<vmem>> -> memref<1x1x32x128xf32, #tpu.memory_space<vmem>>
      %dma_wait3A_1550 = tpu.memref_squeeze %dma_wait3A_1549 : memref<1x1x32x128xf32, #tpu.memory_space<vmem>> -> memref<32x128xf32, #tpu.memory_space<vmem>>
      %dma_wait3A_1551 = arith.constant 0 : i32
      %dma_wait3A_1552 = arith.constant 0 : i32
      %dma_wait3A_1553 = tpu.memref_slice %arg4[%dma_wait3A_1551, %dma_wait3A_1552] : memref<32x1000000xf32, #tpu.memory_space<hbm>> -> memref<32x128xf32, #tpu.memory_space<hbm>>
      %dma_wait3A_1554 = arith.constant 0 : i32
      %dma_wait3A_1555 = arith.constant 0 : i32
      %dma_wait3A_1556 = tpu.memref_slice %arg10[%dma_wait3A_1545, %dma_wait3A_1546, %dma_wait3A_1554, %dma_wait3A_1555] : memref<2x4x32x128xf32, #tpu.memory_space<vmem>> -> memref<1x1x32x128xf32, #tpu.memory_space<vmem>>
      %dma_wait3A_1557 = tpu.memref_squeeze %dma_wait3A_1556 : memref<1x1x32x128xf32, #tpu.memory_space<vmem>> -> memref<32x128xf32, #tpu.memory_space<vmem>>
      %dma_wait3A_1558 = arith.constant 0 : i32
      %dma_wait3A_1559 = arith.constant 0 : i32
      %dma_wait3A_1560 = tpu.memref_slice %arg4[%dma_wait3A_1558, %dma_wait3A_1559] : memref<32x1000000xf32, #tpu.memory_space<hbm>> -> memref<32x128xf32, #tpu.memory_space<hbm>>
      tpu.wait_dma2 semaphore(%arg17 : memref<!tpu.dma_semaphore, #tpu.memory_space<semaphore_mem>>) src(%dma_wait3A_1560 : memref<32x128xf32, #tpu.memory_space<hbm>>) dst(%dma_wait3A_1557 : memref<32x128xf32, #tpu.memory_space<vmem>>)
      %dma_wait3A_1561 = arith.constant 1 : i32
      %dma_wait3A_1562 = arith.constant 2 : i32
      %dma_wait3A_1563 = arith.constant 0 : i32
      %dma_wait3A_1564 = arith.constant 0 : i32
      %dma_wait3A_1565 = tpu.memref_slice %arg11[%dma_wait3A_1561, %dma_wait3A_1562, %dma_wait3A_1563, %dma_wait3A_1564] : memref<2x4x32x128xf32, #tpu.memory_space<vmem>> -> memref<1x1x32x128xf32, #tpu.memory_space<vmem>>
      %dma_wait3A_1566 = tpu.memref_squeeze %dma_wait3A_1565 : memref<1x1x32x128xf32, #tpu.memory_space<vmem>> -> memref<32x128xf32, #tpu.memory_space<vmem>>
      %dma_wait3A_1567 = arith.constant 0 : i32
      %dma_wait3A_1568 = arith.constant 0 : i32
      %dma_wait3A_1569 = tpu.memref_slice %arg5[%dma_wait3A_1567, %dma_wait3A_1568] : memref<32x1000000xf32, #tpu.memory_space<hbm>> -> memref<32x128xf32, #tpu.memory_space<hbm>>
      %dma_wait3A_1570 = arith.constant 0 : i32
      %dma_wait3A_1571 = arith.constant 0 : i32
      %dma_wait3A_1572 = tpu.memref_slice %arg11[%dma_wait3A_1561, %dma_wait3A_1562, %dma_wait3A_1570, %dma_wait3A_1571] : memref<2x4x32x128xf32, #tpu.memory_space<vmem>> -> memref<1x1x32x128xf32, #tpu.memory_space<vmem>>
      %dma_wait3A_1573 = tpu.memref_squeeze %dma_wait3A_1572 : memref<1x1x32x128xf32, #tpu.memory_space<vmem>> -> memref<32x128xf32, #tpu.memory_space<vmem>>
      %dma_wait3A_1574 = arith.constant 0 : i32
      %dma_wait3A_1575 = arith.constant 0 : i32
      %dma_wait3A_1576 = tpu.memref_slice %arg5[%dma_wait3A_1574, %dma_wait3A_1575] : memref<32x1000000xf32, #tpu.memory_space<hbm>> -> memref<32x128xf32, #tpu.memory_space<hbm>>
      tpu.wait_dma2 semaphore(%arg17 : memref<!tpu.dma_semaphore, #tpu.memory_space<semaphore_mem>>) src(%dma_wait3A_1576 : memref<32x128xf32, #tpu.memory_space<hbm>>) dst(%dma_wait3A_1573 : memref<32x128xf32, #tpu.memory_space<vmem>>)
      %dma_wait3A_1577 = arith.constant 1 : i32
      %dma_wait3A_1578 = arith.constant 3 : i32
      %dma_wait3A_1579 = arith.constant 0 : i32
      %dma_wait3A_1580 = arith.constant 0 : i32
      %dma_wait3A_1581 = tpu.memref_slice %arg10[%dma_wait3A_1577, %dma_wait3A_1578, %dma_wait3A_1579, %dma_wait3A_1580] : memref<2x4x32x128xf32, #tpu.memory_space<vmem>> -> memref<1x1x32x128xf32, #tpu.memory_space<vmem>>
      %dma_wait3A_1582 = tpu.memref_squeeze %dma_wait3A_1581 : memref<1x1x32x128xf32, #tpu.memory_space<vmem>> -> memref<32x128xf32, #tpu.memory_space<vmem>>
      %dma_wait3A_1583 = arith.constant 0 : i32
      %dma_wait3A_1584 = arith.constant 0 : i32
      %dma_wait3A_1585 = tpu.memref_slice %arg4[%dma_wait3A_1583, %dma_wait3A_1584] : memref<32x1000000xf32, #tpu.memory_space<hbm>> -> memref<32x128xf32, #tpu.memory_space<hbm>>
      %dma_wait3A_1586 = arith.constant 0 : i32
      %dma_wait3A_1587 = arith.constant 0 : i32
      %dma_wait3A_1588 = tpu.memref_slice %arg10[%dma_wait3A_1577, %dma_wait3A_1578, %dma_wait3A_1586, %dma_wait3A_1587] : memref<2x4x32x128xf32, #tpu.memory_space<vmem>> -> memref<1x1x32x128xf32, #tpu.memory_space<vmem>>
      %dma_wait3A_1589 = tpu.memref_squeeze %dma_wait3A_1588 : memref<1x1x32x128xf32, #tpu.memory_space<vmem>> -> memref<32x128xf32, #tpu.memory_space<vmem>>
      %dma_wait3A_1590 = arith.constant 0 : i32
      %dma_wait3A_1591 = arith.constant 0 : i32
      %dma_wait3A_1592 = tpu.memref_slice %arg4[%dma_wait3A_1590, %dma_wait3A_1591] : memref<32x1000000xf32, #tpu.memory_space<hbm>> -> memref<32x128xf32, #tpu.memory_space<hbm>>
      tpu.wait_dma2 semaphore(%arg17 : memref<!tpu.dma_semaphore, #tpu.memory_space<semaphore_mem>>) src(%dma_wait3A_1592 : memref<32x128xf32, #tpu.memory_space<hbm>>) dst(%dma_wait3A_1589 : memref<32x128xf32, #tpu.memory_space<vmem>>)
      %dma_wait3A_1593 = arith.constant 1 : i32
      %dma_wait3A_1594 = arith.constant 3 : i32
      %dma_wait3A_1595 = arith.constant 0 : i32
      %dma_wait3A_1596 = arith.constant 0 : i32
      %dma_wait3A_1597 = tpu.memref_slice %arg11[%dma_wait3A_1593, %dma_wait3A_1594, %dma_wait3A_1595, %dma_wait3A_1596] : memref<2x4x32x128xf32, #tpu.memory_space<vmem>> -> memref<1x1x32x128xf32, #tpu.memory_space<vmem>>
      %dma_wait3A_1598 = tpu.memref_squeeze %dma_wait3A_1597 : memref<1x1x32x128xf32, #tpu.memory_space<vmem>> -> memref<32x128xf32, #tpu.memory_space<vmem>>
      %dma_wait3A_1599 = arith.constant 0 : i32
      %dma_wait3A_1600 = arith.constant 0 : i32
      %dma_wait3A_1601 = tpu.memref_slice %arg5[%dma_wait3A_1599, %dma_wait3A_1600] : memref<32x1000000xf32, #tpu.memory_space<hbm>> -> memref<32x128xf32, #tpu.memory_space<hbm>>
      %dma_wait3A_1602 = arith.constant 0 : i32
      %dma_wait3A_1603 = arith.constant 0 : i32
      %dma_wait3A_1604 = tpu.memref_slice %arg11[%dma_wait3A_1593, %dma_wait3A_1594, %dma_wait3A_1602, %dma_wait3A_1603] : memref<2x4x32x128xf32, #tpu.memory_space<vmem>> -> memref<1x1x32x128xf32, #tpu.memory_space<vmem>>
      %dma_wait3A_1605 = tpu.memref_squeeze %dma_wait3A_1604 : memref<1x1x32x128xf32, #tpu.memory_space<vmem>> -> memref<32x128xf32, #tpu.memory_space<vmem>>
      %dma_wait3A_1606 = arith.constant 0 : i32
      %dma_wait3A_1607 = arith.constant 0 : i32
      %dma_wait3A_1608 = tpu.memref_slice %arg5[%dma_wait3A_1606, %dma_wait3A_1607] : memref<32x1000000xf32, #tpu.memory_space<hbm>> -> memref<32x128xf32, #tpu.memory_space<hbm>>
      tpu.wait_dma2 semaphore(%arg17 : memref<!tpu.dma_semaphore, #tpu.memory_space<semaphore_mem>>) src(%dma_wait3A_1608 : memref<32x128xf32, #tpu.memory_space<hbm>>) dst(%dma_wait3A_1605 : memref<32x128xf32, #tpu.memory_space<vmem>>)
      %broadcast_in_dim3A_1609 = arith.constant 1 : i32
      %broadcast_in_dim3A_1610 = vector.broadcast %broadcast_in_dim3A_1609 : i32 to vector<16xi32>
      %mul3A_1611 = arith.constant 16 : i32
      %mul3A_1612 = arith.muli %scan3A_22, %mul3A_1611 : i32
      %add3A_1613 = arith.constant 12 : i32
      %add3A_1614 = arith.addi %mul3A_1612, %add3A_1613 : i32
      %add3A_1615 = arith.constant 0 : i32
      %add3A_1616 = arith.addi %add3A_1614, %add3A_1615 : i32
      %broadcast_in_dim3A_1617 = arith.constant 0 : i32
      %broadcast_in_dim3A_1618 = vector.broadcast %broadcast_in_dim3A_1617 : i32 to vector<16xi32>
      %and3A_1619 = arith.constant 127 : i32
      %and3A_1620 = arith.andi %squeeze3A_56, %and3A_1619 : i32
      %broadcast_in_dim3A_1621 = vector.broadcast %and3A_1620 : i32 to vector<16xi32>
      %and3A_1622 = arith.constant 127 : i32
      %and3A_1623 = arith.andi %squeeze3A_88, %and3A_1622 : i32
      %broadcast_in_dim3A_1624 = vector.broadcast %and3A_1623 : i32 to vector<16xi32>
      %gather3A_1625 = tpu.vector_load_idx %arg10[%broadcast_in_dim3A_1610, %broadcast_in_dim3A_1618, %iota3A, %broadcast_in_dim3A_1621] : memref<2x4x32x128xf32, #tpu.memory_space<vmem>>[vector<16xi32>, vector<16xi32>, vector<16xi32>, vector<16xi32>], vector<16xf32>,
      %add3A_1626 = arith.constant 16 : i32
      %add3A_1627 = vector.broadcast %add3A_1626 : i32 to vector<16xi32>
      %add3A_1628 = arith.addi %iota3A, %add3A_1627 : vector<16xi32>
      %gather3A_1629 = tpu.vector_load_idx %arg10[%broadcast_in_dim3A_1610, %broadcast_in_dim3A_1618, %add3A_1628, %broadcast_in_dim3A_1621] : memref<2x4x32x128xf32, #tpu.memory_space<vmem>>[vector<16xi32>, vector<16xi32>, vector<16xi32>, vector<16xi32>], vector<16xf32>,
      %gather3A_1630 = tpu.vector_load_idx %arg11[%broadcast_in_dim3A_1610, %broadcast_in_dim3A_1618, %iota3A, %broadcast_in_dim3A_1624] : memref<2x4x32x128xf32, #tpu.memory_space<vmem>>[vector<16xi32>, vector<16xi32>, vector<16xi32>, vector<16xi32>], vector<16xf32>,
      %add3A_1631 = arith.constant 16 : i32
      %add3A_1632 = vector.broadcast %add3A_1631 : i32 to vector<16xi32>
      %add3A_1633 = arith.addi %iota3A, %add3A_1632 : vector<16xi32>
      %gather3A_1634 = tpu.vector_load_idx %arg11[%broadcast_in_dim3A_1610, %broadcast_in_dim3A_1618, %add3A_1633, %broadcast_in_dim3A_1624] : memref<2x4x32x128xf32, #tpu.memory_space<vmem>>[vector<16xi32>, vector<16xi32>, vector<16xi32>, vector<16xi32>], vector<16xf32>,
      %mul3A_1635 = arith.mulf %gather3A_1625, %gather3A_1630 : vector<16xf32>
      %mul3A_1636 = arith.mulf %mul3A_1635, %get3A_3 : vector<16xf32>
      %mul3A_1637 = arith.mulf %gather3A_1629, %gather3A_1634 : vector<16xf32>
      %mul3A_1638 = arith.mulf %mul3A_1637, %get3A_5 : vector<16xf32>
      %add3A_1639 = arith.addf %mul3A_1636, %mul3A_1638 : vector<16xf32>
      %mul3A_1640 = arith.constant 16 : i32
      %mul3A_1641 = arith.muli %add3A_1616, %mul3A_1640 : i32
      %swap3A_1642 = arith.index_cast %mul3A_1641 : i32 to index
      %swap3A_1643 = tpu.vector_load %arg12[%swap3A_1642] {strides = array<i32>} : memref<8192xf32, #tpu.memory_space<vmem>>, vector<16xf32>,
      tpu.vector_store %arg12[%swap3A_1642], %add3A_1639 {strides = array<i32>} : memref<8192xf32, #tpu.memory_space<vmem>>, vector<16xf32>,
      %mul3A_1644 = arith.constant 16 : i32
      %mul3A_1645 = arith.muli %scan3A_22, %mul3A_1644 : i32
      %add3A_1646 = arith.constant 12 : i32
      %add3A_1647 = arith.addi %mul3A_1645, %add3A_1646 : i32
      %add3A_1648 = arith.constant 1 : i32
      %add3A_1649 = arith.addi %add3A_1647, %add3A_1648 : i32
      %broadcast_in_dim3A_1650 = arith.constant 1 : i32
      %broadcast_in_dim3A_1651 = vector.broadcast %broadcast_in_dim3A_1650 : i32 to vector<16xi32>
      %and3A_1652 = arith.constant 127 : i32
      %and3A_1653 = arith.andi %squeeze3A_58, %and3A_1652 : i32
      %broadcast_in_dim3A_1654 = vector.broadcast %and3A_1653 : i32 to vector<16xi32>
      %and3A_1655 = arith.constant 127 : i32
      %and3A_1656 = arith.andi %squeeze3A_90, %and3A_1655 : i32
      %broadcast_in_dim3A_1657 = vector.broadcast %and3A_1656 : i32 to vector<16xi32>
      %gather3A_1658 = tpu.vector_load_idx %arg10[%broadcast_in_dim3A_1610, %broadcast_in_dim3A_1651, %iota3A, %broadcast_in_dim3A_1654] : memref<2x4x32x128xf32, #tpu.memory_space<vmem>>[vector<16xi32>, vector<16xi32>, vector<16xi32>, vector<16xi32>], vector<16xf32>,
      %add3A_1659 = arith.constant 16 : i32
      %add3A_1660 = vector.broadcast %add3A_1659 : i32 to vector<16xi32>
      %add3A_1661 = arith.addi %iota3A, %add3A_1660 : vector<16xi32>
      %gather3A_1662 = tpu.vector_load_idx %arg10[%broadcast_in_dim3A_1610, %broadcast_in_dim3A_1651, %add3A_1661, %broadcast_in_dim3A_1654] : memref<2x4x32x128xf32, #tpu.memory_space<vmem>>[vector<16xi32>, vector<16xi32>, vector<16xi32>, vector<16xi32>], vector<16xf32>,
      %gather3A_1663 = tpu.vector_load_idx %arg11[%broadcast_in_dim3A_1610, %broadcast_in_dim3A_1651, %iota3A, %broadcast_in_dim3A_1657] : memref<2x4x32x128xf32, #tpu.memory_space<vmem>>[vector<16xi32>, vector<16xi32>, vector<16xi32>, vector<16xi32>], vector<16xf32>,
      %add3A_1664 = arith.constant 16 : i32
      %add3A_1665 = vector.broadcast %add3A_1664 : i32 to vector<16xi32>
      %add3A_1666 = arith.addi %iota3A, %add3A_1665 : vector<16xi32>
      %gather3A_1667 = tpu.vector_load_idx %arg11[%broadcast_in_dim3A_1610, %broadcast_in_dim3A_1651, %add3A_1666, %broadcast_in_dim3A_1657] : memref<2x4x32x128xf32, #tpu.memory_space<vmem>>[vector<16xi32>, vector<16xi32>, vector<16xi32>, vector<16xi32>], vector<16xf32>,
      %mul3A_1668 = arith.mulf %gather3A_1658, %gather3A_1663 : vector<16xf32>
      %mul3A_1669 = arith.mulf %mul3A_1668, %get3A_3 : vector<16xf32>
      %mul3A_1670 = arith.mulf %gather3A_1662, %gather3A_1667 : vector<16xf32>
      %mul3A_1671 = arith.mulf %mul3A_1670, %get3A_5 : vector<16xf32>
      %add3A_1672 = arith.addf %mul3A_1669, %mul3A_1671 : vector<16xf32>
      %mul3A_1673 = arith.constant 16 : i32
      %mul3A_1674 = arith.muli %add3A_1649, %mul3A_1673 : i32
      %swap3A_1675 = arith.index_cast %mul3A_1674 : i32 to index
      %swap3A_1676 = tpu.vector_load %arg12[%swap3A_1675] {strides = array<i32>} : memref<8192xf32, #tpu.memory_space<vmem>>, vector<16xf32>,
      tpu.vector_store %arg12[%swap3A_1675], %add3A_1672 {strides = array<i32>} : memref<8192xf32, #tpu.memory_space<vmem>>, vector<16xf32>,
      %mul3A_1677 = arith.constant 16 : i32
      %mul3A_1678 = arith.muli %scan3A_22, %mul3A_1677 : i32
      %add3A_1679 = arith.constant 12 : i32
      %add3A_1680 = arith.addi %mul3A_1678, %add3A_1679 : i32
      %add3A_1681 = arith.constant 2 : i32
      %add3A_1682 = arith.addi %add3A_1680, %add3A_1681 : i32
      %broadcast_in_dim3A_1683 = arith.constant 2 : i32
      %broadcast_in_dim3A_1684 = vector.broadcast %broadcast_in_dim3A_1683 : i32 to vector<16xi32>
      %and3A_1685 = arith.constant 127 : i32
      %and3A_1686 = arith.andi %squeeze3A_60, %and3A_1685 : i32
      %broadcast_in_dim3A_1687 = vector.broadcast %and3A_1686 : i32 to vector<16xi32>
      %and3A_1688 = arith.constant 127 : i32
      %and3A_1689 = arith.andi %squeeze3A_92, %and3A_1688 : i32
      %broadcast_in_dim3A_1690 = vector.broadcast %and3A_1689 : i32 to vector<16xi32>
      %gather3A_1691 = tpu.vector_load_idx %arg10[%broadcast_in_dim3A_1610, %broadcast_in_dim3A_1684, %iota3A, %broadcast_in_dim3A_1687] : memref<2x4x32x128xf32, #tpu.memory_space<vmem>>[vector<16xi32>, vector<16xi32>, vector<16xi32>, vector<16xi32>], vector<16xf32>,
      %add3A_1692 = arith.constant 16 : i32
      %add3A_1693 = vector.broadcast %add3A_1692 : i32 to vector<16xi32>
      %add3A_1694 = arith.addi %iota3A, %add3A_1693 : vector<16xi32>
      %gather3A_1695 = tpu.vector_load_idx %arg10[%broadcast_in_dim3A_1610, %broadcast_in_dim3A_1684, %add3A_1694, %broadcast_in_dim3A_1687] : memref<2x4x32x128xf32, #tpu.memory_space<vmem>>[vector<16xi32>, vector<16xi32>, vector<16xi32>, vector<16xi32>], vector<16xf32>,
      %gather3A_1696 = tpu.vector_load_idx %arg11[%broadcast_in_dim3A_1610, %broadcast_in_dim3A_1684, %iota3A, %broadcast_in_dim3A_1690] : memref<2x4x32x128xf32, #tpu.memory_space<vmem>>[vector<16xi32>, vector<16xi32>, vector<16xi32>, vector<16xi32>], vector<16xf32>,
      %add3A_1697 = arith.constant 16 : i32
      %add3A_1698 = vector.broadcast %add3A_1697 : i32 to vector<16xi32>
      %add3A_1699 = arith.addi %iota3A, %add3A_1698 : vector<16xi32>
      %gather3A_1700 = tpu.vector_load_idx %arg11[%broadcast_in_dim3A_1610, %broadcast_in_dim3A_1684, %add3A_1699, %broadcast_in_dim3A_1690] : memref<2x4x32x128xf32, #tpu.memory_space<vmem>>[vector<16xi32>, vector<16xi32>, vector<16xi32>, vector<16xi32>], vector<16xf32>,
      %mul3A_1701 = arith.mulf %gather3A_1691, %gather3A_1696 : vector<16xf32>
      %mul3A_1702 = arith.mulf %mul3A_1701, %get3A_3 : vector<16xf32>
      %mul3A_1703 = arith.mulf %gather3A_1695, %gather3A_1700 : vector<16xf32>
      %mul3A_1704 = arith.mulf %mul3A_1703, %get3A_5 : vector<16xf32>
      %add3A_1705 = arith.addf %mul3A_1702, %mul3A_1704 : vector<16xf32>
      %mul3A_1706 = arith.constant 16 : i32
      %mul3A_1707 = arith.muli %add3A_1682, %mul3A_1706 : i32
      %swap3A_1708 = arith.index_cast %mul3A_1707 : i32 to index
      %swap3A_1709 = tpu.vector_load %arg12[%swap3A_1708] {strides = array<i32>} : memref<8192xf32, #tpu.memory_space<vmem>>, vector<16xf32>,
      tpu.vector_store %arg12[%swap3A_1708], %add3A_1705 {strides = array<i32>} : memref<8192xf32, #tpu.memory_space<vmem>>, vector<16xf32>,
      %mul3A_1710 = arith.constant 16 : i32
      %mul3A_1711 = arith.muli %scan3A_22, %mul3A_1710 : i32
      %add3A_1712 = arith.constant 12 : i32
      %add3A_1713 = arith.addi %mul3A_1711, %add3A_1712 : i32
      %add3A_1714 = arith.constant 3 : i32
      %add3A_1715 = arith.addi %add3A_1713, %add3A_1714 : i32
      %broadcast_in_dim3A_1716 = arith.constant 3 : i32
      %broadcast_in_dim3A_1717 = vector.broadcast %broadcast_in_dim3A_1716 : i32 to vector<16xi32>
      %and3A_1718 = arith.constant 127 : i32
      %and3A_1719 = arith.andi %squeeze3A_62, %and3A_1718 : i32
      %broadcast_in_dim3A_1720 = vector.broadcast %and3A_1719 : i32 to vector<16xi32>
      %and3A_1721 = arith.constant 127 : i32
      %and3A_1722 = arith.andi %squeeze3A_94, %and3A_1721 : i32
      %broadcast_in_dim3A_1723 = vector.broadcast %and3A_1722 : i32 to vector<16xi32>
      %gather3A_1724 = tpu.vector_load_idx %arg10[%broadcast_in_dim3A_1610, %broadcast_in_dim3A_1717, %iota3A, %broadcast_in_dim3A_1720] : memref<2x4x32x128xf32, #tpu.memory_space<vmem>>[vector<16xi32>, vector<16xi32>, vector<16xi32>, vector<16xi32>], vector<16xf32>,
      %add3A_1725 = arith.constant 16 : i32
      %add3A_1726 = vector.broadcast %add3A_1725 : i32 to vector<16xi32>
      %add3A_1727 = arith.addi %iota3A, %add3A_1726 : vector<16xi32>
      %gather3A_1728 = tpu.vector_load_idx %arg10[%broadcast_in_dim3A_1610, %broadcast_in_dim3A_1717, %add3A_1727, %broadcast_in_dim3A_1720] : memref<2x4x32x128xf32, #tpu.memory_space<vmem>>[vector<16xi32>, vector<16xi32>, vector<16xi32>, vector<16xi32>], vector<16xf32>,
      %gather3A_1729 = tpu.vector_load_idx %arg11[%broadcast_in_dim3A_1610, %broadcast_in_dim3A_1717, %iota3A, %broadcast_in_dim3A_1723] : memref<2x4x32x128xf32, #tpu.memory_space<vmem>>[vector<16xi32>, vector<16xi32>, vector<16xi32>, vector<16xi32>], vector<16xf32>,
      %add3A_1730 = arith.constant 16 : i32
      %add3A_1731 = vector.broadcast %add3A_1730 : i32 to vector<16xi32>
      %add3A_1732 = arith.addi %iota3A, %add3A_1731 : vector<16xi32>
      %gather3A_1733 = tpu.vector_load_idx %arg11[%broadcast_in_dim3A_1610, %broadcast_in_dim3A_1717, %add3A_1732, %broadcast_in_dim3A_1723] : memref<2x4x32x128xf32, #tpu.memory_space<vmem>>[vector<16xi32>, vector<16xi32>, vector<16xi32>, vector<16xi32>], vector<16xf32>,
      %mul3A_1734 = arith.mulf %gather3A_1724, %gather3A_1729 : vector<16xf32>
      %mul3A_1735 = arith.mulf %mul3A_1734, %get3A_3 : vector<16xf32>
      %mul3A_1736 = arith.mulf %gather3A_1728, %gather3A_1733 : vector<16xf32>
      %mul3A_1737 = arith.mulf %mul3A_1736, %get3A_5 : vector<16xf32>
      %add3A_1738 = arith.addf %mul3A_1735, %mul3A_1737 : vector<16xf32>
      %mul3A_1739 = arith.constant 16 : i32
      %mul3A_1740 = arith.muli %add3A_1715, %mul3A_1739 : i32
      %swap3A_1741 = arith.index_cast %mul3A_1740 : i32 to index
      %swap3A_1742 = tpu.vector_load %arg12[%swap3A_1741] {strides = array<i32>} : memref<8192xf32, #tpu.memory_space<vmem>>, vector<16xf32>,
      tpu.vector_store %arg12[%swap3A_1741], %add3A_1738 {strides = array<i32>} : memref<8192xf32, #tpu.memory_space<vmem>>, vector<16xf32>,
    }
    %scan3A_12 = arith.constant 32 : i32
    %mul3A_13 = arith.constant 16 : i32
    %mul3A_14 = vector.broadcast %mul3A_13 : i32 to vector<16xi32>
    %mul3A_15 = arith.muli %iota3A, %mul3A_14 : vector<16xi32>
    %scan3A_16 = arith.constant 0 : i32
    %scan3A_17 = arith.constant 0 : i32
    %scan3A_18 = arith.constant 32 : i32
    %scan3A_19 = arith.addi %scan3A_17, %scan3A_18 : i32
    %scan3A_20 = arith.constant 1 : i32
    scf.for %scan3A_22 = %scan3A_17 to %scan3A_19 step %scan3A_20  : i32 {
      %broadcast_in_dim3A = arith.constant 0.000000e+00 : f32
      %broadcast_in_dim3A_23 = vector.broadcast %broadcast_in_dim3A : f32 to vector<16xf32>
      %mul3A_24 = arith.constant 256 : i32
      %mul3A_25 = arith.muli %scan3A_22, %mul3A_24 : i32
      %add3A_26 = vector.broadcast %mul3A_25 : i32 to vector<16xi32>
      %add3A_27 = arith.addi %add3A_26, %mul3A_15 : vector<16xi32>
      %add3A_28 = arith.constant 0 : i32
      %add3A_29 = vector.broadcast %add3A_28 : i32 to vector<16xi32>
      %add3A_30 = arith.addi %add3A_27, %add3A_29 : vector<16xi32>
      %gather3A = tpu.vector_load_idx %arg12[%add3A_30] : memref<8192xf32, #tpu.memory_space<vmem>>[vector<16xi32>], vector<16xf32>,
      %add3A_31 = arith.addf %broadcast_in_dim3A_23, %gather3A : vector<16xf32>
      %mul3A_32 = arith.constant 256 : i32
      %mul3A_33 = arith.muli %scan3A_22, %mul3A_32 : i32
      %add3A_34 = vector.broadcast %mul3A_33 : i32 to vector<16xi32>
      %add3A_35 = arith.addi %add3A_34, %mul3A_15 : vector<16xi32>
      %add3A_36 = arith.constant 1 : i32
      %add3A_37 = vector.broadcast %add3A_36 : i32 to vector<16xi32>
      %add3A_38 = arith.addi %add3A_35, %add3A_37 : vector<16xi32>
      %gather3A_39 = tpu.vector_load_idx %arg12[%add3A_38] : memref<8192xf32, #tpu.memory_space<vmem>>[vector<16xi32>], vector<16xf32>,
      %add3A_40 = arith.addf %add3A_31, %gather3A_39 : vector<16xf32>
      %mul3A_41 = arith.constant 256 : i32
      %mul3A_42 = arith.muli %scan3A_22, %mul3A_41 : i32
      %add3A_43 = vector.broadcast %mul3A_42 : i32 to vector<16xi32>
      %add3A_44 = arith.addi %add3A_43, %mul3A_15 : vector<16xi32>
      %add3A_45 = arith.constant 2 : i32
      %add3A_46 = vector.broadcast %add3A_45 : i32 to vector<16xi32>
      %add3A_47 = arith.addi %add3A_44, %add3A_46 : vector<16xi32>
      %gather3A_48 = tpu.vector_load_idx %arg12[%add3A_47] : memref<8192xf32, #tpu.memory_space<vmem>>[vector<16xi32>], vector<16xf32>,
      %add3A_49 = arith.addf %add3A_40, %gather3A_48 : vector<16xf32>
      %mul3A_50 = arith.constant 256 : i32
      %mul3A_51 = arith.muli %scan3A_22, %mul3A_50 : i32
      %add3A_52 = vector.broadcast %mul3A_51 : i32 to vector<16xi32>
      %add3A_53 = arith.addi %add3A_52, %mul3A_15 : vector<16xi32>
      %add3A_54 = arith.constant 3 : i32
      %add3A_55 = vector.broadcast %add3A_54 : i32 to vector<16xi32>
      %add3A_56 = arith.addi %add3A_53, %add3A_55 : vector<16xi32>
      %gather3A_57 = tpu.vector_load_idx %arg12[%add3A_56] : memref<8192xf32, #tpu.memory_space<vmem>>[vector<16xi32>], vector<16xf32>,
      %add3A_58 = arith.addf %add3A_49, %gather3A_57 : vector<16xf32>
      %mul3A_59 = arith.constant 256 : i32
      %mul3A_60 = arith.muli %scan3A_22, %mul3A_59 : i32
      %add3A_61 = vector.broadcast %mul3A_60 : i32 to vector<16xi32>
      %add3A_62 = arith.addi %add3A_61, %mul3A_15 : vector<16xi32>
      %add3A_63 = arith.constant 4 : i32
      %add3A_64 = vector.broadcast %add3A_63 : i32 to vector<16xi32>
      %add3A_65 = arith.addi %add3A_62, %add3A_64 : vector<16xi32>
      %gather3A_66 = tpu.vector_load_idx %arg12[%add3A_65] : memref<8192xf32, #tpu.memory_space<vmem>>[vector<16xi32>], vector<16xf32>,
      %add3A_67 = arith.addf %add3A_58, %gather3A_66 : vector<16xf32>
      %mul3A_68 = arith.constant 256 : i32
      %mul3A_69 = arith.muli %scan3A_22, %mul3A_68 : i32
      %add3A_70 = vector.broadcast %mul3A_69 : i32 to vector<16xi32>
      %add3A_71 = arith.addi %add3A_70, %mul3A_15 : vector<16xi32>
      %add3A_72 = arith.constant 5 : i32
      %add3A_73 = vector.broadcast %add3A_72 : i32 to vector<16xi32>
      %add3A_74 = arith.addi %add3A_71, %add3A_73 : vector<16xi32>
      %gather3A_75 = tpu.vector_load_idx %arg12[%add3A_74] : memref<8192xf32, #tpu.memory_space<vmem>>[vector<16xi32>], vector<16xf32>,
      %add3A_76 = arith.addf %add3A_67, %gather3A_75 : vector<16xf32>
      %mul3A_77 = arith.constant 256 : i32
      %mul3A_78 = arith.muli %scan3A_22, %mul3A_77 : i32
      %add3A_79 = vector.broadcast %mul3A_78 : i32 to vector<16xi32>
      %add3A_80 = arith.addi %add3A_79, %mul3A_15 : vector<16xi32>
      %add3A_81 = arith.constant 6 : i32
      %add3A_82 = vector.broadcast %add3A_81 : i32 to vector<16xi32>
      %add3A_83 = arith.addi %add3A_80, %add3A_82 : vector<16xi32>
      %gather3A_84 = tpu.vector_load_idx %arg12[%add3A_83] : memref<8192xf32, #tpu.memory_space<vmem>>[vector<16xi32>], vector<16xf32>,
      %add3A_85 = arith.addf %add3A_76, %gather3A_84 : vector<16xf32>
      %mul3A_86 = arith.constant 256 : i32
      %mul3A_87 = arith.muli %scan3A_22, %mul3A_86 : i32
      %add3A_88 = vector.broadcast %mul3A_87 : i32 to vector<16xi32>
      %add3A_89 = arith.addi %add3A_88, %mul3A_15 : vector<16xi32>
      %add3A_90 = arith.constant 7 : i32
      %add3A_91 = vector.broadcast %add3A_90 : i32 to vector<16xi32>
      %add3A_92 = arith.addi %add3A_89, %add3A_91 : vector<16xi32>
      %gather3A_93 = tpu.vector_load_idx %arg12[%add3A_92] : memref<8192xf32, #tpu.memory_space<vmem>>[vector<16xi32>], vector<16xf32>,
      %add3A_94 = arith.addf %add3A_85, %gather3A_93 : vector<16xf32>
      %mul3A_95 = arith.constant 256 : i32
      %mul3A_96 = arith.muli %scan3A_22, %mul3A_95 : i32
      %add3A_97 = vector.broadcast %mul3A_96 : i32 to vector<16xi32>
      %add3A_98 = arith.addi %add3A_97, %mul3A_15 : vector<16xi32>
      %add3A_99 = arith.constant 8 : i32
      %add3A_100 = vector.broadcast %add3A_99 : i32 to vector<16xi32>
      %add3A_101 = arith.addi %add3A_98, %add3A_100 : vector<16xi32>
      %gather3A_102 = tpu.vector_load_idx %arg12[%add3A_101] : memref<8192xf32, #tpu.memory_space<vmem>>[vector<16xi32>], vector<16xf32>,
      %add3A_103 = arith.addf %add3A_94, %gather3A_102 : vector<16xf32>
      %mul3A_104 = arith.constant 256 : i32
      %mul3A_105 = arith.muli %scan3A_22, %mul3A_104 : i32
      %add3A_106 = vector.broadcast %mul3A_105 : i32 to vector<16xi32>
      %add3A_107 = arith.addi %add3A_106, %mul3A_15 : vector<16xi32>
      %add3A_108 = arith.constant 9 : i32
      %add3A_109 = vector.broadcast %add3A_108 : i32 to vector<16xi32>
      %add3A_110 = arith.addi %add3A_107, %add3A_109 : vector<16xi32>
      %gather3A_111 = tpu.vector_load_idx %arg12[%add3A_110] : memref<8192xf32, #tpu.memory_space<vmem>>[vector<16xi32>], vector<16xf32>,
      %add3A_112 = arith.addf %add3A_103, %gather3A_111 : vector<16xf32>
      %mul3A_113 = arith.constant 256 : i32
      %mul3A_114 = arith.muli %scan3A_22, %mul3A_113 : i32
      %add3A_115 = vector.broadcast %mul3A_114 : i32 to vector<16xi32>
      %add3A_116 = arith.addi %add3A_115, %mul3A_15 : vector<16xi32>
      %add3A_117 = arith.constant 10 : i32
      %add3A_118 = vector.broadcast %add3A_117 : i32 to vector<16xi32>
      %add3A_119 = arith.addi %add3A_116, %add3A_118 : vector<16xi32>
      %gather3A_120 = tpu.vector_load_idx %arg12[%add3A_119] : memref<8192xf32, #tpu.memory_space<vmem>>[vector<16xi32>], vector<16xf32>,
      %add3A_121 = arith.addf %add3A_112, %gather3A_120 : vector<16xf32>
      %mul3A_122 = arith.constant 256 : i32
      %mul3A_123 = arith.muli %scan3A_22, %mul3A_122 : i32
      %add3A_124 = vector.broadcast %mul3A_123 : i32 to vector<16xi32>
      %add3A_125 = arith.addi %add3A_124, %mul3A_15 : vector<16xi32>
      %add3A_126 = arith.constant 11 : i32
      %add3A_127 = vector.broadcast %add3A_126 : i32 to vector<16xi32>
      %add3A_128 = arith.addi %add3A_125, %add3A_127 : vector<16xi32>
      %gather3A_129 = tpu.vector_load_idx %arg12[%add3A_128] : memref<8192xf32, #tpu.memory_space<vmem>>[vector<16xi32>], vector<16xf32>,
      %add3A_130 = arith.addf %add3A_121, %gather3A_129 : vector<16xf32>
      %mul3A_131 = arith.constant 256 : i32
      %mul3A_132 = arith.muli %scan3A_22, %mul3A_131 : i32
      %add3A_133 = vector.broadcast %mul3A_132 : i32 to vector<16xi32>
      %add3A_134 = arith.addi %add3A_133, %mul3A_15 : vector<16xi32>
      %add3A_135 = arith.constant 12 : i32
      %add3A_136 = vector.broadcast %add3A_135 : i32 to vector<16xi32>
      %add3A_137 = arith.addi %add3A_134, %add3A_136 : vector<16xi32>
      %gather3A_138 = tpu.vector_load_idx %arg12[%add3A_137] : memref<8192xf32, #tpu.memory_space<vmem>>[vector<16xi32>], vector<16xf32>,
      %add3A_139 = arith.addf %add3A_130, %gather3A_138 : vector<16xf32>
      %mul3A_140 = arith.constant 256 : i32
      %mul3A_141 = arith.muli %scan3A_22, %mul3A_140 : i32
      %add3A_142 = vector.broadcast %mul3A_141 : i32 to vector<16xi32>
      %add3A_143 = arith.addi %add3A_142, %mul3A_15 : vector<16xi32>
      %add3A_144 = arith.constant 13 : i32
      %add3A_145 = vector.broadcast %add3A_144 : i32 to vector<16xi32>
      %add3A_146 = arith.addi %add3A_143, %add3A_145 : vector<16xi32>
      %gather3A_147 = tpu.vector_load_idx %arg12[%add3A_146] : memref<8192xf32, #tpu.memory_space<vmem>>[vector<16xi32>], vector<16xf32>,
      %add3A_148 = arith.addf %add3A_139, %gather3A_147 : vector<16xf32>
      %mul3A_149 = arith.constant 256 : i32
      %mul3A_150 = arith.muli %scan3A_22, %mul3A_149 : i32
      %add3A_151 = vector.broadcast %mul3A_150 : i32 to vector<16xi32>
      %add3A_152 = arith.addi %add3A_151, %mul3A_15 : vector<16xi32>
      %add3A_153 = arith.constant 14 : i32
      %add3A_154 = vector.broadcast %add3A_153 : i32 to vector<16xi32>
      %add3A_155 = arith.addi %add3A_152, %add3A_154 : vector<16xi32>
      %gather3A_156 = tpu.vector_load_idx %arg12[%add3A_155] : memref<8192xf32, #tpu.memory_space<vmem>>[vector<16xi32>], vector<16xf32>,
      %add3A_157 = arith.addf %add3A_148, %gather3A_156 : vector<16xf32>
      %mul3A_158 = arith.constant 256 : i32
      %mul3A_159 = arith.muli %scan3A_22, %mul3A_158 : i32
      %add3A_160 = vector.broadcast %mul3A_159 : i32 to vector<16xi32>
      %add3A_161 = arith.addi %add3A_160, %mul3A_15 : vector<16xi32>
      %add3A_162 = arith.constant 15 : i32
      %add3A_163 = vector.broadcast %add3A_162 : i32 to vector<16xi32>
      %add3A_164 = arith.addi %add3A_161, %add3A_163 : vector<16xi32>
      %gather3A_165 = tpu.vector_load_idx %arg12[%add3A_164] : memref<8192xf32, #tpu.memory_space<vmem>>[vector<16xi32>], vector<16xf32>,
      %add3A_166 = arith.addf %add3A_157, %gather3A_165 : vector<16xf32>
      %add3A_167 = vector.broadcast %squeeze3A : f32 to vector<16xf32>
      %add3A_168 = arith.addf %add3A_166, %add3A_167 : vector<16xf32>
      %neg3A = arith.constant 0.000000e+00 : f32
      %neg3A_169 = vector.broadcast %neg3A : f32 to vector<16xf32>
      %neg3A_170 = arith.subf %neg3A_169, %add3A_168 : vector<16xf32>
      %exp3A = math.exp %neg3A_170 : vector<16xf32>
      %add3A_171 = arith.constant 1.000000e+00 : f32
      %add3A_172 = vector.broadcast %add3A_171 : f32 to vector<16xf32>
      %add3A_173 = arith.addf %add3A_172, %exp3A : vector<16xf32>
      %div3A = arith.constant 1.000000e+00 : f32
      %div3A_174 = vector.broadcast %div3A : f32 to vector<16xf32>
      %div3A_175 = arith.divf %div3A_174, %add3A_173 : vector<16xf32>
      %mul3A_176 = arith.constant 16 : i32
      %mul3A_177 = arith.muli %scan3A_22, %mul3A_176 : i32
      %swap3A = arith.index_cast %mul3A_177 : i32 to index
      %swap3A_178 = tpu.vector_load %arg13[%swap3A] {strides = array<i32>} : memref<512xf32, #tpu.memory_space<vmem>>, vector<16xf32>,
      tpu.vector_store %arg13[%swap3A], %div3A_175 {strides = array<i32>} : memref<512xf32, #tpu.memory_space<vmem>>, vector<16xf32>,
    }
    %scan3A_21 = arith.constant 32 : i32
    "tpu.region"() ({
      %run_scoped3A = tpu.sem_alloc : memref<!tpu.dma_semaphore, #tpu.memory_space<semaphore_mem>>
      %dma_start3A = tpu.memref_slice %arg7[%mul3A_2] : memref<16384xf32, #tpu.memory_space<hbm>> -> memref<512xf32, #tpu.memory_space<hbm>>
      %dma_start3A_22 = tpu.memref_slice %arg7[%mul3A_2] : memref<16384xf32, #tpu.memory_space<hbm>> -> memref<512xf32, #tpu.memory_space<hbm>>
      tpu.enqueue_dma source(%arg13 : memref<512xf32, #tpu.memory_space<vmem>>) target(%dma_start3A_22 : memref<512xf32, #tpu.memory_space<hbm>>) target_semaphore(%run_scoped3A : memref<!tpu.dma_semaphore, #tpu.memory_space<semaphore_mem>>)
      %dma_wait3A = tpu.memref_slice %arg7[%mul3A_2] : memref<16384xf32, #tpu.memory_space<hbm>> -> memref<512xf32, #tpu.memory_space<hbm>>
      %dma_wait3A_23 = tpu.memref_slice %arg7[%mul3A_2] : memref<16384xf32, #tpu.memory_space<hbm>> -> memref<512xf32, #tpu.memory_space<hbm>>
      tpu.wait_dma2 semaphore(%run_scoped3A : memref<!tpu.dma_semaphore, #tpu.memory_space<semaphore_mem>>) src(%arg13 : memref<512xf32, #tpu.memory_space<vmem>>) dst(%dma_wait3A_23 : memref<512xf32, #tpu.memory_space<hbm>>)
      tpu.yield
    }) : () -> ()
    return
  }
}

</mosaic_0001>

<sc_bundles>
// kernel: _gmf.3.cloned.1.call-start
scs
__scs_entry_jumppad:
0x0: {  	(pc) =	sbr.rel $0x88, $3  }
0x1: {  	(tag) =	ssettag $0x0;
	lr =	simm.s32 $0x1  }
0x2: {  	[smem:$0x3F9C] =	sst lr;
	_ =	strace $0xD0000000  }
0x3: {  	_ = 	snop  }
0x4: {  	_ = 	snop  }
0x5: {  	_ = 	snop  }
0x6: {  	_ = 	snop  }
0x7: {  	_ = 	snop  }
__scs_overlays_trampoline_lowered:
0x8: {  	[smem:$0x3FAB] =	sst s0  }
0x9: {  	[smem:$0x3FAC] =	sst s1  }
0xa: {  	[smem:$0x3FAD] =	sst s2  }
0xb: {  	[smem:$0x3FAE] =	sst s3  }
0xc: {  	[smem:$0x3FAF] =	sst s4  }
0xd: {  	[smem:$0x3FB0] =	sst s5  }
0xe: {  	[smem:$0x3FB1] =	sst s6  }
0xf: {  	[smem:$0x3FB2] =	sst s7  }
0x10: {  	[smem:$0x3FB3] =	sst s8  }
0x11: {  	[smem:$0x3FB4] =	sst s9;
	s0 =	simm.s32 @!p0 $0x0  }
0x12: {  	s1 =	sld [smem:$0x3F9A];
	s0 =	simm.s32 @p0 $0x1  }
0x13: {  	[smem:$0x3FB5] =	sst s0;
	s0 =	simm.s32 @!p1 $0x0  }
0x14: {  	s2 =	sld [smem:$0x3F99];
	s0 =	simm.s32 @p1 $0x1  }
0x15: {  	[smem:$0x3FB6] =	sst s0;
	s0 =	simm.s32 @!p2 $0x0  }
0x16: {  	s3 =	sld [smem:$0x3FDB];
	s0 =	simm.s32 @p2 $0x1  }
0x17: {  	s4 =	simm.s32 $0x1BF5;
	[smem:$0x3FB8] =	sst s0  }
0x18: {  	s0 =	sld [smem:$0x3F9B];
	_ =	swait.ge [sflag:s4], $0x0  }
0x19: {  	s7 =	sld [smem:$0x3F9C]  }
0x1a: {  	s8 =	sadd.s32 $0xFFFFE003, lr  }
0x1b: {  	s9 =	sadd.s32 $0xFFFFFEF7, lr;
	s5 =	simm.s32 $0xFFFFFFFF;
	p2 =	slt.u32 s8, $0xFFFFF086  }
0x1c: {  	p1 =	slt.u32 s9, $0xF7A;
	s5 =	simm.s32 @!p2 $0x0  }
0x1d: {  	s5 =	simm.s32 @p1 $0x1;
	p0 =	seq.s32 s7, s2  }
0x1e: {  	s7 =	smul.u32 @!p0 $0xF7A, s2;
	p2 =	seq.s32 @!p0 s5, $0x0  }
0x1f: {  	s9 =	smul.u32 $0xF7A, s1;
	s8 =	simm.s32 @!p0 $0x1BF5;
	p2 =	por !p2, p0  }
0x20: {  	[sflag:s8] =	ssyncset.s32 @!p0 $0xFFFFF086;
	s6 =	sadd.s32 @!p0 s3, s7;
	s7 =	simm.s32 @!p0 $0x108  }
0x21: {  	s3 =	sadd.s32 s3, s9;
	s6 =	sadd.s32 @!p0 $0x88, s6;
	s7 =	simm.s32 @p2 $0x1082  }
0x22: {  	[simem:s7], [sflag:s8] =	dma.local @!p0 [hbm:s6], $0xF7A  }
0x23: {  	s9 =	sor.u32 $0xD0000000, s2;
	s6 =	simm.s32 $0x108;
	_ =	swait.ge @!p0 [sflag:s8], $0x0  }
0x24: {  	s3 =	sadd.s32 $0x88, s3;
	s6 =	simm.s32 @!p1 $0x1082;
	[sflag:s4] =	ssyncset.s32 $0xFFFFF086  }
0x25: {  	[simem:s6], [sflag:s4] =	dma.local [hbm:s3], $0xF7A  }
0x26: {  	[smem:$0x3F9C] =	sst s1;
	(tag) =	ssettag s2;
	_ =	strace s9  }
0x27: {  	s1 =	sld [smem:$0x3FAC]  }
0x28: {  	s2 =	sld [smem:$0x3FAD]  }
0x29: {  	s4 =	sld [smem:$0x3FAF]  }
0x2a: {  	p0 =	seq.s32 s5, $0x0;
	s5 =	sld [smem:$0x3FB0]  }
0x2b: {  	s6 =	sld [smem:$0x3FB1]  }
0x2c: {  	s7 =	sld [smem:$0x3FB2]  }
0x2d: {  	s3 =	simm.s32 $0x108;
	s8 =	sld [smem:$0x3FB3]  }
0x2e: {  	s3 =	simm.s32 @!p0 $0x1082;
	s9 =	sld [smem:$0x3FB4]  }
0x2f: {  	lr =	sadd.s32 s0, s3;
	s0 =	sld [smem:$0x3FAB]  }
0x30: {  	s3 =	sld [smem:$0x3FAE]  }
0x31: {  	[smem:$0x3FB7] =	sst s10  }
0x32: {  	s10 =	sld [smem:$0x3FB5];
	_ =	sdelay $0x3  }
0x33: {  	p0 =	seq.s32 s10, $0x1;
	s10 =	sld [smem:$0x3FB7];
	_ =	sdelay $0x3  }
0x34: {  	[smem:$0x3FB7] =	sst s10  }
0x35: {  	s10 =	sld [smem:$0x3FB6];
	_ =	sdelay $0x3  }
0x36: {  	p1 =	seq.s32 s10, $0x1;
	s10 =	sld [smem:$0x3FB7];
	_ =	sdelay $0x3  }
0x37: {  	[smem:$0x3FB7] =	sst s10  }
0x38: {  	s10 =	sld [smem:$0x3FB8]  }
0x39: {  	_ = 	snop;
	(pc) =	sbr.ind lr, $3  }
0x3a: {  	_ = 	snop  }
0x3b: {  	_ = 	snop  }
0x3c: {  	p2 =	seq.s32 s10, $0x1;
	s10 =	sld [smem:$0x3FB7]  }
0x3d: {  	_ =	shalt  }
0x3e: {  	_ =	shalt  }
0x3f: {  	_ =	shalt  }
0x40: {  	_ =	shalt  }
0x41: {  	_ =	shalt  }
0x42: {  	_ =	shalt  }
0x43: {  	_ =	shalt  }
0x44: {  	_ =	shalt  }
0x45: {  	_ =	shalt  }
0x46: {  	_ =	shalt  }
0x47: {  	_ =	shalt  }
0x48: {  	_ =	shalt  }
0x49: {  	_ =	shalt  }
0x4a: {  	_ =	shalt  }
0x4b: {  	_ =	shalt  }
0x4c: {  	_ =	shalt  }
0x4d: {  	_ =	shalt  }
0x4e: {  	_ =	shalt  }
0x4f: {  	_ =	shalt  }
0x50: {  	_ =	shalt  }
0x51: {  	_ =	shalt  }
0x52: {  	_ =	shalt  }
0x53: {  	_ =	shalt  }
0x54: {  	_ =	shalt  }
0x55: {  	_ =	shalt  }
0x56: {  	_ =	shalt  }
0x57: {  	_ =	shalt  }
0x58: {  	_ =	shalt  }
0x59: {  	_ =	shalt  }
0x5a: {  	_ =	shalt  }
0x5b: {  	_ =	shalt  }
0x5c: {  	_ =	shalt  }
0x5d: {  	_ =	shalt  }
0x5e: {  	_ =	shalt  }
0x5f: {  	_ =	shalt  }
0x60: {  	_ =	shalt  }
0x61: {  	_ =	shalt  }
0x62: {  	_ =	shalt  }
0x63: {  	_ =	shalt  }
0x64: {  	_ =	shalt  }
0x65: {  	_ =	shalt  }
0x66: {  	_ =	shalt  }
0x67: {  	_ =	shalt  }
0x68: {  	_ =	shalt  }
0x69: {  	_ =	shalt  }
0x6a: {  	_ =	shalt  }
0x6b: {  	_ =	shalt  }
0x6c: {  	_ =	shalt  }
0x6d: {  	_ =	shalt  }
0x6e: {  	_ =	shalt  }
0x6f: {  	_ =	shalt  }
0x70: {  	_ =	shalt  }
0x71: {  	_ =	shalt  }
0x72: {  	_ =	shalt  }
0x73: {  	_ =	shalt  }
0x74: {  	_ =	shalt  }
0x75: {  	_ =	shalt  }
0x76: {  	_ =	shalt  }
0x77: {  	_ =	shalt  }
0x78: {  	_ =	shalt  }
0x79: {  	_ =	shalt  }
0x7a: {  	_ =	shalt  }
0x7b: {  	_ =	shalt  }
0x7c: {  	_ =	shalt  }
0x7d: {  	_ =	shalt  }
0x7e: {  	_ =	shalt  }
0x7f: {  	_ =	shalt  }
0x80: {  	_ =	shalt  }
0x81: {  	_ =	shalt  }
0x82: {  	_ =	shalt  }
0x83: {  	_ =	shalt  }
0x84: {  	_ =	shalt  }
0x85: {  	_ =	shalt  }
0x86: {  	_ =	shalt  }
0x87: {  	_ =	shalt  }
.Lfunc_end0:
.L_simem_size_0:
called_computation_lowered:
.L_overlay_start_0:
0x88: {  	s2 =	sld [smem:$0x3FD9]  }
0x89: {  	s3 =	sld [smem:$0x3FFE];
	_ =	sdelay $0x1  }
0x8a: {  	s1 =	srdreg.scid  }
0x8b: {  	s0 =	sand.u32 $0x1, s1  }
0x8c: {  	s18 =	sshll.u32 s0, $0xA;
	s2 =	sadd.s32 s3, s2  }
0x8d: {  	s2 =	sadd.s32 s2, s18  }
0x8e: {  	[smem:$0x3FC3] =	sst s2  }
0x8f: {  	_ = 	snop  }
0x90: {  	s2 =	sld [smem:$0x3FC9]  }
0x91: {  	s19 =	sld [smem:$0x3FC8]  }
0x92: {  	s4 =	sld [smem:$0x3FC7]  }
0x93: {  	s5 =	sld [smem:$0x3FC6]  }
0x94: {  	s6 =	sld [smem:$0x3FC5]  }
0x95: {  	s7 =	sld [smem:$0x3FD0];
	(tm) =	ssettm $0x1  }
0x96: {  	s8 =	sld [smem:$0x3FFB];
	_ =	sdelay $0x3  }
0x97: {  	_ =	strace s8  }
0x98: {  	s8 =	sld [smem:$0x3FFC];
	_ =	sdelay $0x3  }
0x99: {  	_ =	strace s8  }
0x9a: {  	s8 =	sld [smem:$0x3FFD];
	_ =	sdelay $0x3  }
0x9b: {  	_ =	strace s8  }
0x9c: {  	_ =	strace $0x8FFFFFFF  }
0x9d: {  	s20 =	sld [smem:$0x3FDB];
	_ =	sdelay $0x1  }
0x9e: {  	s9 =	simm.s32 $_scs_section_size  }
0x9f: {  	s10 =	simm.s32 $_size__tile_overlayer_lowered;
	s11 =	simm.s32 $_tile_overlayer_lowered  }
0xa0: {  	s23 =	simm.s32 $0x1BFF;
	s22 =	sshll.u32 s11, $0x1;
	s8 =	sadd.s32 s9, s20  }
0xa1: {  	s12 =	simm.s32 $0x0;
	s21 =	sshll.u32 s10, $0x1;
	s10 =	sadd.s32 s22, s8  }
0xa2: {  	[timem:s12], [sflag:s23] =	dma.local [hbm:s10], s21  }
0xa3: {  	_ =	swait.ge [sflag:s23], s21  }
0xa4: {  	s9 =	ssub.s32 $0x0, s21;
	[sflag:s23] =	ssyncset.done $0x0  }
0xa5: {  	[sflag:s23] =	ssyncadd.s32 s9;
	_ =	sdelay $0x1  }
0xa6: {  	s24 =	simm.s32 $0x1B8B  }
0xa7: {  	_ =	swait.ge [sflag:s24], $0x1  }
0xa8: {  	[sflag:s24] =	ssyncset.done $0x0  }
0xa9: {  	s25 =	simm.s32 $0x1B8E;
	[sflag:s24] =	ssyncadd.s32 $0xFFFFFFFF  }
0xaa: {  	s26 =	simm.s32 $execute0_lowered;
	[smem:$0x3FD2] =	sst s25  }
0xab: {  	s9 =	sshll.u32 s26, $0x1;
	_ =	strace $0x80000046;
	[dreg:$0x1] =	wrdreg $0xFFFFFFFF  }
0xac: {  	s28 =	simm.s32 $_size_execute0_lowered;
	s8 =	sadd.s32 s8, s9;
	[dreg:$0x0] =	wrdreg $0x0  }
0xad: {  	s9 =	sshll.u32 s28, $0x1;
	[dreg:$0x2] =	wrdreg s8  }
0xae: {  	[dreg:$0x3] =	wrdreg s9  }
0xaf: {  	[dreg:$0x4] =	wrdreg $0xC0  }
0xb0: {  	_ =	task [dreg:s12], $0x5FFFF  }
0xb1: {  	[dreg:$0x1] =	wrdreg $0xFFFFFFFF  }
0xb2: {  	[dreg:$0x0] =	wrdreg $0x60  }
0xb3: {  	[dreg:$0x2] =	wrdreg s2  }
0xb4: {  	[dreg:$0x3] =	wrdreg s19  }
0xb5: {  	[dreg:$0x4] =	wrdreg s4  }
0xb6: {  	[dreg:$0x5] =	wrdreg s5  }
0xb7: {  	[dreg:$0x6] =	wrdreg s6  }
0xb8: {  	[dreg:$0x7] =	wrdreg s7  }
0xb9: {  	[dreg:$0x8] =	wrdreg $0x9  }
0xba: {  	_ =	task.clear_ibuf [dreg:s12], $0x9FFFF;
	_ =	strace $0x90000046  }
0xbb: {  	s29 =	simm.s32 $0x9;
	_ =	strace $0x80000048  }
0xbc: {  	_ =	swait.ge [sflag:s29], $0x1  }
0xbd: {  	[sflag:s29] =	ssyncadd.s32 $0xFFFFFFFF  }
0xbe: {  	_ =	strace $0x90000048  }
0xbf: {  	_ =	sfence  }
0xc0: {  	s30 =	sld [smem:$0x0];
	_ =	sdelay $0x2  }
0xc1: {  	s31 =	sshll.u32 s1, $0xD;
	s1 =	sshrl.u32 s1, $0x2  }
0xc2: {  	s3 =	sand.u32 $0x4000, s31;
	s1 =	sadd.s32 s1, s30  }
0xc3: {  	s0 =	sor.u32 s3, s0;
	s1 =	sshll.u32 s1, $0x11  }
0xc4: {  	s0 =	sor.u32 s1, s0  }
0xc5: {  	s0 =	sadd.s32 $0x8F2B, s0  }
0xc6: {  	[sflag:s0] =	ssyncadd.remote.s32 $0x1  }
0xc7: {  	_ =	sfence.sel $0xFFFF  }
0xc8: {  	[dreg:$0x0] =	wrdreg $0xFFFFFFFF;
	(pc) =	sbr.abs _section_cstart, $3  }
0xc9: {  	[dreg:$0x1] =	wrdreg $0xFFFFFFFF  }
0xca: {  	_ =	task.clear_ibuf [dreg:s12], $0x2FFFF;
	_ =	strace $0x9FFFFFFF  }
0xcb: {  	(tm) =	ssettm $0x7FFFFFFF  }
tec
execute0_lowered:
.L_overlay_start_1:
0x0: {  	(tag) =	ssettag $0x1  }
0x1: {  	s0 =	rddreg [dreg:$0x0]  }
0x2: {  	s1 =	rddreg [dreg:$0x1];
	v14 =	vlaneseq.u32  }
0x3: {  	s7 =	rddreg [dreg:$0x2];
	v0 =	vmul.u32 $0x80, v14  }
0x4: {  	s8 =	rddreg [dreg:$0x3];
	v12 =	vand.u32 $0x7, v14  }
0x5: {  	s2 =	rddreg [dreg:$0x5];
	v14 =	vmul.u32 $0x10, v14;
	v17 =	vmul.u32 $0x10, v12;
	v1 =	vor.u32 $0x800, v0  }
0x6: {  	s3 =	srdreg.scid;
	s9 =	simm.s32 $0x0;
	s14 =	simm.s32 $0x7A1400;
	v2 =	vor.u32 $0x1000, v0;
	v3 =	vor.u32 $0x1800, v0;
	v4 =	vor.u32 $0x2000, v0  }
0x7: {  	s6 =	stileid.u32;
	s15 =	simm.s32 $0x400;
	s16 =	simm.s32 $0x8400;
	v5 =	vor.u32 $0x2800, v0;
	v6 =	vor.u32 $0x3000, v0;
	v7 =	vor.u32 $0x3800, v0  }
0x8: {  	s21 =	simm.s32 $0x4400;
	s31 =	simm.s32 $0xC400;
	s3 =	sand.u32 $0x1, s3;
	v8 =	vor.u32 $0x4000, v0;
	v9 =	vor.u32 $0x4800, v0;
	v10 =	vor.u32 $0x5000, v0  }
0x9: {  	s6 =	sshll.u32 s6, $0x7;
	s4 =	ssub.s32 $0x2, s3;
	s3 =	sshll.u32 s3, $0x6;
	v11 =	vor.u32 $0x5800, v0;
	v12 =	vor.u32 $0x6000, v0;
	v13 =	vor.u32 $0x6800, v0  }
0xa: {  	[smem:$0x7FF] =	sst s9;
	s5 =	sshrl.u32 s4, $0x1;
	s3 =	sor.u32 s3, s6;
	v15 =	vor.u32 $0x7000, v0;
	v16 =	vor.u32 $0x7800, v0;
	v18 =	vor.u32 $0x1, v14  }
0xb: {  	_ =	strace $0x80000047;
	v19 =	vor.u32 $0x2, v14;
	v20 =	vor.u32 $0x3, v14;
	v21 =	vor.u32 $0x4, v14;
	s4 =	ssub.s32 s4, s5;
	s0 =	sadd.s32 s0, s3  }
0xc: {  	v22 =	vor.u32 $0x5, v14;
	v23 =	vor.u32 $0x6, v14;
	v24 =	vor.u32 $0x7, v14;
	s28 =	sadd.s32 s1, s3;
	s29 =	sadd.s32 s2, s3;
	[dreg:$0x7] =	wrdreg s0  }
0xd: {  	v25 =	vor.u32 $0x8, v14;
	v26 =	vor.u32 $0x9, v14;
	v27 =	vor.u32 $0xA, v14;
	s2 =	simm.s32 $0x4;
	s3 =	simm.s32 $0x10400;
	[dreg:$0x8] =	wrdreg s28  }
0xe: {  	v28 =	vor.u32 $0xB, v14;
	v29 =	vor.u32 $0xC, v14;
	v30 =	vor.u32 $0xD, v14;
	s5 =	simm.s32 $0x0;
	[dreg:$0x9] =	wrdreg s29;
	s30 =	smax.u32 s4, $0x1  }
0xf: {  	v31 =	vor.u32 $0xE, v14;
	v32 =	vor.u32 $0xF, v14;
	v17 =	vor.u32 $0xFFFFFF80, v17;
	s0 =	simm.s32 $0x2;
	s4 =	simm.s32 $0x3;
	[dreg:$0xa] =	wrdreg s30  }
.LBB2_1:
0x10: {  	[dreg:$0xb] =	wrdreg s5  }
0x11: {  	s1 =	rddreg [dreg:$0x7]  }
0x12: {  	[tilespmem:s9], [sflag:$0x4] =	stream.linear.gather [hbm4b:s1+s9], $0x200, $0x38;
	[tilespmem:$0x12680] =	vst v63  }
0x13: {  	_ =	swait.ge [sflag:s2], $0x200  }
0x14: {  	[sflag:s2] =	ssyncset.done $0x0  }
0x15: {  	s25 =	simm.s32 $0x200;
	s24 =	rddreg [dreg:$0x8];
	[sflag:s2] =	ssyncadd.s32 $0xFFFFFE00  }
0x16: {  	[tilespmem:s25], [sflag:$0x4] =	stream.linear.gather [hbm4b:s24+s9], $0x200, $0x38;
	[tilespmem:$0x12680] =	vst v63  }
0x17: {  	_ =	swait.ge [sflag:s2], $0x200  }
0x18: {  	[sflag:s2] =	ssyncset.done $0x0  }
0x19: {  	[sflag:s2] =	ssyncadd.s32 $0xFFFFFE00  }
0x1a: {  	s29 =	simm.s32 $0x12600;
	s30 =	simm.s32 $0x1;
	s26 =	rddreg [dreg:$0x4]  }
0x1b: {  	[tilespmem:s29], [sflag:$0x1] =	stream.linear.gather [hbm4b:s26+s9], $0x80, $0x38;
	[tilespmem:$0x12680] =	vst v63  }
0x1c: {  	_ =	swait.ge [sflag:s30], $0x80  }
0x1d: {  	[sflag:s30] =	ssyncset.done $0x0  }
0x1e: {  	[sflag:s30] =	ssyncadd.s32 $0xFFFFFF80  }
0x1f: {  	v33 =	vld [tilespmem:$0x12600]  }
0x20: {  	v34 =	vld [tilespmem:$0x12610]  }
0x21: {  	s11 =	simm.s32 $0x10480;
	s28 =	simm.s32 $0x0;
	v35 =	vld [tilespmem:$0x12620]  }
.LBB2_2:
0x22: {  	s1 =	sshra.s32 s28, $0x2  }
0x23: {  	v36 =	vld [tilespmem:s1+$0x0];
	_ =	sdelay $0x4  }
0x24: {  	(v2sf) =	vpush v36, $0x0  }
0x25: {  	(v2sf) =	vpush v36, $0x1  }
0x26: {  	(v2sf) =	vpush v36, $0x2  }
0x27: {  	(v2sf) =	vpush v36, $0x3;
	_ =	sdelay $0x1  }
0x28: {  	(v2sf) =	vpush v36, $0x4  }
0x29: {  	(v2sf) =	vpush v36, $0x5  }
0x2a: {  	(v2sf) =	vpush v36, $0x6  }
0x2b: {  	(v2sf) =	vpush v36, $0x7  }
0x2c: {  	(v2sf) =	vpush v36, $0x8  }
0x2d: {  	(v2sf) =	vpush v36, $0x9  }
0x2e: {  	(v2sf) =	vpush v36, $0xA  }
0x2f: {  	v37 =	vld [tilespmem:s1+$0x200];
	(v2sf) =	vpush v36, $0xB  }
0x30: {  	(v2sf) =	vpush v36, $0xC  }
0x31: {  	(v2sf) =	vpush v36, $0xD  }
0x32: {  	(v2sf) =	vpush v36, $0xE;
	s18 =	spop (v2sf)  }
0x33: {  	(v2sf) =	vpush v36, $0xF;
	s10 =	spop (v2sf)  }
0x34: {  	(v2sf) =	vpush v37, $0x0;
	s17 =	sand.u32 $0xFFFFF80, s18;
	s13 =	spop (v2sf)  }
0x35: {  	s1 =	sadd.s32 s7, s17;
	s9 =	spop (v2sf)  }
0x36: {  	(v2sf) =	vpush v37, $0x1;
	[tilespmem:s15], [sflag:$0x2] =	stream.strided.gather [hbm4b:s1+s15], $0x1000, s14, s15, $0x38;
	[tilespmem:$0x12680] =	vst v63  }
0x37: {  	s30 =	spop (v2sf)  }
0x38: {  	s29 =	spop (v2sf)  }
0x39: {  	s24 =	spop (v2sf)  }
0x3a: {  	(v2sf) =	vpush v37, $0x2;
	s6 =	spop (v2sf)  }
0x3b: {  	s22 =	spop (v2sf)  }
0x3c: {  	s23 =	spop (v2sf)  }
0x3d: {  	s20 =	spop (v2sf)  }
0x3e: {  	(v2sf) =	vpush v37, $0x3;
	s25 =	spop (v2sf)  }
0x3f: {  	s26 =	spop (v2sf)  }
0x40: {  	[dreg:$0x17] =	wrdreg s20;
	s2 =	spop (v2sf)  }
0x41: {  	[dreg:$0x15] =	wrdreg s25;
	s5 =	spop (v2sf)  }
0x42: {  	s20 =	sand.u32 $0xFFFFF80, s10;
	[dreg:$0xf] =	wrdreg s26;
	s12 =	spop (v2sf)  }
0x43: {  	s26 =	simm.s32 $0x9400;
	[dreg:$0xe] =	wrdreg s2;
	s2 =	spop (v2sf)  }
0x44: {  	(v2sf) =	vpush v37, $0x4;
	[dreg:$0xd] =	wrdreg s5;
	s5 =	simm.s32 $0x1400;
	s19 =	sand.u32 $0xFFFFF80, s2  }
0x45: {  	[dreg:$0xc] =	wrdreg s12;
	s1 =	sadd.s32 s8, s19;
	s19 =	spop (v2sf)  }
0x46: {  	[tilespmem:s16], [sflag:$0x2] =	stream.strided.gather [hbm4b:s1+s15], $0x1000, s14, s15, $0x38;
	[tilespmem:$0x12680] =	vst v63  }
0x47: {  	(v2sf) =	vpush v37, $0x5;
	s12 =	sand.u32 $0xFFFFF80, s13;
	s1 =	sadd.s32 s7, s20;
	s25 =	sand.u32 $0xFFFFF80, s19  }
0x48: {  	[tilespmem:s5], [sflag:$0x2] =	stream.strided.gather [hbm4b:s1+s15], $0x1000, s14, s15, $0x38;
	[tilespmem:$0x12680] =	vst v63  }
0x49: {  	s17 =	spop (v2sf);
	s20 =	simm.s32 $0x2400;
	s1 =	sadd.s32 s8, s25  }
0x4a: {  	[tilespmem:s26], [sflag:$0x2] =	stream.strided.gather [hbm4b:s1+s15], $0x1000, s14, s15, $0x38;
	[tilespmem:$0x12680] =	vst v63  }
0x4b: {  	s25 =	sand.u32 $0xFFFFF80, s17;
	s5 =	sand.u32 $0xFFFFF80, s9;
	s1 =	sadd.s32 s7, s12  }
0x4c: {  	(v2sf) =	vpush v37, $0x6;
	[tilespmem:s20], [sflag:$0x2] =	stream.strided.gather [hbm4b:s1+s15], $0x1000, s14, s15, $0x38;
	[tilespmem:$0x12680] =	vst v63  }
0x4d: {  	s26 =	simm.s32 $0xA400;
	s12 =	spop (v2sf);
	s1 =	sadd.s32 s8, s25  }
0x4e: {  	(v2sf) =	vpush v37, $0x7;
	[tilespmem:s26], [sflag:$0x2] =	stream.strided.gather [hbm4b:s1+s15], $0x1000, s14, s15, $0x38;
	[tilespmem:$0x12680] =	vst v63  }
0x4f: {  	s20 =	simm.s32 $0x3400;
	s25 =	sand.u32 $0xFFFFF80, s12;
	s1 =	sadd.s32 s7, s5  }
0x50: {  	[tilespmem:s20], [sflag:$0x2] =	stream.strided.gather [hbm4b:s1+s15], $0x1000, s14, s15, $0x38;
	[tilespmem:$0x12680] =	vst v63  }
0x51: {  	s26 =	simm.s32 $0xB400;
	s5 =	sand.u32 $0xFFFFF80, s30;
	s1 =	sadd.s32 s8, s25  }
0x52: {  	[tilespmem:s26], [sflag:$0x2] =	stream.strided.gather [hbm4b:s1+s15], $0x1000, s14, s15, $0x38;
	[tilespmem:$0x12680] =	vst v63  }
0x53: {  	s20 =	spop (v2sf);
	s1 =	sadd.s32 s7, s5  }
0x54: {  	(v2sf) =	vpush v37, $0x8;
	[tilespmem:s21], [sflag:$0x3] =	stream.strided.gather [hbm4b:s1+s15], $0x1000, s14, s15, $0x38;
	[tilespmem:$0x12680] =	vst v63  }
0x55: {  	[dreg:$0x16] =	wrdreg s24;
	s21 =	sand.u32 $0xFFFFF80, s20  }
0x56: {  	(v2sf) =	vpush v37, $0x9;
	s25 =	sand.u32 $0xFFFFF80, s29;
	s1 =	sadd.s32 s8, s21;
	s21 =	spop (v2sf)  }
0x57: {  	(v2sf) =	vpush v37, $0xA;
	[tilespmem:s31], [sflag:$0x3] =	stream.strided.gather [hbm4b:s1+s15], $0x1000, s14, s15, $0x38;
	[tilespmem:$0x12680] =	vst v63  }
0x58: {  	(v2sf) =	vpush v37, $0xB;
	s26 =	simm.s32 $0x5400;
	s1 =	sadd.s32 s7, s25;
	s25 =	sand.u32 $0xFFFFF80, s21  }
0x59: {  	(v2sf) =	vpush v37, $0xC;
	[tilespmem:s26], [sflag:$0x3] =	stream.strided.gather [hbm4b:s1+s15], $0x1000, s14, s15, $0x38;
	[tilespmem:$0x12680] =	vst v63  }
0x5a: {  	[dreg:$0x14] =	wrdreg s6;
	(v2sf) =	vpush v37, $0xD;
	s1 =	sadd.s32 s8, s25;
	s25 =	sand.u32 $0xFFFFF80, s24  }
0x5b: {  	(v2sf) =	vpush v37, $0xE;
	s26 =	simm.s32 $0xD400;
	s24 =	spop (v2sf);
	s5 =	sadd.s32 s7, s25  }
0x5c: {  	(v2sf) =	vpush v37, $0xF;
	[tilespmem:s26], [sflag:$0x3] =	stream.strided.gather [hbm4b:s1+s15], $0x1000, s14, s15, $0x38;
	[tilespmem:$0x12680] =	vst v63  }
0x5d: {  	s25 =	sand.u32 $0xFFFFF80, s24;
	s31 =	spop (v2sf);
	s26 =	simm.s32 $0x6400  }
0x5e: {  	[tilespmem:s26], [sflag:$0x3] =	stream.strided.gather [hbm4b:s5+s15], $0x1000, s14, s15, $0x38;
	[tilespmem:$0x12680] =	vst v63  }
0x5f: {  	s5 =	sadd.s32 s8, s25;
	s26 =	simm.s32 $0xE400;
	s25 =	sand.u32 $0xFFFFF80, s6  }
0x60: {  	[tilespmem:s26], [sflag:$0x3] =	stream.strided.gather [hbm4b:s5+s15], $0x1000, s14, s15, $0x38;
	[tilespmem:$0x12680] =	vst v63  }
0x61: {  	s1 =	sand.u32 $0xFFFFF80, s31;
	s5 =	sadd.s32 s7, s25;
	s26 =	simm.s32 $0x7400  }
0x62: {  	[tilespmem:s26], [sflag:$0x3] =	stream.strided.gather [hbm4b:s5+s15], $0x1000, s14, s15, $0x38;
	[tilespmem:$0x12680] =	vst v63  }
0x63: {  	s6 =	simm.s32 $0xF400;
	s26 =	spop (v2sf);
	s5 =	sadd.s32 s8, s1  }
0x64: {  	[tilespmem:s6], [sflag:$0x3] =	stream.strided.gather [hbm4b:s5+s15], $0x1000, s14, s15, $0x38;
	[tilespmem:$0x12680] =	vst v63  }
0x65: {  	s5 =	spop (v2sf)  }
0x66: {  	s6 =	spop (v2sf)  }
0x67: {  	[dreg:$0x19] =	wrdreg s26;
	s1 =	spop (v2sf)  }
0x68: {  	[dreg:$0x18] =	wrdreg s6;
	s25 =	spop (v2sf)  }
0x69: {  	[dreg:$0x13] =	wrdreg s25;
	s25 =	spop (v2sf)  }
0x6a: {  	[dreg:$0x12] =	wrdreg s25;
	s25 =	spop (v2sf)  }
0x6b: {  	[dreg:$0x11] =	wrdreg s25;
	s25 =	spop (v2sf)  }
0x6c: {  	[dreg:$0x10] =	wrdreg s25  }
0x6d: {  	_ =	swait.ge [sflag:s0], $0x1000  }
0x6e: {  	[sflag:s0] =	ssyncset.done $0x0  }
0x6f: {  	[sflag:s0] =	ssyncadd.s32 $0xFFFFF000  }
0x70: {  	_ =	swait.ge [sflag:s0], $0x1000  }
0x71: {  	[sflag:s0] =	ssyncset.done $0x0  }
0x72: {  	[sflag:s0] =	ssyncadd.s32 $0xFFFFF000  }
0x73: {  	_ =	swait.ge [sflag:s0], $0x1000  }
0x74: {  	[sflag:s0] =	ssyncset.done $0x0  }
0x75: {  	[sflag:s0] =	ssyncadd.s32 $0xFFFFF000  }
0x76: {  	_ =	swait.ge [sflag:s0], $0x1000  }
0x77: {  	[sflag:s0] =	ssyncset.done $0x0  }
0x78: {  	[sflag:s0] =	ssyncadd.s32 $0xFFFFF000  }
0x79: {  	_ =	swait.ge [sflag:s0], $0x1000  }
0x7a: {  	[sflag:s0] =	ssyncset.done $0x0  }
0x7b: {  	[sflag:s0] =	ssyncadd.s32 $0xFFFFF000  }
0x7c: {  	_ =	swait.ge [sflag:s0], $0x1000  }
0x7d: {  	[sflag:s0] =	ssyncset.done $0x0  }
0x7e: {  	[sflag:s0] =	ssyncadd.s32 $0xFFFFF000  }
0x7f: {  	s18 =	sand.u32 $0x7F, s18;
	_ =	swait.ge [sflag:s0], $0x1000  }
0x80: {  	v51 =	vor.u32 s18, v0;
	[sflag:s0] =	ssyncset.done $0x0  }
0x81: {  	v52 =	vor.u32 s18, v1;
	s2 =	sand.u32 $0x7F, s2;
	[sflag:s0] =	ssyncadd.s32 $0xFFFFF000  }
0x82: {  	v38 =	vor.u32 s2, v0;
	_ =	swait.ge [sflag:s0], $0x1000  }
0x83: {  	v39 =	vor.u32 s2, v1;
	[sflag:s0] =	ssyncset.done $0x0  }
0x84: {  	[sflag:s0] =	ssyncadd.s32 $0xFFFFF000  }
0x85: {  	v36 =	vld.idx.msk [tilespmem:v51+s15+$0x0], $0xffff  }
0x86: {  	v37 =	vld.idx.msk [tilespmem:v52+s15+$0x0], $0xffff  }
0x87: {  	v38 =	vld.idx.msk [tilespmem:v38+s16+$0x0], $0xffff  }
0x88: {  	v39 =	vld.idx.msk [tilespmem:v39+s16+$0x0], $0xffff;
	_ =	sdelay $0x4  }
0x89: {  	v36 =	vmul.f32 v38, v36;
	v37 =	vmul.f32 v39, v37  }
0x8a: {  	s10 =	sand.u32 $0x7F, s10  }
0x8b: {  	v53 =	vor.u32 s10, v2;
	v36 =	vmul.f32 v36, v33;
	v37 =	vmul.f32 v37, v34  }
0x8c: {  	v54 =	vor.u32 s10, v3;
	s18 =	sand.u32 $0x7F, s19  }
0x8d: {  	v55 =	vor.u32 s18, v2;
	v36 =	vadd.f32 v37, v36  }
0x8e: {  	v40 =	vor.u32 s18, v3  }
0x8f: {  	[tilespmem:s11+$0xFFFFFF80] =	vst v36  }
0x90: {  	v36 =	vld.idx.msk [tilespmem:v53+s15+$0x0], $0xffff  }
0x91: {  	v56 =	vld.idx.msk [tilespmem:v54+s15+$0x0], $0xffff  }
0x92: {  	v37 =	vld.idx.msk [tilespmem:v55+s16+$0x0], $0xffff  }
0x93: {  	v57 =	vld.idx.msk [tilespmem:v40+s16+$0x0], $0xffff;
	_ =	sdelay $0x4  }
0x94: {  	v36 =	vmul.f32 v37, v36;
	v58 =	vmul.f32 v57, v56  }
0x95: {  	s19 =	sand.u32 $0x7F, s13  }
0x96: {  	v59 =	vor.u32 s19, v4;
	v36 =	vmul.f32 v36, v33;
	v37 =	vmul.f32 v58, v34  }
0x97: {  	v60 =	vor.u32 s19, v5;
	s25 =	sand.u32 $0x7F, s17  }
0x98: {  	v61 =	vor.u32 s25, v4;
	v36 =	vadd.f32 v37, v36  }
0x99: {  	v62 =	vor.u32 s25, v5  }
0x9a: {  	[tilespmem:s11+$0xFFFFFF90] =	vst v36  }
0x9b: {  	v36 =	vld.idx.msk [tilespmem:v59+s15+$0x0], $0xffff  }
0x9c: {  	v63 =	vld.idx.msk [tilespmem:v60+s15+$0x0], $0xffff  }
0x9d: {  	v37 =	vld.idx.msk [tilespmem:v61+s16+$0x0], $0xffff  }
0x9e: {  	v42 =	vld.idx.msk [tilespmem:v62+s16+$0x0], $0xffff;
	_ =	sdelay $0x4  }
0x9f: {  	v36 =	vmul.f32 v37, v36;
	v43 =	vmul.f32 v42, v63  }
0xa0: {  	s13 =	sand.u32 $0x7F, s9  }
0xa1: {  	v44 =	vor.u32 s13, v6;
	v36 =	vmul.f32 v36, v33;
	v37 =	vmul.f32 v43, v34  }
0xa2: {  	v45 =	vor.u32 s13, v7;
	s17 =	sand.u32 $0x7F, s12  }
0xa3: {  	v46 =	vor.u32 s17, v6;
	v36 =	vadd.f32 v37, v36  }
0xa4: {  	v47 =	vor.u32 s17, v7  }
0xa5: {  	[tilespmem:s11+$0xFFFFFFA0] =	vst v36  }
0xa6: {  	v36 =	vld.idx.msk [tilespmem:v44+s15+$0x0], $0xffff  }
0xa7: {  	v48 =	vld.idx.msk [tilespmem:v45+s15+$0x0], $0xffff  }
0xa8: {  	v37 =	vld.idx.msk [tilespmem:v46+s16+$0x0], $0xffff  }
0xa9: {  	v49 =	vld.idx.msk [tilespmem:v47+s16+$0x0], $0xffff;
	_ =	sdelay $0x4  }
0xaa: {  	v36 =	vmul.f32 v37, v36;
	v50 =	vmul.f32 v49, v48;
	_ =	sdelay $0x1  }
0xab: {  	v36 =	vmul.f32 v36, v33;
	v37 =	vmul.f32 v50, v34;
	_ =	sdelay $0x1  }
0xac: {  	v36 =	vadd.f32 v37, v36  }
0xad: {  	s19 =	sand.u32 $0xFFFFF80, s22  }
0xae: {  	s18 =	simm.s32 $0x1400;
	s2 =	sadd.s32 s7, s19;
	s25 =	sand.u32 $0xFFFFF80, s26;
	[tilespmem:s11+$0xFFFFFFB0] =	vst v36  }
0xaf: {  	[tilespmem:s15], [sflag:$0x2] =	stream.strided.gather [hbm4b:s2+s15], $0x1000, s14, s15, $0x38;
	[tilespmem:$0x12680] =	vst v63  }
0xb0: {  	s26 =	sand.u32 $0xFFFFF80, s23;
	s12 =	rddreg [dreg:$0x17];
	s2 =	sadd.s32 s8, s25  }
0xb1: {  	[tilespmem:s16], [sflag:$0x2] =	stream.strided.gather [hbm4b:s2+s15], $0x1000, s14, s15, $0x38;
	[tilespmem:$0x12680] =	vst v63  }
0xb2: {  	s2 =	sadd.s32 s7, s26;
	s26 =	smov.u32 s5;
	s5 =	sand.u32 $0xFFFFF80, s5  }
0xb3: {  	[tilespmem:s18], [sflag:$0x2] =	stream.strided.gather [hbm4b:s2+s15], $0x1000, s14, s15, $0x38;
	[tilespmem:$0x12680] =	vst v63  }
0xb4: {  	s10 =	simm.s32 $0x9400;
	s9 =	sand.u32 $0xFFFFF80, s12;
	s2 =	sadd.s32 s8, s5  }
0xb5: {  	[tilespmem:s10], [sflag:$0x2] =	stream.strided.gather [hbm4b:s2+s15], $0x1000, s14, s15, $0x38;
	[tilespmem:$0x12680] =	vst v63  }
0xb6: {  	s13 =	sand.u32 $0xFFFFF80, s6;
	s2 =	sadd.s32 s7, s9;
	s10 =	simm.s32 $0x2400  }
0xb7: {  	[tilespmem:s10], [sflag:$0x2] =	stream.strided.gather [hbm4b:s2+s15], $0x1000, s14, s15, $0x38;
	[tilespmem:$0x12680] =	vst v63  }
0xb8: {  	s17 =	simm.s32 $0xA400;
	s2 =	sadd.s32 s8, s13  }
0xb9: {  	[tilespmem:s17], [sflag:$0x2] =	stream.strided.gather [hbm4b:s2+s15], $0x1000, s14, s15, $0x38;
	[tilespmem:$0x12680] =	vst v63  }
0xba: {  	s17 =	rddreg [dreg:$0x15]  }
0xbb: {  	s18 =	sand.u32 $0xFFFFF80, s17  }
0xbc: {  	s19 =	simm.s32 $0x3400;
	s25 =	sand.u32 $0xFFFFF80, s1;
	s2 =	sadd.s32 s7, s18  }
0xbd: {  	[tilespmem:s19], [sflag:$0x2] =	stream.strided.gather [hbm4b:s2+s15], $0x1000, s14, s15, $0x38;
	[tilespmem:$0x12680] =	vst v63  }
0xbe: {  	s5 =	simm.s32 $0xB400;
	s2 =	sadd.s32 s8, s25  }
0xbf: {  	[tilespmem:s5], [sflag:$0x2] =	stream.strided.gather [hbm4b:s2+s15], $0x1000, s14, s15, $0x38;
	[tilespmem:$0x12680] =	vst v63  }
0xc0: {  	_ =	swait.ge [sflag:s4], $0x1000  }
0xc1: {  	[sflag:s4] =	ssyncset.done $0x0  }
0xc2: {  	[sflag:s4] =	ssyncadd.s32 $0xFFFFF000  }
0xc3: {  	_ =	swait.ge [sflag:s4], $0x1000  }
0xc4: {  	[sflag:s4] =	ssyncset.done $0x0  }
0xc5: {  	[sflag:s4] =	ssyncadd.s32 $0xFFFFF000  }
0xc6: {  	_ =	swait.ge [sflag:s4], $0x1000  }
0xc7: {  	[sflag:s4] =	ssyncset.done $0x0  }
0xc8: {  	[sflag:s4] =	ssyncadd.s32 $0xFFFFF000  }
0xc9: {  	_ =	swait.ge [sflag:s4], $0x1000  }
0xca: {  	[sflag:s4] =	ssyncset.done $0x0  }
0xcb: {  	[sflag:s4] =	ssyncadd.s32 $0xFFFFF000  }
0xcc: {  	_ =	swait.ge [sflag:s4], $0x1000  }
0xcd: {  	[sflag:s4] =	ssyncset.done $0x0  }
0xce: {  	[sflag:s4] =	ssyncadd.s32 $0xFFFFF000  }
0xcf: {  	_ =	swait.ge [sflag:s4], $0x1000  }
0xd0: {  	[sflag:s4] =	ssyncset.done $0x0  }
0xd1: {  	[sflag:s4] =	ssyncadd.s32 $0xFFFFF000  }
0xd2: {  	s9 =	sand.u32 $0x7F, s30;
	_ =	swait.ge [sflag:s4], $0x1000  }
0xd3: {  	v51 =	vor.u32 s9, v8;
	[sflag:s4] =	ssyncset.done $0x0  }
0xd4: {  	v52 =	vor.u32 s9, v9;
	s10 =	sand.u32 $0x7F, s20;
	[sflag:s4] =	ssyncadd.s32 $0xFFFFF000  }
0xd5: {  	v53 =	vor.u32 s10, v8;
	_ =	swait.ge [sflag:s4], $0x1000  }
0xd6: {  	v54 =	vor.u32 s10, v9;
	[sflag:s4] =	ssyncset.done $0x0  }
0xd7: {  	[sflag:s4] =	ssyncadd.s32 $0xFFFFF000  }
0xd8: {  	v36 =	vld.idx.msk [tilespmem:v51+s15+$0x0], $0xffff  }
0xd9: {  	v37 =	vld.idx.msk [tilespmem:v52+s15+$0x0], $0xffff  }
0xda: {  	v38 =	vld.idx.msk [tilespmem:v53+s16+$0x0], $0xffff  }
0xdb: {  	v39 =	vld.idx.msk [tilespmem:v54+s16+$0x0], $0xffff;
	_ =	sdelay $0x4  }
0xdc: {  	v36 =	vmul.f32 v38, v36;
	v37 =	vmul.f32 v39, v37  }
0xdd: {  	s13 =	sand.u32 $0x7F, s29  }
0xde: {  	v55 =	vor.u32 s13, v10;
	v36 =	vmul.f32 v36, v33;
	v37 =	vmul.f32 v37, v34  }
0xdf: {  	v56 =	vor.u32 s13, v11;
	s18 =	sand.u32 $0x7F, s21  }
0xe0: {  	v57 =	vor.u32 s18, v10;
	v36 =	vadd.f32 v37, v36  }
0xe1: {  	v58 =	vor.u32 s18, v11  }
0xe2: {  	[tilespmem:s11+$0xFFFFFFC0] =	vst v36  }
0xe3: {  	v36 =	vld.idx.msk [tilespmem:v55+s15+$0x0], $0xffff  }
0xe4: {  	v59 =	vld.idx.msk [tilespmem:v56+s15+$0x0], $0xffff  }
0xe5: {  	v37 =	vld.idx.msk [tilespmem:v57+s16+$0x0], $0xffff  }
0xe6: {  	v60 =	vld.idx.msk [tilespmem:v58+s16+$0x0], $0xffff;
	_ =	sdelay $0x4  }
0xe7: {  	s19 =	rddreg [dreg:$0x16];
	v36 =	vmul.f32 v37, v36;
	v61 =	vmul.f32 v60, v59  }
0xe8: {  	s20 =	sand.u32 $0x7F, s19  }
0xe9: {  	v62 =	vor.u32 s20, v12;
	v36 =	vmul.f32 v36, v33;
	v37 =	vmul.f32 v61, v34  }
0xea: {  	s25 =	sand.u32 $0x7F, s24;
	v63 =	vor.u32 s20, v13  }
0xeb: {  	v44 =	vor.u32 s25, v12;
	v36 =	vadd.f32 v37, v36  }
0xec: {  	v45 =	vor.u32 s25, v13  }
0xed: {  	[tilespmem:s11+$0xFFFFFFD0] =	vst v36  }
0xee: {  	v36 =	vld.idx.msk [tilespmem:v62+s15+$0x0], $0xffff  }
0xef: {  	v46 =	vld.idx.msk [tilespmem:v63+s15+$0x0], $0xffff  }
0xf0: {  	v37 =	vld.idx.msk [tilespmem:v44+s16+$0x0], $0xffff  }
0xf1: {  	v47 =	vld.idx.msk [tilespmem:v45+s16+$0x0], $0xffff;
	_ =	sdelay $0x4  }
0xf2: {  	s29 =	rddreg [dreg:$0x14];
	v36 =	vmul.f32 v37, v36;
	v48 =	vmul.f32 v47, v46  }
0xf3: {  	s6 =	smov.u32 s1;
	s1 =	sand.u32 $0x7F, s29  }
0xf4: {  	v49 =	vor.u32 s1, v15;
	v36 =	vmul.f32 v36, v33;
	v37 =	vmul.f32 v48, v34  }
0xf5: {  	s30 =	sand.u32 $0x7F, s31;
	v50 =	vor.u32 s1, v16  }
0xf6: {  	v51 =	vor.u32 s30, v15;
	v36 =	vadd.f32 v37, v36  }
0xf7: {  	v52 =	vor.u32 s30, v16  }
0xf8: {  	[tilespmem:s11+$0xFFFFFFE0] =	vst v36  }
0xf9: {  	v36 =	vld.idx.msk [tilespmem:v49+s15+$0x0], $0xffff  }
0xfa: {  	v53 =	vld.idx.msk [tilespmem:v50+s15+$0x0], $0xffff  }
0xfb: {  	v37 =	vld.idx.msk [tilespmem:v51+s16+$0x0], $0xffff  }
0xfc: {  	v54 =	vld.idx.msk [tilespmem:v52+s16+$0x0], $0xffff;
	_ =	sdelay $0x4  }
0xfd: {  	v36 =	vmul.f32 v37, v36;
	v55 =	vmul.f32 v54, v53;
	_ =	sdelay $0x1  }
0xfe: {  	v36 =	vmul.f32 v36, v33;
	v37 =	vmul.f32 v55, v34  }
0xff: {  	s31 =	simm.s32 $0xC400  }
0x100: {  	s21 =	simm.s32 $0x4400;
	s18 =	simm.s32 $0x5400;
	s13 =	rddreg [dreg:$0xf];
	v36 =	vadd.f32 v37, v36  }
0x101: {  	s24 =	simm.s32 $0xD400;
	s25 =	rddreg [dreg:$0x13];
	s2 =	sand.u32 $0xFFFFF80, s13  }
0x102: {  	s10 =	rddreg [dreg:$0xe];
	s5 =	sand.u32 $0xFFFFF80, s25;
	s1 =	sadd.s32 s7, s2;
	[tilespmem:s11+$0xFFFFFFF0] =	vst v36  }
0x103: {  	[tilespmem:s21], [sflag:$0x3] =	stream.strided.gather [hbm4b:s1+s15], $0x1000, s14, s15, $0x38;
	[tilespmem:$0x12680] =	vst v63  }
0x104: {  	s9 =	sand.u32 $0xFFFFF80, s10;
	s20 =	rddreg [dreg:$0x12];
	s1 =	sadd.s32 s8, s5  }
0x105: {  	[tilespmem:s31], [sflag:$0x3] =	stream.strided.gather [hbm4b:s1+s15], $0x1000, s14, s15, $0x38;
	[tilespmem:$0x12680] =	vst v63  }
0x106: {  	s19 =	sand.u32 $0xFFFFF80, s20;
	s1 =	sadd.s32 s7, s9;
	s9 =	rddreg [dreg:$0xd]  }
0x107: {  	[tilespmem:s18], [sflag:$0x3] =	stream.strided.gather [hbm4b:s1+s15], $0x1000, s14, s15, $0x38;
	[tilespmem:$0x12680] =	vst v63  }
0x108: {  	s29 =	sand.u32 $0xFFFFF80, s9;
	s1 =	sadd.s32 s8, s19;
	s19 =	rddreg [dreg:$0x11]  }
0x109: {  	[tilespmem:s24], [sflag:$0x3] =	stream.strided.gather [hbm4b:s1+s15], $0x1000, s14, s15, $0x38;
	[tilespmem:$0x12680] =	vst v63  }
0x10a: {  	s30 =	simm.s32 $0x6400;
	s2 =	sand.u32 $0xFFFFF80, s19;
	s1 =	sadd.s32 s7, s29  }
0x10b: {  	[tilespmem:s30], [sflag:$0x3] =	stream.strided.gather [hbm4b:s1+s15], $0x1000, s14, s15, $0x38;
	[tilespmem:$0x12680] =	vst v63  }
0x10c: {  	s1 =	sadd.s32 s8, s2;
	s2 =	rddreg [dreg:$0xc]  }
0x10d: {  	s5 =	simm.s32 $0xE400;
	s18 =	sand.u32 $0xFFFFF80, s2  }
0x10e: {  	[tilespmem:s5], [sflag:$0x3] =	stream.strided.gather [hbm4b:s1+s15], $0x1000, s14, s15, $0x38;
	[tilespmem:$0x12680] =	vst v63  }
0x10f: {  	s1 =	sadd.s32 s7, s18;
	s18 =	rddreg [dreg:$0x10]  }
0x110: {  	s24 =	simm.s32 $0x7400;
	s29 =	sand.u32 $0xFFFFF80, s18  }
0x111: {  	[tilespmem:s24], [sflag:$0x3] =	stream.strided.gather [hbm4b:s1+s15], $0x1000, s14, s15, $0x38;
	[tilespmem:$0x12680] =	vst v63  }
0x112: {  	s30 =	simm.s32 $0xF400;
	s1 =	sadd.s32 s8, s29  }
0x113: {  	[tilespmem:s30], [sflag:$0x3] =	stream.strided.gather [hbm4b:s1+s15], $0x1000, s14, s15, $0x38;
	[tilespmem:$0x12680] =	vst v63  }
0x114: {  	_ =	swait.ge [sflag:s0], $0x1000  }
0x115: {  	[sflag:s0] =	ssyncset.done $0x0  }
0x116: {  	[sflag:s0] =	ssyncadd.s32 $0xFFFFF000  }
0x117: {  	_ =	swait.ge [sflag:s0], $0x1000  }
0x118: {  	[sflag:s0] =	ssyncset.done $0x0  }
0x119: {  	[sflag:s0] =	ssyncadd.s32 $0xFFFFF000  }
0x11a: {  	_ =	swait.ge [sflag:s0], $0x1000  }
0x11b: {  	[sflag:s0] =	ssyncset.done $0x0  }
0x11c: {  	[sflag:s0] =	ssyncadd.s32 $0xFFFFF000  }
0x11d: {  	_ =	swait.ge [sflag:s0], $0x1000  }
0x11e: {  	[sflag:s0] =	ssyncset.done $0x0  }
0x11f: {  	[sflag:s0] =	ssyncadd.s32 $0xFFFFF000  }
0x120: {  	_ =	swait.ge [sflag:s0], $0x1000  }
0x121: {  	[sflag:s0] =	ssyncset.done $0x0  }
0x122: {  	[sflag:s0] =	ssyncadd.s32 $0xFFFFF000  }
0x123: {  	_ =	swait.ge [sflag:s0], $0x1000  }
0x124: {  	[sflag:s0] =	ssyncset.done $0x0  }
0x125: {  	[sflag:s0] =	ssyncadd.s32 $0xFFFFF000  }
0x126: {  	s5 =	sand.u32 $0x7F, s22;
	_ =	swait.ge [sflag:s0], $0x1000  }
0x127: {  	v56 =	vor.u32 s5, v0;
	[sflag:s0] =	ssyncset.done $0x0;
	s22 =	rddreg [dreg:$0x19]  }
0x128: {  	v57 =	vor.u32 s5, v1;
	[sflag:s0] =	ssyncadd.s32 $0xFFFFF000;
	s1 =	sand.u32 $0x7F, s22  }
0x129: {  	_ =	swait.ge [sflag:s0], $0x1000;
	v58 =	vor.u32 s1, v0  }
0x12a: {  	v59 =	vor.u32 s1, v1;
	[sflag:s0] =	ssyncset.done $0x0  }
0x12b: {  	[sflag:s0] =	ssyncadd.s32 $0xFFFFF000  }
0x12c: {  	v36 =	vld.idx.msk [tilespmem:v56+s15+$0x0], $0xffff  }
0x12d: {  	v37 =	vld.idx.msk [tilespmem:v57+s15+$0x0], $0xffff  }
0x12e: {  	v38 =	vld.idx.msk [tilespmem:v58+s16+$0x0], $0xffff  }
0x12f: {  	v39 =	vld.idx.msk [tilespmem:v59+s16+$0x0], $0xffff;
	_ =	sdelay $0x4  }
0x130: {  	v36 =	vmul.f32 v38, v36;
	v37 =	vmul.f32 v39, v37  }
0x131: {  	s24 =	sand.u32 $0x7F, s23  }
0x132: {  	v60 =	vor.u32 s24, v2;
	v36 =	vmul.f32 v36, v33;
	v37 =	vmul.f32 v37, v34  }
0x133: {  	s26 =	sand.u32 $0x7F, s26;
	v61 =	vor.u32 s24, v3  }
0x134: {  	v62 =	vor.u32 s26, v2;
	v36 =	vadd.f32 v37, v36  }
0x135: {  	v63 =	vor.u32 s26, v3  }
0x136: {  	[tilespmem:s11+$0x0] =	vst v36  }
0x137: {  	v36 =	vld.idx.msk [tilespmem:v60+s15+$0x0], $0xffff  }
0x138: {  	v42 =	vld.idx.msk [tilespmem:v61+s15+$0x0], $0xffff  }
0x139: {  	v37 =	vld.idx.msk [tilespmem:v62+s16+$0x0], $0xffff  }
0x13a: {  	v43 =	vld.idx.msk [tilespmem:v63+s16+$0x0], $0xffff;
	_ =	sdelay $0x4  }
0x13b: {  	v36 =	vmul.f32 v37, v36;
	v44 =	vmul.f32 v43, v42  }
0x13c: {  	s29 =	sand.u32 $0x7F, s12  }
0x13d: {  	v45 =	vor.u32 s29, v4;
	s30 =	rddreg [dreg:$0x18];
	v36 =	vmul.f32 v36, v33;
	v37 =	vmul.f32 v44, v34  }
0x13e: {  	v46 =	vor.u32 s29, v5;
	s1 =	sand.u32 $0x7F, s30  }
0x13f: {  	v47 =	vor.u32 s1, v4;
	v36 =	vadd.f32 v37, v36  }
0x140: {  	v48 =	vor.u32 s1, v5  }
0x141: {  	[tilespmem:s11+$0x10] =	vst v36  }
0x142: {  	v36 =	vld.idx.msk [tilespmem:v45+s15+$0x0], $0xffff  }
0x143: {  	v49 =	vld.idx.msk [tilespmem:v46+s15+$0x0], $0xffff  }
0x144: {  	v37 =	vld.idx.msk [tilespmem:v47+s16+$0x0], $0xffff  }
0x145: {  	v50 =	vld.idx.msk [tilespmem:v48+s16+$0x0], $0xffff;
	_ =	sdelay $0x4  }
0x146: {  	v36 =	vmul.f32 v37, v36;
	v51 =	vmul.f32 v50, v49  }
0x147: {  	s5 =	sand.u32 $0x7F, s17  }
0x148: {  	v52 =	vor.u32 s5, v6;
	v36 =	vmul.f32 v36, v33;
	v37 =	vmul.f32 v51, v34  }
0x149: {  	v53 =	vor.u32 s5, v7;
	s12 =	sand.u32 $0x7F, s6  }
0x14a: {  	v54 =	vor.u32 s12, v6;
	v36 =	vadd.f32 v37, v36  }
0x14b: {  	v55 =	vor.u32 s12, v7  }
0x14c: {  	[tilespmem:s11+$0x20] =	vst v36  }
0x14d: {  	v36 =	vld.idx.msk [tilespmem:v52+s15+$0x0], $0xffff  }
0x14e: {  	v56 =	vld.idx.msk [tilespmem:v53+s15+$0x0], $0xffff  }
0x14f: {  	v37 =	vld.idx.msk [tilespmem:v54+s16+$0x0], $0xffff  }
0x150: {  	v57 =	vld.idx.msk [tilespmem:v55+s16+$0x0], $0xffff;
	_ =	sdelay $0x4  }
0x151: {  	v36 =	vmul.f32 v37, v36;
	v58 =	vmul.f32 v57, v56;
	_ =	sdelay $0x1  }
0x152: {  	v36 =	vmul.f32 v36, v33;
	v37 =	vmul.f32 v58, v34;
	_ =	sdelay $0x1  }
0x153: {  	v36 =	vadd.f32 v37, v36;
	_ =	sdelay $0x1  }
0x154: {  	[tilespmem:s11+$0x30] =	vst v36  }
0x155: {  	_ =	swait.ge [sflag:s4], $0x1000  }
0x156: {  	[sflag:s4] =	ssyncset.done $0x0  }
0x157: {  	[sflag:s4] =	ssyncadd.s32 $0xFFFFF000  }
0x158: {  	_ =	swait.ge [sflag:s4], $0x1000  }
0x159: {  	[sflag:s4] =	ssyncset.done $0x0  }
0x15a: {  	[sflag:s4] =	ssyncadd.s32 $0xFFFFF000  }
0x15b: {  	_ =	swait.ge [sflag:s4], $0x1000  }
0x15c: {  	[sflag:s4] =	ssyncset.done $0x0  }
0x15d: {  	[sflag:s4] =	ssyncadd.s32 $0xFFFFF000  }
0x15e: {  	_ =	swait.ge [sflag:s4], $0x1000  }
0x15f: {  	[sflag:s4] =	ssyncset.done $0x0  }
0x160: {  	[sflag:s4] =	ssyncadd.s32 $0xFFFFF000  }
0x161: {  	_ =	swait.ge [sflag:s4], $0x1000  }
0x162: {  	[sflag:s4] =	ssyncset.done $0x0  }
0x163: {  	[sflag:s4] =	ssyncadd.s32 $0xFFFFF000  }
0x164: {  	_ =	swait.ge [sflag:s4], $0x1000  }
0x165: {  	[sflag:s4] =	ssyncset.done $0x0  }
0x166: {  	[sflag:s4] =	ssyncadd.s32 $0xFFFFF000  }
0x167: {  	s17 =	sand.u32 $0x7F, s13;
	_ =	swait.ge [sflag:s4], $0x1000  }
0x168: {  	v59 =	vor.u32 s17, v8;
	[sflag:s4] =	ssyncset.done $0x0  }
0x169: {  	s22 =	sand.u32 $0x7F, s25;
	v60 =	vor.u32 s17, v9;
	[sflag:s4] =	ssyncadd.s32 $0xFFFFF000  }
0x16a: {  	v61 =	vor.u32 s22, v8;
	_ =	swait.ge [sflag:s4], $0x1000  }
0x16b: {  	v62 =	vor.u32 s22, v9;
	[sflag:s4] =	ssyncset.done $0x0  }
0x16c: {  	[sflag:s4] =	ssyncadd.s32 $0xFFFFF000  }
0x16d: {  	v36 =	vld.idx.msk [tilespmem:v59+s15+$0x0], $0xffff  }
0x16e: {  	v37 =	vld.idx.msk [tilespmem:v60+s15+$0x0], $0xffff  }
0x16f: {  	v38 =	vld.idx.msk [tilespmem:v61+s16+$0x0], $0xffff  }
0x170: {  	v39 =	vld.idx.msk [tilespmem:v62+s16+$0x0], $0xffff;
	_ =	sdelay $0x4  }
0x171: {  	v36 =	vmul.f32 v38, v36;
	v37 =	vmul.f32 v39, v37  }
0x172: {  	s23 =	sand.u32 $0x7F, s10  }
0x173: {  	v63 =	vor.u32 s23, v10;
	v36 =	vmul.f32 v36, v33;
	v37 =	vmul.f32 v37, v34  }
0x174: {  	s24 =	sand.u32 $0x7F, s20;
	v44 =	vor.u32 s23, v11  }
0x175: {  	v45 =	vor.u32 s24, v10;
	v36 =	vadd.f32 v37, v36  }
0x176: {  	v46 =	vor.u32 s24, v11  }
0x177: {  	[tilespmem:s11+$0x40] =	vst v36  }
0x178: {  	v36 =	vld.idx.msk [tilespmem:v63+s15+$0x0], $0xffff  }
0x179: {  	v47 =	vld.idx.msk [tilespmem:v44+s15+$0x0], $0xffff  }
0x17a: {  	v37 =	vld.idx.msk [tilespmem:v45+s16+$0x0], $0xffff  }
0x17b: {  	v48 =	vld.idx.msk [tilespmem:v46+s16+$0x0], $0xffff;
	_ =	sdelay $0x4  }
0x17c: {  	v36 =	vmul.f32 v37, v36;
	v49 =	vmul.f32 v48, v47  }
0x17d: {  	s25 =	sand.u32 $0x7F, s9  }
0x17e: {  	v50 =	vor.u32 s25, v12;
	v36 =	vmul.f32 v36, v33;
	v37 =	vmul.f32 v49, v34  }
0x17f: {  	s26 =	sand.u32 $0x7F, s19;
	v51 =	vor.u32 s25, v13  }
0x180: {  	v52 =	vor.u32 s26, v12;
	v36 =	vadd.f32 v37, v36  }
0x181: {  	v53 =	vor.u32 s26, v13  }
0x182: {  	[tilespmem:s11+$0x50] =	vst v36  }
0x183: {  	v36 =	vld.idx.msk [tilespmem:v50+s15+$0x0], $0xffff  }
0x184: {  	v54 =	vld.idx.msk [tilespmem:v51+s15+$0x0], $0xffff  }
0x185: {  	v37 =	vld.idx.msk [tilespmem:v52+s16+$0x0], $0xffff  }
0x186: {  	v55 =	vld.idx.msk [tilespmem:v53+s16+$0x0], $0xffff;
	_ =	sdelay $0x4  }
0x187: {  	v36 =	vmul.f32 v37, v36;
	v56 =	vmul.f32 v55, v54  }
0x188: {  	s29 =	sand.u32 $0x7F, s2  }
0x189: {  	v57 =	vor.u32 s29, v15;
	v36 =	vmul.f32 v36, v33;
	v37 =	vmul.f32 v56, v34  }
0x18a: {  	s30 =	sand.u32 $0x7F, s18;
	v58 =	vor.u32 s29, v16  }
0x18b: {  	v59 =	vor.u32 s30, v15;
	v36 =	vadd.f32 v37, v36  }
0x18c: {  	v60 =	vor.u32 s30, v16  }
0x18d: {  	[tilespmem:s11+$0x60] =	vst v36  }
0x18e: {  	v36 =	vld.idx.msk [tilespmem:v57+s15+$0x0], $0xffff  }
0x18f: {  	v61 =	vld.idx.msk [tilespmem:v58+s15+$0x0], $0xffff  }
0x190: {  	v37 =	vld.idx.msk [tilespmem:v59+s16+$0x0], $0xffff  }
0x191: {  	v62 =	vld.idx.msk [tilespmem:v60+s16+$0x0], $0xffff;
	_ =	sdelay $0x4  }
0x192: {  	v36 =	vmul.f32 v37, v36;
	v63 =	vmul.f32 v62, v61  }
0x193: {  	p0 =	seq.s32 s28, $0x7C0  }
.Ltmp0:
0x194: {  	v36 =	vmul.f32 v36, v33;
	v37 =	vmul.f32 v63, v34;
	(pc) =	sbr.rel @!p0 .LBB2_2-.Ltmp0, $3  }
0x195: {  	_ = 	snop  }
0x196: {  	v36 =	vadd.f32 v37, v36;
	_ =	sdelay $0x1  }
0x197: {  	s28 =	sadd.s32 $0x40, s28;
	[tilespmem:s11+$0x70] =	vst v36;
	s11 =	sadd.s32 $0x100, s11  }
0x198: {  	s1 =	simm.s32 $0x0  }
0x199: {  	v34 =	vor.u32 s1, v14  }
0x19a: {  	v34 =	vand.u32 v17, v34;
	_ =	sdelay $0x1  }
0x19b: {  	v53 =	vor.u32 s1, v18;
	_ =	sdelay $0x1  }
0x19c: {  	v36 =	vor.u32 s1, v19  }
0x19d: {  	v34 =	vld.idx.msk [tilespmem:v34+s3+$0x0], $0xffff  }
0x19e: {  	v37 =	vor.u32 s1, v20  }
0x19f: {  	v33 =	vbroadcast v35, $0x0;
	v35 =	vld.idx.msk [tilespmem:v53+s3+$0x0], $0xffff  }
0x1a0: {  	v38 =	vor.u32 s1, v21  }
0x1a1: {  	v36 =	vld.idx.msk [tilespmem:v36+s3+$0x0], $0xffff  }
0x1a2: {  	v39 =	vor.u32 s1, v22;
	v34 =	vadd.f32 $0.0e+00, v34  }
0x1a3: {  	v37 =	vld.idx.msk [tilespmem:v37+s3+$0x0], $0xffff  }
0x1a4: {  	v40 =	vor.u32 s1, v23;
	v34 =	vadd.f32 v35, v34  }
0x1a5: {  	v54 =	vld.idx.msk [tilespmem:v38+s3+$0x0], $0xffff  }
0x1a6: {  	v55 =	vor.u32 s1, v24;
	v34 =	vadd.f32 v36, v34  }
0x1a7: {  	v56 =	vld.idx.msk [tilespmem:v39+s3+$0x0], $0xffff  }
0x1a8: {  	v57 =	vor.u32 s1, v25;
	v34 =	vadd.f32 v37, v34  }
0x1a9: {  	v58 =	vld.idx.msk [tilespmem:v40+s3+$0x0], $0xffff  }
0x1aa: {  	v59 =	vor.u32 s1, v26;
	v34 =	vadd.f32 v54, v34  }
0x1ab: {  	v60 =	vld.idx.msk [tilespmem:v55+s3+$0x0], $0xffff  }
0x1ac: {  	v61 =	vor.u32 s1, v27;
	v34 =	vadd.f32 v56, v34  }
0x1ad: {  	v62 =	vld.idx.msk [tilespmem:v57+s3+$0x0], $0xffff  }
0x1ae: {  	v63 =	vor.u32 s1, v28;
	v34 =	vadd.f32 v58, v34  }
0x1af: {  	v44 =	vld.idx.msk [tilespmem:v59+s3+$0x0], $0xffff  }
0x1b0: {  	v45 =	vor.u32 s1, v29;
	v34 =	vadd.f32 v60, v34  }
0x1b1: {  	v46 =	vld.idx.msk [tilespmem:v61+s3+$0x0], $0xffff  }
0x1b2: {  	v47 =	vor.u32 s1, v30;
	v34 =	vadd.f32 v62, v34  }
0x1b3: {  	v48 =	vld.idx.msk [tilespmem:v63+s3+$0x0], $0xffff  }
0x1b4: {  	v49 =	vor.u32 s1, v31;
	v34 =	vadd.f32 v44, v34  }
0x1b5: {  	v50 =	vld.idx.msk [tilespmem:v45+s3+$0x0], $0xffff  }
0x1b6: {  	v51 =	vor.u32 s1, v32;
	v34 =	vadd.f32 v46, v34  }
0x1b7: {  	v52 =	vld.idx.msk [tilespmem:v47+s3+$0x0], $0xffff  }
0x1b8: {  	v34 =	vadd.f32 v48, v34  }
0x1b9: {  	v53 =	vld.idx.msk [tilespmem:v49+s3+$0x0], $0xffff  }
0x1ba: {  	v34 =	vadd.f32 v50, v34  }
0x1bb: {  	v54 =	vld.idx.msk [tilespmem:v51+s3+$0x0], $0xffff  }
0x1bc: {  	v34 =	vadd.f32 v52, v34;
	_ =	sdelay $0x1  }
0x1bd: {  	v34 =	vadd.f32 v53, v34;
	_ =	sdelay $0x1  }
0x1be: {  	v34 =	vadd.f32 v54, v34;
	_ =	sdelay $0x1  }
0x1bf: {  	v34 =	vadd.f32 v34, v33;
	_ =	sdelay $0x1  }
0x1c0: {  	v34 =	vsub.f32 $0.0e+00, v34;
	_ =	sdelay $0x1  }
0x1c1: {  	v34 =	vmul.f32 $1.442695020e+00, v34;
	_ =	sdelay $0x1  }
0x1c2: {  	(erf) = vpow2.f32 v34;
	_ =	sdelay $0x8  }
0x1c3: {  	v34 =	vpop (erf)  }
0x1c4: {  	v34 =	vadd.f32 $1.000000000e+00, v34;
	_ =	sdelay $0x1  }
0x1c5: {  	(erf) = vrcp.f32 v34;
	_ =	sdelay $0x3  }
0x1c6: {  	s30 =	simm.s32 $0x100  }
0x1c7: {  	v55 =	vor.u32 s30, v14  }
0x1c8: {  	v34 =	vand.u32 v17, v55;
	_ =	sdelay $0x1  }
0x1c9: {  	v56 =	vor.u32 s30, v18  }
0x1ca: {  	s5 =	simm.s32 $0x12400;
	v57 =	vpop (erf)  }
0x1cb: {  	v58 =	vor.u32 s30, v19;
	[tilespmem:s5+$0x0] =	vst v57  }
0x1cc: {  	v34 =	vld.idx.msk [tilespmem:v34+s3+$0x0], $0xffff  }
0x1cd: {  	v59 =	vor.u32 s30, v20  }
0x1ce: {  	v35 =	vld.idx.msk [tilespmem:v56+s3+$0x0], $0xffff  }
0x1cf: {  	v60 =	vor.u32 s30, v21  }
0x1d0: {  	v37 =	vld.idx.msk [tilespmem:v58+s3+$0x0], $0xffff  }
0x1d1: {  	v61 =	vor.u32 s30, v22;
	v34 =	vadd.f32 $0.0e+00, v34  }
0x1d2: {  	v36 =	vld.idx.msk [tilespmem:v59+s3+$0x0], $0xffff  }
0x1d3: {  	v62 =	vor.u32 s30, v23;
	v34 =	vadd.f32 v35, v34  }
0x1d4: {  	v63 =	vld.idx.msk [tilespmem:v60+s3+$0x0], $0xffff  }
0x1d5: {  	v44 =	vor.u32 s30, v24;
	v34 =	vadd.f32 v37, v34  }
0x1d6: {  	v45 =	vld.idx.msk [tilespmem:v61+s3+$0x0], $0xffff  }
0x1d7: {  	v46 =	vor.u32 s30, v25;
	v34 =	vadd.f32 v36, v34  }
0x1d8: {  	v47 =	vld.idx.msk [tilespmem:v62+s3+$0x0], $0xffff  }
0x1d9: {  	v48 =	vor.u32 s30, v26;
	v34 =	vadd.f32 v63, v34  }
0x1da: {  	v49 =	vld.idx.msk [tilespmem:v44+s3+$0x0], $0xffff  }
0x1db: {  	v50 =	vor.u32 s30, v27;
	v34 =	vadd.f32 v45, v34  }
0x1dc: {  	v51 =	vld.idx.msk [tilespmem:v46+s3+$0x0], $0xffff  }
0x1dd: {  	v52 =	vor.u32 s30, v28;
	v34 =	vadd.f32 v47, v34  }
0x1de: {  	v53 =	vld.idx.msk [tilespmem:v48+s3+$0x0], $0xffff  }
0x1df: {  	v54 =	vor.u32 s30, v29;
	v34 =	vadd.f32 v49, v34  }
0x1e0: {  	v55 =	vld.idx.msk [tilespmem:v50+s3+$0x0], $0xffff  }
0x1e1: {  	v56 =	vor.u32 s30, v30;
	v34 =	vadd.f32 v51, v34  }
0x1e2: {  	v57 =	vld.idx.msk [tilespmem:v52+s3+$0x0], $0xffff  }
0x1e3: {  	v58 =	vor.u32 s30, v31;
	v34 =	vadd.f32 v53, v34  }
0x1e4: {  	v59 =	vld.idx.msk [tilespmem:v54+s3+$0x0], $0xffff  }
0x1e5: {  	v60 =	vor.u32 s30, v32;
	v34 =	vadd.f32 v55, v34  }
0x1e6: {  	v61 =	vld.idx.msk [tilespmem:v56+s3+$0x0], $0xffff  }
0x1e7: {  	v34 =	vadd.f32 v57, v34  }
0x1e8: {  	v62 =	vld.idx.msk [tilespmem:v58+s3+$0x0], $0xffff  }
0x1e9: {  	v34 =	vadd.f32 v59, v34  }
0x1ea: {  	v63 =	vld.idx.msk [tilespmem:v60+s3+$0x0], $0xffff  }
0x1eb: {  	v34 =	vadd.f32 v61, v34;
	_ =	sdelay $0x1  }
0x1ec: {  	v34 =	vadd.f32 v62, v34;
	_ =	sdelay $0x1  }
0x1ed: {  	v34 =	vadd.f32 v63, v34;
	_ =	sdelay $0x1  }
0x1ee: {  	v34 =	vadd.f32 v34, v33;
	_ =	sdelay $0x1  }
0x1ef: {  	v34 =	vsub.f32 $0.0e+00, v34;
	_ =	sdelay $0x1  }
0x1f0: {  	v34 =	vmul.f32 $1.442695020e+00, v34;
	_ =	sdelay $0x1  }
0x1f1: {  	(erf) = vpow2.f32 v34;
	_ =	sdelay $0x8  }
0x1f2: {  	v34 =	vpop (erf)  }
0x1f3: {  	v34 =	vadd.f32 $1.000000000e+00, v34;
	_ =	sdelay $0x1  }
0x1f4: {  	(erf) = vrcp.f32 v34;
	_ =	sdelay $0x3  }
0x1f5: {  	s1 =	simm.s32 $0x200  }
0x1f6: {  	s6 =	simm.s32 $0x300;
	s9 =	simm.s32 $0x0;
	v34 =	vor.u32 s1, v14  }
.LBB2_4:
0x1f7: {  	p0 =	sne.s32 s6, $0x1F00;
	v34 =	vand.u32 v17, v34;
	_ =	sdelay $0x1  }
0x1f8: {  	v35 =	vor.u32 s1, v18  }
0x1f9: {  	s5 =	sadd.s32 $0x10, s5;
	v36 =	vpop (erf)  }
0x1fa: {  	v37 =	vor.u32 s1, v19;
	[tilespmem:s5+$0x0] =	vst v36  }
0x1fb: {  	v34 =	vld.idx.msk [tilespmem:v34+s3+$0x0], $0xffff  }
0x1fc: {  	v36 =	vor.u32 s1, v20  }
0x1fd: {  	v35 =	vld.idx.msk [tilespmem:v35+s3+$0x0], $0xffff  }
0x1fe: {  	v38 =	vor.u32 s1, v21  }
0x1ff: {  	v37 =	vld.idx.msk [tilespmem:v37+s3+$0x0], $0xffff  }
0x200: {  	v39 =	vor.u32 s1, v22  }
0x201: {  	v34 =	vadd.f32 $0.0e+00, v34;
	v36 =	vld.idx.msk [tilespmem:v36+s3+$0x0], $0xffff  }
0x202: {  	v40 =	vor.u32 s1, v23  }
0x203: {  	v34 =	vadd.f32 v35, v34;
	v35 =	vld.idx.msk [tilespmem:v38+s3+$0x0], $0xffff  }
0x204: {  	v38 =	vor.u32 s1, v24  }
0x205: {  	v34 =	vadd.f32 v37, v34;
	v37 =	vld.idx.msk [tilespmem:v39+s3+$0x0], $0xffff  }
0x206: {  	v39 =	vor.u32 s1, v25  }
0x207: {  	v34 =	vadd.f32 v36, v34;
	v36 =	vld.idx.msk [tilespmem:v40+s3+$0x0], $0xffff  }
0x208: {  	v40 =	vor.u32 s1, v26  }
0x209: {  	v34 =	vadd.f32 v35, v34;
	v35 =	vld.idx.msk [tilespmem:v38+s3+$0x0], $0xffff  }
0x20a: {  	v38 =	vor.u32 s1, v27  }
0x20b: {  	v34 =	vadd.f32 v37, v34;
	v37 =	vld.idx.msk [tilespmem:v39+s3+$0x0], $0xffff  }
0x20c: {  	v39 =	vor.u32 s1, v28  }
0x20d: {  	v34 =	vadd.f32 v36, v34;
	v36 =	vld.idx.msk [tilespmem:v40+s3+$0x0], $0xffff  }
0x20e: {  	v40 =	vor.u32 s1, v29  }
0x20f: {  	v34 =	vadd.f32 v35, v34;
	v35 =	vld.idx.msk [tilespmem:v38+s3+$0x0], $0xffff  }
0x210: {  	v38 =	vor.u32 s1, v30  }
0x211: {  	v34 =	vadd.f32 v37, v34;
	v37 =	vld.idx.msk [tilespmem:v39+s3+$0x0], $0xffff  }
0x212: {  	v39 =	vor.u32 s1, v31  }
0x213: {  	v34 =	vadd.f32 v36, v34;
	v36 =	vld.idx.msk [tilespmem:v40+s3+$0x0], $0xffff  }
0x214: {  	v40 =	vor.u32 s1, v32;
	s1 =	smov.u32 s6  }
0x215: {  	v34 =	vadd.f32 v35, v34;
	v35 =	vld.idx.msk [tilespmem:v38+s3+$0x0], $0xffff;
	_ =	sdelay $0x1  }
0x216: {  	v34 =	vadd.f32 v37, v34;
	v37 =	vld.idx.msk [tilespmem:v39+s3+$0x0], $0xffff;
	_ =	sdelay $0x1  }
0x217: {  	v34 =	vadd.f32 v36, v34;
	v36 =	vld.idx.msk [tilespmem:v40+s3+$0x0], $0xffff;
	_ =	sdelay $0x1  }
0x218: {  	v34 =	vadd.f32 v35, v34;
	_ =	sdelay $0x1  }
0x219: {  	v34 =	vadd.f32 v37, v34;
	_ =	sdelay $0x1  }
0x21a: {  	v34 =	vadd.f32 v36, v34;
	_ =	sdelay $0x1  }
0x21b: {  	v34 =	vadd.f32 v34, v33;
	_ =	sdelay $0x1  }
0x21c: {  	v34 =	vsub.f32 $0.0e+00, v34;
	_ =	sdelay $0x1  }
0x21d: {  	v34 =	vmul.f32 $1.442695020e+00, v34;
	_ =	sdelay $0x1  }
0x21e: {  	(erf) = vpow2.f32 v34;
	_ =	sdelay $0x8  }
0x21f: {  	v34 =	vpop (erf)  }
0x220: {  	v34 =	vadd.f32 $1.000000000e+00, v34;
	_ =	sdelay $0x1  }
0x221: {  	(erf) = vrcp.f32 v34  }
.Ltmp1:
0x222: {  	(pc) =	sbr.rel @p0 .LBB2_4-.Ltmp1, $2  }
0x223: {  	_ =	sdelay $0x2  }
0x224: {  	s6 =	sadd.s32 $0x100, s6;
	v34 =	vor.u32 s1, v14  }
0x225: {  	v34 =	vand.u32 v17, v34;
	_ =	sdelay $0x1  }
0x226: {  	v35 =	vor.u32 s1, v18  }
0x227: {  	s2 =	sadd.s32 $0x10, s5;
	v36 =	vpop (erf)  }
0x228: {  	v37 =	vor.u32 s1, v19;
	[tilespmem:s2+$0x0] =	vst v36  }
0x229: {  	v34 =	vld.idx.msk [tilespmem:v34+s3+$0x0], $0xffff  }
0x22a: {  	v62 =	vor.u32 s1, v20  }
0x22b: {  	v35 =	vld.idx.msk [tilespmem:v35+s3+$0x0], $0xffff  }
0x22c: {  	v38 =	vor.u32 s1, v21  }
0x22d: {  	v37 =	vld.idx.msk [tilespmem:v37+s3+$0x0], $0xffff  }
0x22e: {  	v39 =	vor.u32 s1, v22;
	v34 =	vadd.f32 $0.0e+00, v34  }
0x22f: {  	v36 =	vld.idx.msk [tilespmem:v62+s3+$0x0], $0xffff  }
0x230: {  	v40 =	vor.u32 s1, v23;
	v34 =	vadd.f32 v35, v34  }
0x231: {  	v63 =	vld.idx.msk [tilespmem:v38+s3+$0x0], $0xffff  }
0x232: {  	v44 =	vor.u32 s1, v24;
	v34 =	vadd.f32 v37, v34  }
0x233: {  	v45 =	vld.idx.msk [tilespmem:v39+s3+$0x0], $0xffff  }
0x234: {  	v46 =	vor.u32 s1, v25;
	v34 =	vadd.f32 v36, v34  }
0x235: {  	v47 =	vld.idx.msk [tilespmem:v40+s3+$0x0], $0xffff  }
0x236: {  	v48 =	vor.u32 s1, v26;
	v34 =	vadd.f32 v63, v34  }
0x237: {  	v49 =	vld.idx.msk [tilespmem:v44+s3+$0x0], $0xffff  }
0x238: {  	v50 =	vor.u32 s1, v27;
	v34 =	vadd.f32 v45, v34  }
0x239: {  	v51 =	vld.idx.msk [tilespmem:v46+s3+$0x0], $0xffff  }
0x23a: {  	v52 =	vor.u32 s1, v28;
	v34 =	vadd.f32 v47, v34  }
0x23b: {  	v53 =	vld.idx.msk [tilespmem:v48+s3+$0x0], $0xffff  }
0x23c: {  	v54 =	vor.u32 s1, v29;
	v34 =	vadd.f32 v49, v34  }
0x23d: {  	v55 =	vld.idx.msk [tilespmem:v50+s3+$0x0], $0xffff  }
0x23e: {  	v56 =	vor.u32 s1, v30;
	v34 =	vadd.f32 v51, v34  }
0x23f: {  	v57 =	vld.idx.msk [tilespmem:v52+s3+$0x0], $0xffff  }
0x240: {  	v58 =	vor.u32 s1, v31;
	v34 =	vadd.f32 v53, v34  }
0x241: {  	v59 =	vld.idx.msk [tilespmem:v54+s3+$0x0], $0xffff  }
0x242: {  	v60 =	vor.u32 s1, v32;
	v34 =	vadd.f32 v55, v34  }
0x243: {  	v61 =	vld.idx.msk [tilespmem:v56+s3+$0x0], $0xffff  }
0x244: {  	v34 =	vadd.f32 v57, v34  }
0x245: {  	v62 =	vld.idx.msk [tilespmem:v58+s3+$0x0], $0xffff  }
0x246: {  	v34 =	vadd.f32 v59, v34  }
0x247: {  	v63 =	vld.idx.msk [tilespmem:v60+s3+$0x0], $0xffff  }
0x248: {  	v34 =	vadd.f32 v61, v34;
	_ =	sdelay $0x1  }
0x249: {  	v34 =	vadd.f32 v62, v34;
	_ =	sdelay $0x1  }
0x24a: {  	v34 =	vadd.f32 v63, v34;
	_ =	sdelay $0x1  }
0x24b: {  	v33 =	vadd.f32 v34, v33;
	_ =	sdelay $0x1  }
0x24c: {  	v33 =	vsub.f32 $0.0e+00, v33;
	_ =	sdelay $0x1  }
0x24d: {  	v33 =	vmul.f32 $1.442695020e+00, v33;
	_ =	sdelay $0x1  }
0x24e: {  	(erf) = vpow2.f32 v33;
	_ =	sdelay $0x8  }
0x24f: {  	v33 =	vpop (erf)  }
0x250: {  	v33 =	vadd.f32 $1.000000000e+00, v33;
	_ =	sdelay $0x1  }
0x251: {  	(erf) = vrcp.f32 v33;
	_ =	sdelay $0x8  }
0x252: {  	s25 =	sadd.s32 $0x10, s2;
	v33 =	vpop (erf)  }
0x253: {  	s26 =	rddreg [dreg:$0x9];
	s28 =	simm.s32 $0x12400;
	s2 =	simm.s32 $0x4;
	[tilespmem:s25+$0x0] =	vst v33  }
0x254: {  	[hbm4b:s26+s9] =	stream.linear.scatter [tilespmem:s28], [sflag:$0x4], $0x200, $0x38;
	[tilespmem:$0x12680] =	vst v63  }
0x255: {  	_ =	swait.ge [sflag:s2], $0x200  }
0x256: {  	s29 =	rddreg [dreg:$0xb]  }
0x257: {  	s30 =	rddreg [dreg:$0xa];
	s5 =	sadd.s32 $0x1, s29  }
0x258: {  	p0 =	sne.s32 s5, s30  }
.Ltmp2:
0x259: {  	_ = 	snop;
	(pc) =	sbr.rel @p0 .LBB2_1-.Ltmp2, $3  }
0x25a: {  	_ =	sdelay $0x1  }
0x25b: {  	[sflag:s2] =	ssyncset.done $0x0  }
0x25c: {  	[sflag:s2] =	ssyncadd.s32 $0xFFFFFE00  }
0x25d: {  	_ =	sfence.sel $0x180000  }
0x25e: {  	[bflag:$0x0] =	sbarrier.arrive $0xFFFF  }
0x25f: {  	_ =	strace $0x90000047  }
0x260: {  	s0 =	stileid.u32;
	[bflag:$0x2] =	sbarrier.arrive $0xFFFF  }
0x261: {  	p0 =	sne.s32 s0, $0x0;
	s0 =	rddreg [dreg:$0x6]  }
0x262: {  	s0 =	sadd.s32 @!p0 $0x100000, s0  }
0x263: {  	[sflag:s0] =	ssyncadd.tile.s32 @!p0 $0x1;
	_ =	shalt  }
.Lfunc_end2:
_tile_overlayer_lowered:
.L_overlay_start_2:
0x264: {  	(tag) =	ssettag $0x2  }
0x265: {  	s0 =	rddreg [dreg:$0x0];
	s2 =	stileid.u32  }
0x266: {  	s1 =	rddreg [dreg:$0x1];
	p0 =	sne.s32 s2, $0x0  }
0x267: {  	s3 =	rddreg [dreg:$0x2];
	[bflag:$0x3] =	sbarrier.arrive $0xFFFF;
	s2 =	simm.s32 @!p0 $0x1C04  }
0x268: {  	[timem:s3], [sflag:s2] =	dma.local @!p0 [hbm:s0], s1  }
0x269: {  	s0 =	simm.s32 @!p0 $0x4  }
0x26a: {  	_ =	swait.ge @!p0 [sflag:s0], s1  }
0x26b: {  	s1 =	ssub.s32 @!p0 $0x0, s1;
	[sflag:s0] =	ssyncset.done @!p0 $0x0  }
0x26c: {  	[sflag:s0] =	ssyncadd.s32 @!p0 s1  }
0x26d: {  	[bflag:$0x3] =	sbarrier.arrive $0xFFFF  }
0x26e: {  	_ =	shalt  }

</sc_bundles>
